<compile_context>
chip_gen: v7x
topology: tpu7x:2x2x1
jax: 0.10.2.dev20260603
libtpu: 0.0.44.dev20260713+nightly
codegen_flags: <defaults>
</compile_context>

<pallas_src>
import dataclasses
import functools

import jax
import jax.numpy as jnp
from jax import lax
from jax.experimental import pallas as pl
from jax.experimental.pallas import tpu as pltpu
from jax.experimental.pallas import tpu_sc as plsc

NC = 2
NS = 16
NW = NC * NS
LANES = 16


def _sc_segment_sums(x, src, dst, w, n, d, chunks):
    k = 80
    epw = chunks * k
    rows_per_tile = n // NS
    nb = n // 128
    slabs = nb // 8
    assert chunks % 2 == 0 and n % (NS * 8) == 0 and n % 1024 == 0
    assert rows_per_tile % k == 0 and slabs <= NS

    mesh = plsc.VectorSubcoreMesh(core_axis_name="c", subcore_axis_name="s")
    cp = pltpu.CompilerParams()
    if "needs_layout_passes" in pltpu.CompilerParams.__dataclass_fields__:
        cp = dataclasses.replace(cp, needs_layout_passes=False)

    idx_set = lambda: [
        pltpu.VMEM((k,), jnp.int32),
        pltpu.VMEM((k,), jnp.int32),
        pltpu.VMEM((k,), jnp.float32),
        pltpu.VMEM((k, d), jnp.float32),
        pltpu.SemaphoreType.DMA,
        pltpu.SemaphoreType.DMA,
        pltpu.SemaphoreType.DMA,
        pltpu.SemaphoreType.DMA,
    ]

    @functools.partial(
        pl.kernel,
        mesh=mesh,
        compiler_params=cp,
        out_type=(
            jax.ShapeDtypeStruct((NC, n, d), jnp.float32),
            jax.ShapeDtypeStruct((NC, nb, 128), jnp.float32),
        ),
        scratch_types=[
            pltpu.VMEM_SHARED((n, d), jnp.float32),
            pltpu.VMEM_SHARED((NS, nb, 128), jnp.float32),
            pltpu.VMEM((nb, 128), jnp.float32),
            pltpu.VMEM((8, 128), jnp.float32),
            pltpu.VMEM((8, 128), jnp.float32),
        ] + idx_set() + idx_set(),
    )
    def sc_kernel(x_hbm, src_hbm, dst_hbm, w_hbm, num_hbm, den_hbm,
                  acc_num, acc_den, den_l, dtmp, dsum,
                  srca, dsta, wa, ra, sia, sida, sga, ssa,
                  srcb, dstb, wb, rb, sib, sidb, sgb, ssb):
        c = lax.axis_index("c")
        s = lax.axis_index("s")
        wid = s * NC + c
        row0 = s * rows_per_tile
        base0 = wid * epw
        zero16 = jnp.zeros((LANES,), jnp.float32)

        @pl.loop(0, k)
        def _(i):
            for f in range(d // LANES):
                ra[i, pl.ds(f * LANES, LANES)] = zero16

        @pl.loop(0, nb)
        def _(i):
            for f in range(128 // LANES):
                den_l[i, pl.ds(f * LANES, LANES)] = zero16

        @pl.loop(0, rows_per_tile // k)
        def _(t):
            pltpu.sync_copy(ra, acc_num.at[pl.ds(row0 + t * k, k)])

        plsc.subcore_barrier()

        def scale_chunk(rows, srcv, dstv, wv):
            @plsc.parallel_loop(0, k, unroll=8)
            def _(i):
                bidx = jnp.broadcast_to(i, (LANES,)).astype(jnp.int32)
                wvec = plsc.load_gather(wv, [bidx])
                for f in range(d // LANES):
                    fs = pl.ds(f * LANES, LANES)
                    rows[i, fs] = rows[i, fs] * wvec

            @pl.loop(0, k // LANES)
            def _(g):
                dvec = dstv[pl.ds(g * LANES, LANES)]
                wvec = wv[pl.ds(g * LANES, LANES)]
                hi = lax.shift_right_logical(dvec, 7)
                lo = lax.bitwise_and(dvec, 127)
                plsc.addupdate_scatter(den_l, [hi, lo], wvec)

        def start_srcw(j, srcv, wv, sem):
            bb = base0 + j * k
            pltpu.make_async_copy(src_hbm.at[pl.ds(bb, k)], srcv, sem).start()
            pltpu.make_async_copy(w_hbm.at[pl.ds(bb, k)], wv, sem).start()

        def wait_srcw(srcv, wv, sem):
            pltpu.make_async_copy(src_hbm.at[pl.ds(0, k)], srcv, sem).wait()
            pltpu.make_async_copy(w_hbm.at[pl.ds(0, k)], wv, sem).wait()

        def start_dst(j, dstv, sem):
            bb = base0 + j * k
            pltpu.make_async_copy(dst_hbm.at[pl.ds(bb, k)], dstv, sem).start()

        def wait_dst(dstv, sem):
            pltpu.make_async_copy(dst_hbm.at[pl.ds(0, k)], dstv, sem).wait()

        start_srcw(0, srca, wa, sia)
        start_dst(0, dsta, sida)
        start_srcw(1, srcb, wb, sib)
        start_dst(1, dstb, sidb)
        wait_srcw(srca, wa, sia)
        pltpu.make_async_copy(x_hbm.at[srca], ra, sga).start()

        nt = chunks // 2

        @pl.loop(0, nt)
        def _(t):
            ja = 2 * t
            jb = 2 * t + 1
            last = nt - 1
            pltpu.make_async_copy(x_hbm.at[srca], ra, sga).wait()

            @pl.when(t > 0)
            def _():
                pltpu.make_async_copy(rb, acc_num.at[dstb], ssb).wait()
                start_dst(jb, dstb, sidb)

            wait_srcw(srcb, wb, sib)
            pltpu.make_async_copy(x_hbm.at[srcb], rb, sgb).start()
            wait_dst(dsta, sida)
            scale_chunk(ra, srca, dsta, wa)

            @pl.when(t < last)
            def _():
                start_srcw(ja + 2, srca, wa, sia)

            pltpu.make_async_copy(ra, acc_num.at[dsta], ssa).start(add=True)

            pltpu.make_async_copy(x_hbm.at[srcb], rb, sgb).wait()
            pltpu.make_async_copy(ra, acc_num.at[dsta], ssa).wait()

            @pl.when(t < last)
            def _():
                start_dst(ja + 2, dsta, sida)
                wait_srcw(srca, wa, sia)
                pltpu.make_async_copy(x_hbm.at[srca], ra, sga).start()

            wait_dst(dstb, sidb)
            scale_chunk(rb, srcb, dstb, wb)

            @pl.when(t < last)
            def _():
                start_srcw(jb + 2, srcb, wb, sib)

            pltpu.make_async_copy(rb, acc_num.at[dstb], ssb).start(add=True)

        pltpu.make_async_copy(rb, acc_num.at[dstb], ssb).wait()

        pltpu.sync_copy(den_l, acc_den.at[s])
        plsc.subcore_barrier()

        @pl.loop(0, rows_per_tile // k)
        def _(t):
            r0 = row0 + t * k
            pltpu.sync_copy(acc_num.at[pl.ds(r0, k)], ra)
            pltpu.sync_copy(ra, num_hbm.at[c, pl.ds(r0, k)])

        @pl.when(s < slabs)
        def _():
            b0 = s * 8

            @pl.loop(0, 8)
            def _(i):
                for f in range(128 // LANES):
                    dsum[i, pl.ds(f * LANES, LANES)] = zero16

            @pl.loop(0, NS)
            def _(p):
                pltpu.sync_copy(acc_den.at[p, pl.ds(b0, 8)], dtmp)

                @pl.loop(0, 8)
                def _(i):
                    for f in range(128 // LANES):
                        sl = (i, pl.ds(f * LANES, LANES))
                        dsum[sl] = dsum[sl] + dtmp[sl]

            pltpu.sync_copy(dsum, den_hbm.at[c, pl.ds(b0, 8)])

    return sc_kernel(x, src, dst, w)


def _tc_combine(num_part, den_part, W, b2, n, d, units):
    blk = 1024
    grid = (n // blk,)

    def body(num_ref, den_ref, w_ref, b_ref, out_ref):
        num = num_ref[0] + num_ref[1]
        den = den_ref[0] + den_ref[1]
        agg = jnp.where(den > 0, num / jnp.maximum(den, 1e-12), 0.0)
        acc = jnp.dot(agg, w_ref[...], preferred_element_type=jnp.float32)
        out_ref[...] = jnp.maximum(acc + b_ref[...], 0.0)

    return pl.pallas_call(
        body,
        grid=grid,
        in_specs=[
            pl.BlockSpec((NC, blk, d), lambda i: (0, i, 0)),
            pl.BlockSpec((NC, blk, 1), lambda i: (0, i, 0)),
            pl.BlockSpec((d, units), lambda i: (0, 0)),
            pl.BlockSpec((1, units), lambda i: (0, 0)),
        ],
        out_specs=pl.BlockSpec((blk, units), lambda i: (i, 0)),
        out_shape=jax.ShapeDtypeStruct((n, units), jnp.float32),
    )(num_part, den_part, W, b2)


def kernel(x, edge_index, edge_weight, W, b):
    n, d = x.shape
    e = edge_index.shape[1]
    units = W.shape[1]
    dst = edge_index[0].astype(jnp.int32)
    src = edge_index[1].astype(jnp.int32)
    w = edge_weight.astype(jnp.float32)
    k = 80
    epw = -(-e // (NW * 2 * k)) * 2 * k
    e_pad = NW * epw
    src2 = jnp.pad(src, (0, e_pad - e))
    dst2 = jnp.pad(dst, (0, e_pad - e))
    w2 = jnp.pad(w, (0, e_pad - e))
    n_pad = ((n + 8 * NS - 1) // (8 * NS)) * (8 * NS)
    n_pad = ((n_pad + 1023) // 1024) * 1024
    num_part, den_blk = _sc_segment_sums(x, src2, dst2, w2, n_pad, d, epw // k)
    den_part = den_blk.reshape(NC, n_pad, 1)
    out = _tc_combine(num_part, den_part, W, b.reshape(1, units), n_pad, d,
                      units)
    return out[:n]

# --- scband reference (transcript-rebuilt; emitter-appended) ---
"""Pipeline reference for scband-graph-convolution-22204980920810 (READ-ONLY COPY).

The authoritative reference and input builder live on the scoring server;
editing this copy changes nothing except your own understanding.
"""

import jax, jax.numpy as jnp
import numpy as np

N = 10000
E = 320000
D = 128
UNITS = 128

def setup_inputs(seed: int = 0) -> dict:
    key = jax.random.key(seed)
    k1, k2, k3, k4 = jax.random.split(key, 4)
    x = jax.random.normal(k1, (N, D), dtype=jnp.float32)
    edge_index = jax.random.randint(k2, (2, E), 0, N)
    # adjacency values (edge weights); positive so mean-combiner denominator is well-defined
    edge_weight = jax.random.uniform(k3, (E,), dtype=jnp.float32)
    # Dense layer params (units=128, input dim=D)
    W = jax.random.normal(k4, (D, UNITS), dtype=jnp.float32) * (1.0 / np.sqrt(D))
    b = jnp.zeros((UNITS,), dtype=jnp.float32)
    return {"x": x, "edge_index": edge_index, "edge_weight": edge_weight, "W": W, "b": b}

def reference(x, edge_index, edge_weight, W, b):
    # Faithful translation of GraphConvolution.call at inference time
    # (Dropout is identity in inference mode).
    # embedding_lookup_sparse_v2(params=x, sp_ids=col indices, sp_weights=adjacency values,
    # combiner='mean'): per row i, out[i] = sum_j w_ij * x[col_j] / sum_j w_ij
    dst = edge_index[0]  # adjacency.indices[:, 0] -> segment (row) ids
    src = edge_index[1]  # adjacency.indices[:, 1] -> gathered feature rows
    msg = jnp.take(x, src, axis=0) * edge_weight[:, None]
    num = jax.ops.segment_sum(msg, dst, num_segments=N)
    den = jax.ops.segment_sum(edge_weight, dst, num_segments=N)
    agg = jnp.where(den[:, None] > 0, num / jnp.maximum(den, 1e-12)[:, None], 0.0)
    # Dense(units, activation='relu')
    return jax.nn.relu(agg @ W + b)

if __name__ == "__main__":
    import jax
    _d = setup_inputs()
    print(jax.jit(kernel)(*tuple(_d.values())))

</pallas_src>

<mosaic_0001>
#map = affine_map<(d0, d1) -> (0, 0)>
#map1 = affine_map<(d0, d1) -> (0)>
#map2 = affine_map<(d0, d1) -> (0, 0, 0)>
module attributes {stable_mosaic.version = 14 : i64} {
  func.func @sc_kernel(%arg0: i32, %arg1: i32, %arg2: memref<10000x128xf32, #tpu.memory_space<hbm>>, %arg3: memref<322560xi32, #tpu.memory_space<hbm>>, %arg4: memref<322560xi32, #tpu.memory_space<hbm>>, %arg5: memref<322560xf32, #tpu.memory_space<hbm>>, %arg6: memref<2x10240x128xf32, #tpu.memory_space<hbm>>, %arg7: memref<2x80x128xf32, #tpu.memory_space<hbm>>, %arg8: memref<10240x128xf32, #tpu.memory_space<vmem_shared>>, %arg9: memref<16x80x128xf32, #tpu.memory_space<vmem_shared>>, %arg10: memref<80x128xf32, #tpu.memory_space<vmem>>, %arg11: memref<8x128xf32, #tpu.memory_space<vmem>>, %arg12: memref<8x128xf32, #tpu.memory_space<vmem>>, %arg13: memref<80xi32, #tpu.memory_space<vmem>>, %arg14: memref<80xi32, #tpu.memory_space<vmem>>, %arg15: memref<80xf32, #tpu.memory_space<vmem>>, %arg16: memref<80x128xf32, #tpu.memory_space<vmem>>, %arg17: memref<!tpu.dma_semaphore, #tpu.memory_space<semaphore_mem>>, %arg18: memref<!tpu.dma_semaphore, #tpu.memory_space<semaphore_mem>>, %arg19: memref<!tpu.dma_semaphore, #tpu.memory_space<semaphore_mem>>, %arg20: memref<!tpu.dma_semaphore, #tpu.memory_space<semaphore_mem>>, %arg21: memref<80xi32, #tpu.memory_space<vmem>>, %arg22: memref<80xi32, #tpu.memory_space<vmem>>, %arg23: memref<80xf32, #tpu.memory_space<vmem>>, %arg24: memref<80x128xf32, #tpu.memory_space<vmem>>, %arg25: memref<!tpu.dma_semaphore, #tpu.memory_space<semaphore_mem>>, %arg26: memref<!tpu.dma_semaphore, #tpu.memory_space<semaphore_mem>>, %arg27: memref<!tpu.dma_semaphore, #tpu.memory_space<semaphore_mem>>, %arg28: memref<!tpu.dma_semaphore, #tpu.memory_space<semaphore_mem>>) attributes {dimension_semantics = [#tpu.dimension_semantics<core_parallel>, #tpu.dimension_semantics<subcore_parallel>], iteration_bounds = array<i64: 2, 16>, scalar_prefetch = 0 : i64, scratch_operands = 21 : i64, tpu.core_type = #tpu.core_type<sc_vector_subcore>, window_params = [{transform_indices = #map}, {transform_indices = #map1}, {transform_indices = #map1}, {transform_indices = #map1}, {transform_indices = #map2}, {transform_indices = #map2}]} {
    %mul3A = arith.constant 2 : i32
    %mul3A_0 = arith.muli %arg1, %mul3A : i32
    %add3A = arith.addi %mul3A_0, %arg0 : i32
    %mul3A_1 = arith.constant 640 : i32
    %mul3A_2 = arith.muli %arg1, %mul3A_1 : i32
    %mul3A_3 = arith.constant 10080 : i32
    %mul3A_4 = arith.muli %add3A, %mul3A_3 : i32
    %broadcast_in_dim3A = arith.constant 0.000000e+00 : f32
    %broadcast_in_dim3A_5 = vector.broadcast %broadcast_in_dim3A : f32 to vector<16xf32>
    %scan3A = arith.constant 0 : i32
    %scan3A_6 = arith.constant 80 : i32
    %scan3A_7 = arith.addi %scan3A, %scan3A_6 : i32
    %scan3A_8 = arith.constant 1 : i32
    scf.for %scan3A_65 = %scan3A to %scan3A_7 step %scan3A_8  : i32 {
      %mul3A_66 = arith.constant 1 : i32
      %mul3A_67 = arith.muli %scan3A_65, %mul3A_66 : i32
      %add3A_68 = arith.constant 0 : i32
      %add3A_69 = arith.addi %add3A_68, %mul3A_67 : i32
      %swap3A = arith.index_cast %add3A_69 : i32 to index
      %swap3A_70 = arith.constant 0 : index
      %swap3A_71 = tpu.vector_load %arg16[%swap3A, %swap3A_70] {strides = array<i32>} : memref<80x128xf32, #tpu.memory_space<vmem>>, vector<16xf32>,
      tpu.vector_store %arg16[%swap3A, %swap3A_70], %broadcast_in_dim3A_5 {strides = array<i32>} : memref<80x128xf32, #tpu.memory_space<vmem>>, vector<16xf32>,
      %swap3A_72 = arith.index_cast %add3A_69 : i32 to index
      %swap3A_73 = arith.constant 16 : index
      %swap3A_74 = tpu.vector_load %arg16[%swap3A_72, %swap3A_73] {strides = array<i32>} : memref<80x128xf32, #tpu.memory_space<vmem>>, vector<16xf32>,
      tpu.vector_store %arg16[%swap3A_72, %swap3A_73], %broadcast_in_dim3A_5 {strides = array<i32>} : memref<80x128xf32, #tpu.memory_space<vmem>>, vector<16xf32>,
      %swap3A_75 = arith.index_cast %add3A_69 : i32 to index
      %swap3A_76 = arith.constant 32 : index
      %swap3A_77 = tpu.vector_load %arg16[%swap3A_75, %swap3A_76] {strides = array<i32>} : memref<80x128xf32, #tpu.memory_space<vmem>>, vector<16xf32>,
      tpu.vector_store %arg16[%swap3A_75, %swap3A_76], %broadcast_in_dim3A_5 {strides = array<i32>} : memref<80x128xf32, #tpu.memory_space<vmem>>, vector<16xf32>,
      %swap3A_78 = arith.index_cast %add3A_69 : i32 to index
      %swap3A_79 = arith.constant 48 : index
      %swap3A_80 = tpu.vector_load %arg16[%swap3A_78, %swap3A_79] {strides = array<i32>} : memref<80x128xf32, #tpu.memory_space<vmem>>, vector<16xf32>,
      tpu.vector_store %arg16[%swap3A_78, %swap3A_79], %broadcast_in_dim3A_5 {strides = array<i32>} : memref<80x128xf32, #tpu.memory_space<vmem>>, vector<16xf32>,
      %swap3A_81 = arith.index_cast %add3A_69 : i32 to index
      %swap3A_82 = arith.constant 64 : index
      %swap3A_83 = tpu.vector_load %arg16[%swap3A_81, %swap3A_82] {strides = array<i32>} : memref<80x128xf32, #tpu.memory_space<vmem>>, vector<16xf32>,
      tpu.vector_store %arg16[%swap3A_81, %swap3A_82], %broadcast_in_dim3A_5 {strides = array<i32>} : memref<80x128xf32, #tpu.memory_space<vmem>>, vector<16xf32>,
      %swap3A_84 = arith.index_cast %add3A_69 : i32 to index
      %swap3A_85 = arith.constant 80 : index
      %swap3A_86 = tpu.vector_load %arg16[%swap3A_84, %swap3A_85] {strides = array<i32>} : memref<80x128xf32, #tpu.memory_space<vmem>>, vector<16xf32>,
      tpu.vector_store %arg16[%swap3A_84, %swap3A_85], %broadcast_in_dim3A_5 {strides = array<i32>} : memref<80x128xf32, #tpu.memory_space<vmem>>, vector<16xf32>,
      %swap3A_87 = arith.index_cast %add3A_69 : i32 to index
      %swap3A_88 = arith.constant 96 : index
      %swap3A_89 = tpu.vector_load %arg16[%swap3A_87, %swap3A_88] {strides = array<i32>} : memref<80x128xf32, #tpu.memory_space<vmem>>, vector<16xf32>,
      tpu.vector_store %arg16[%swap3A_87, %swap3A_88], %broadcast_in_dim3A_5 {strides = array<i32>} : memref<80x128xf32, #tpu.memory_space<vmem>>, vector<16xf32>,
      %swap3A_90 = arith.index_cast %add3A_69 : i32 to index
      %swap3A_91 = arith.constant 112 : index
      %swap3A_92 = tpu.vector_load %arg16[%swap3A_90, %swap3A_91] {strides = array<i32>} : memref<80x128xf32, #tpu.memory_space<vmem>>, vector<16xf32>,
      tpu.vector_store %arg16[%swap3A_90, %swap3A_91], %broadcast_in_dim3A_5 {strides = array<i32>} : memref<80x128xf32, #tpu.memory_space<vmem>>, vector<16xf32>,
    }
    %scan3A_9 = arith.constant 80 : i32
    %scan3A_10 = arith.constant 0 : i32
    %scan3A_11 = arith.constant 80 : i32
    %scan3A_12 = arith.addi %scan3A_10, %scan3A_11 : i32
    %scan3A_13 = arith.constant 1 : i32
    scf.for %scan3A_65 = %scan3A_10 to %scan3A_12 step %scan3A_13  : i32 {
      %mul3A_66 = arith.constant 1 : i32
      %mul3A_67 = arith.muli %scan3A_65, %mul3A_66 : i32
      %add3A_68 = arith.constant 0 : i32
      %add3A_69 = arith.addi %add3A_68, %mul3A_67 : i32
      %swap3A = arith.index_cast %add3A_69 : i32 to index
      %swap3A_70 = arith.constant 0 : index
      %swap3A_71 = tpu.vector_load %arg10[%swap3A, %swap3A_70] {strides = array<i32>} : memref<80x128xf32, #tpu.memory_space<vmem>>, vector<16xf32>,
      tpu.vector_store %arg10[%swap3A, %swap3A_70], %broadcast_in_dim3A_5 {strides = array<i32>} : memref<80x128xf32, #tpu.memory_space<vmem>>, vector<16xf32>,
      %swap3A_72 = arith.index_cast %add3A_69 : i32 to index
      %swap3A_73 = arith.constant 16 : index
      %swap3A_74 = tpu.vector_load %arg10[%swap3A_72, %swap3A_73] {strides = array<i32>} : memref<80x128xf32, #tpu.memory_space<vmem>>, vector<16xf32>,
      tpu.vector_store %arg10[%swap3A_72, %swap3A_73], %broadcast_in_dim3A_5 {strides = array<i32>} : memref<80x128xf32, #tpu.memory_space<vmem>>, vector<16xf32>,
      %swap3A_75 = arith.index_cast %add3A_69 : i32 to index
      %swap3A_76 = arith.constant 32 : index
      %swap3A_77 = tpu.vector_load %arg10[%swap3A_75, %swap3A_76] {strides = array<i32>} : memref<80x128xf32, #tpu.memory_space<vmem>>, vector<16xf32>,
      tpu.vector_store %arg10[%swap3A_75, %swap3A_76], %broadcast_in_dim3A_5 {strides = array<i32>} : memref<80x128xf32, #tpu.memory_space<vmem>>, vector<16xf32>,
      %swap3A_78 = arith.index_cast %add3A_69 : i32 to index
      %swap3A_79 = arith.constant 48 : index
      %swap3A_80 = tpu.vector_load %arg10[%swap3A_78, %swap3A_79] {strides = array<i32>} : memref<80x128xf32, #tpu.memory_space<vmem>>, vector<16xf32>,
      tpu.vector_store %arg10[%swap3A_78, %swap3A_79], %broadcast_in_dim3A_5 {strides = array<i32>} : memref<80x128xf32, #tpu.memory_space<vmem>>, vector<16xf32>,
      %swap3A_81 = arith.index_cast %add3A_69 : i32 to index
      %swap3A_82 = arith.constant 64 : index
      %swap3A_83 = tpu.vector_load %arg10[%swap3A_81, %swap3A_82] {strides = array<i32>} : memref<80x128xf32, #tpu.memory_space<vmem>>, vector<16xf32>,
      tpu.vector_store %arg10[%swap3A_81, %swap3A_82], %broadcast_in_dim3A_5 {strides = array<i32>} : memref<80x128xf32, #tpu.memory_space<vmem>>, vector<16xf32>,
      %swap3A_84 = arith.index_cast %add3A_69 : i32 to index
      %swap3A_85 = arith.constant 80 : index
      %swap3A_86 = tpu.vector_load %arg10[%swap3A_84, %swap3A_85] {strides = array<i32>} : memref<80x128xf32, #tpu.memory_space<vmem>>, vector<16xf32>,
      tpu.vector_store %arg10[%swap3A_84, %swap3A_85], %broadcast_in_dim3A_5 {strides = array<i32>} : memref<80x128xf32, #tpu.memory_space<vmem>>, vector<16xf32>,
      %swap3A_87 = arith.index_cast %add3A_69 : i32 to index
      %swap3A_88 = arith.constant 96 : index
      %swap3A_89 = tpu.vector_load %arg10[%swap3A_87, %swap3A_88] {strides = array<i32>} : memref<80x128xf32, #tpu.memory_space<vmem>>, vector<16xf32>,
      tpu.vector_store %arg10[%swap3A_87, %swap3A_88], %broadcast_in_dim3A_5 {strides = array<i32>} : memref<80x128xf32, #tpu.memory_space<vmem>>, vector<16xf32>,
      %swap3A_90 = arith.index_cast %add3A_69 : i32 to index
      %swap3A_91 = arith.constant 112 : index
      %swap3A_92 = tpu.vector_load %arg10[%swap3A_90, %swap3A_91] {strides = array<i32>} : memref<80x128xf32, #tpu.memory_space<vmem>>, vector<16xf32>,
      tpu.vector_store %arg10[%swap3A_90, %swap3A_91], %broadcast_in_dim3A_5 {strides = array<i32>} : memref<80x128xf32, #tpu.memory_space<vmem>>, vector<16xf32>,
    }
    %scan3A_14 = arith.constant 80 : i32
    %scan3A_15 = arith.constant 0 : i32
    %scan3A_16 = arith.constant 8 : i32
    %scan3A_17 = arith.addi %scan3A_15, %scan3A_16 : i32
    %scan3A_18 = arith.constant 1 : i32
    scf.for %scan3A_65 = %scan3A_15 to %scan3A_17 step %scan3A_18  : i32 {
      %mul3A_66 = arith.constant 1 : i32
      %mul3A_67 = arith.muli %scan3A_65, %mul3A_66 : i32
      %add3A_68 = arith.constant 0 : i32
      %add3A_69 = arith.addi %add3A_68, %mul3A_67 : i32
      %mul3A_70 = arith.constant 80 : i32
      %mul3A_71 = arith.muli %add3A_69, %mul3A_70 : i32
      %add3A_72 = arith.addi %mul3A_2, %mul3A_71 : i32
      "tpu.region"() ({
        %run_scoped3A = tpu.sem_alloc : memref<!tpu.dma_semaphore, #tpu.memory_space<semaphore_mem>>
        %dma_start3A_73 = arith.constant 0 : i32
        %dma_start3A_74 = tpu.memref_slice %arg8[%add3A_72, %dma_start3A_73] : memref<10240x128xf32, #tpu.memory_space<vmem_shared>> -> memref<80x128xf32, #tpu.memory_space<vmem_shared>>
        %dma_start3A_75 = arith.constant 0 : i32
        %dma_start3A_76 = tpu.memref_slice %arg8[%add3A_72, %dma_start3A_75] : memref<10240x128xf32, #tpu.memory_space<vmem_shared>> -> memref<80x128xf32, #tpu.memory_space<vmem_shared>>
        tpu.enqueue_dma source(%arg16 : memref<80x128xf32, #tpu.memory_space<vmem>>) target(%dma_start3A_76 : memref<80x128xf32, #tpu.memory_space<vmem_shared>>) target_semaphore(%run_scoped3A : memref<!tpu.dma_semaphore, #tpu.memory_space<semaphore_mem>>)
        %dma_wait3A_77 = arith.constant 0 : i32
        %dma_wait3A_78 = tpu.memref_slice %arg8[%add3A_72, %dma_wait3A_77] : memref<10240x128xf32, #tpu.memory_space<vmem_shared>> -> memref<80x128xf32, #tpu.memory_space<vmem_shared>>
        %dma_wait3A_79 = arith.constant 0 : i32
        %dma_wait3A_80 = tpu.memref_slice %arg8[%add3A_72, %dma_wait3A_79] : memref<10240x128xf32, #tpu.memory_space<vmem_shared>> -> memref<80x128xf32, #tpu.memory_space<vmem_shared>>
        tpu.wait_dma2 semaphore(%run_scoped3A : memref<!tpu.dma_semaphore, #tpu.memory_space<semaphore_mem>>) src(%arg16 : memref<80x128xf32, #tpu.memory_space<vmem>>) dst(%dma_wait3A_80 : memref<80x128xf32, #tpu.memory_space<vmem_shared>>)
        tpu.yield
      }) : () -> ()
    }
    %scan3A_19 = arith.constant 8 : i32
    %barrier3A = arith.constant 0 : index
    tpu.barrier barrier_id(%barrier3A)
    %add3A_20 = arith.constant 0 : i32
    %add3A_21 = arith.addi %mul3A_4, %add3A_20 : i32
    %dma_start3A = tpu.memref_slice %arg3[%add3A_21] : memref<322560xi32, #tpu.memory_space<hbm>> -> memref<80xi32, #tpu.memory_space<hbm>>
    %dma_start3A_22 = tpu.memref_slice %arg3[%add3A_21] : memref<322560xi32, #tpu.memory_space<hbm>> -> memref<80xi32, #tpu.memory_space<hbm>>
    tpu.enqueue_dma source(%dma_start3A_22 : memref<80xi32, #tpu.memory_space<hbm>>) target(%arg13 : memref<80xi32, #tpu.memory_space<vmem>>) target_semaphore(%arg17 : memref<!tpu.dma_semaphore, #tpu.memory_space<semaphore_mem>>)
    %dma_start3A_23 = tpu.memref_slice %arg5[%add3A_21] : memref<322560xf32, #tpu.memory_space<hbm>> -> memref<80xf32, #tpu.memory_space<hbm>>
    %dma_start3A_24 = tpu.memref_slice %arg5[%add3A_21] : memref<322560xf32, #tpu.memory_space<hbm>> -> memref<80xf32, #tpu.memory_space<hbm>>
    tpu.enqueue_dma source(%dma_start3A_24 : memref<80xf32, #tpu.memory_space<hbm>>) target(%arg15 : memref<80xf32, #tpu.memory_space<vmem>>) target_semaphore(%arg17 : memref<!tpu.dma_semaphore, #tpu.memory_space<semaphore_mem>>)
    %add3A_25 = arith.constant 0 : i32
    %add3A_26 = arith.addi %mul3A_4, %add3A_25 : i32
    %dma_start3A_27 = tpu.memref_slice %arg4[%add3A_26] : memref<322560xi32, #tpu.memory_space<hbm>> -> memref<80xi32, #tpu.memory_space<hbm>>
    %dma_start3A_28 = tpu.memref_slice %arg4[%add3A_26] : memref<322560xi32, #tpu.memory_space<hbm>> -> memref<80xi32, #tpu.memory_space<hbm>>
    tpu.enqueue_dma source(%dma_start3A_28 : memref<80xi32, #tpu.memory_space<hbm>>) target(%arg14 : memref<80xi32, #tpu.memory_space<vmem>>) target_semaphore(%arg18 : memref<!tpu.dma_semaphore, #tpu.memory_space<semaphore_mem>>)
    %add3A_29 = arith.constant 80 : i32
    %add3A_30 = arith.addi %mul3A_4, %add3A_29 : i32
    %dma_start3A_31 = tpu.memref_slice %arg3[%add3A_30] : memref<322560xi32, #tpu.memory_space<hbm>> -> memref<80xi32, #tpu.memory_space<hbm>>
    %dma_start3A_32 = tpu.memref_slice %arg3[%add3A_30] : memref<322560xi32, #tpu.memory_space<hbm>> -> memref<80xi32, #tpu.memory_space<hbm>>
    tpu.enqueue_dma source(%dma_start3A_32 : memref<80xi32, #tpu.memory_space<hbm>>) target(%arg21 : memref<80xi32, #tpu.memory_space<vmem>>) target_semaphore(%arg25 : memref<!tpu.dma_semaphore, #tpu.memory_space<semaphore_mem>>)
    %dma_start3A_33 = tpu.memref_slice %arg5[%add3A_30] : memref<322560xf32, #tpu.memory_space<hbm>> -> memref<80xf32, #tpu.memory_space<hbm>>
    %dma_start3A_34 = tpu.memref_slice %arg5[%add3A_30] : memref<322560xf32, #tpu.memory_space<hbm>> -> memref<80xf32, #tpu.memory_space<hbm>>
    tpu.enqueue_dma source(%dma_start3A_34 : memref<80xf32, #tpu.memory_space<hbm>>) target(%arg23 : memref<80xf32, #tpu.memory_space<vmem>>) target_semaphore(%arg25 : memref<!tpu.dma_semaphore, #tpu.memory_space<semaphore_mem>>)
    %add3A_35 = arith.constant 80 : i32
    %add3A_36 = arith.addi %mul3A_4, %add3A_35 : i32
    %dma_start3A_37 = tpu.memref_slice %arg4[%add3A_36] : memref<322560xi32, #tpu.memory_space<hbm>> -> memref<80xi32, #tpu.memory_space<hbm>>
    %dma_start3A_38 = tpu.memref_slice %arg4[%add3A_36] : memref<322560xi32, #tpu.memory_space<hbm>> -> memref<80xi32, #tpu.memory_space<hbm>>
    tpu.enqueue_dma source(%dma_start3A_38 : memref<80xi32, #tpu.memory_space<hbm>>) target(%arg22 : memref<80xi32, #tpu.memory_space<vmem>>) target_semaphore(%arg26 : memref<!tpu.dma_semaphore, #tpu.memory_space<semaphore_mem>>)
    %dma_wait3A = arith.constant 0 : i32
    %dma_wait3A_39 = tpu.memref_slice %arg3[%dma_wait3A] : memref<322560xi32, #tpu.memory_space<hbm>> -> memref<80xi32, #tpu.memory_space<hbm>>
    %dma_wait3A_40 = arith.constant 0 : i32
    %dma_wait3A_41 = tpu.memref_slice %arg3[%dma_wait3A_40] : memref<322560xi32, #tpu.memory_space<hbm>> -> memref<80xi32, #tpu.memory_space<hbm>>
    tpu.wait_dma2 semaphore(%arg17 : memref<!tpu.dma_semaphore, #tpu.memory_space<semaphore_mem>>) src(%dma_wait3A_41 : memref<80xi32, #tpu.memory_space<hbm>>) dst(%arg13 : memref<80xi32, #tpu.memory_space<vmem>>)
    %dma_wait3A_42 = arith.constant 0 : i32
    %dma_wait3A_43 = tpu.memref_slice %arg5[%dma_wait3A_42] : memref<322560xf32, #tpu.memory_space<hbm>> -> memref<80xf32, #tpu.memory_space<hbm>>
    %dma_wait3A_44 = arith.constant 0 : i32
    %dma_wait3A_45 = tpu.memref_slice %arg5[%dma_wait3A_44] : memref<322560xf32, #tpu.memory_space<hbm>> -> memref<80xf32, #tpu.memory_space<hbm>>
    tpu.wait_dma2 semaphore(%arg17 : memref<!tpu.dma_semaphore, #tpu.memory_space<semaphore_mem>>) src(%dma_wait3A_45 : memref<80xf32, #tpu.memory_space<hbm>>) dst(%arg15 : memref<80xf32, #tpu.memory_space<vmem>>)
    %dma_start3A_46 = arith.constant 0 : i32
    %dma_start3A_47 = arith.constant 0 : i32
    %dma_start3A_48 = tpu.memref_slice %arg2[%dma_start3A_46, %dma_start3A_47] : memref<10000x128xf32, #tpu.memory_space<hbm>> -> memref<10000x128xf32, #tpu.memory_space<hbm>>
    tpu.enqueue_indirect_dma source(%dma_start3A_48 : memref<10000x128xf32, #tpu.memory_space<hbm>>) target(%arg16 : memref<80x128xf32, #tpu.memory_space<vmem>>) offsets(%arg13 : memref<80xi32, #tpu.memory_space<vmem>>) semaphore(%arg19 : memref<!tpu.dma_semaphore, #tpu.memory_space<semaphore_mem>>)
    %scan3A_49 = arith.constant 0 : i32
    %scan3A_50 = arith.constant 63 : i32
    %scan3A_51 = arith.addi %scan3A_49, %scan3A_50 : i32
    %scan3A_52 = arith.constant 1 : i32
    scf.for %scan3A_65 = %scan3A_49 to %scan3A_51 step %scan3A_52  : i32 {
      %mul3A_66 = arith.constant 1 : i32
      %mul3A_67 = arith.muli %scan3A_65, %mul3A_66 : i32
      %add3A_68 = arith.constant 0 : i32
      %add3A_69 = arith.addi %add3A_68, %mul3A_67 : i32
      %mul3A_70 = arith.constant 2 : i32
      %mul3A_71 = arith.muli %mul3A_70, %add3A_69 : i32
      %mul3A_72 = arith.constant 2 : i32
      %mul3A_73 = arith.muli %mul3A_72, %add3A_69 : i32
      %add3A_74 = arith.constant 1 : i32
      %add3A_75 = arith.addi %mul3A_73, %add3A_74 : i32
      %dma_wait3A_76 = arith.constant 0 : i32
      %dma_wait3A_77 = arith.constant 0 : i32
      %dma_wait3A_78 = tpu.memref_slice %arg2[%dma_wait3A_76, %dma_wait3A_77] : memref<10000x128xf32, #tpu.memory_space<hbm>> -> memref<10000x128xf32, #tpu.memory_space<hbm>>
      tpu.wait_indirect_dma semaphore(%arg19 : memref<!tpu.dma_semaphore, #tpu.memory_space<semaphore_mem>>) src(%dma_wait3A_78 : memref<10000x128xf32, #tpu.memory_space<hbm>>) dst(%arg16 : memref<80x128xf32, #tpu.memory_space<vmem>>)
      %gt3A = arith.constant 0 : i32
      %gt3A_79 = arith.cmpi sgt, %add3A_69, %gt3A : i32
      %convert_element_type3A_80 = arith.extui %gt3A_79 : i1 to i32
      %cond3A_81 = arith.constant 0 : i32
      %cond3A_82 = arith.cmpi ne, %convert_element_type3A_80, %cond3A_81 : i32
      scf.if %cond3A_82 {
        %dma_wait3A_144 = arith.constant 0 : i32
        %dma_wait3A_145 = arith.constant 0 : i32
        %dma_wait3A_146 = tpu.memref_slice %arg8[%dma_wait3A_144, %dma_wait3A_145] : memref<10240x128xf32, #tpu.memory_space<vmem_shared>> -> memref<10240x128xf32, #tpu.memory_space<vmem_shared>>
        tpu.wait_indirect_dma semaphore(%arg28 : memref<!tpu.dma_semaphore, #tpu.memory_space<semaphore_mem>>) src(%arg24 : memref<80x128xf32, #tpu.memory_space<vmem>>) dst(%dma_wait3A_146 : memref<10240x128xf32, #tpu.memory_space<vmem_shared>>)
        %mul3A_147 = arith.constant 80 : i32
        %mul3A_148 = arith.muli %add3A_75, %mul3A_147 : i32
        %add3A_149 = arith.addi %mul3A_4, %mul3A_148 : i32
        %dma_start3A_150 = tpu.memref_slice %arg4[%add3A_149] : memref<322560xi32, #tpu.memory_space<hbm>> -> memref<80xi32, #tpu.memory_space<hbm>>
        %dma_start3A_151 = tpu.memref_slice %arg4[%add3A_149] : memref<322560xi32, #tpu.memory_space<hbm>> -> memref<80xi32, #tpu.memory_space<hbm>>
        tpu.enqueue_dma source(%dma_start3A_151 : memref<80xi32, #tpu.memory_space<hbm>>) target(%arg22 : memref<80xi32, #tpu.memory_space<vmem>>) target_semaphore(%arg26 : memref<!tpu.dma_semaphore, #tpu.memory_space<semaphore_mem>>)
      } else {
      }
      %dma_wait3A_83 = arith.constant 0 : i32
      %dma_wait3A_84 = tpu.memref_slice %arg3[%dma_wait3A_83] : memref<322560xi32, #tpu.memory_space<hbm>> -> memref<80xi32, #tpu.memory_space<hbm>>
      %dma_wait3A_85 = arith.constant 0 : i32
      %dma_wait3A_86 = tpu.memref_slice %arg3[%dma_wait3A_85] : memref<322560xi32, #tpu.memory_space<hbm>> -> memref<80xi32, #tpu.memory_space<hbm>>
      tpu.wait_dma2 semaphore(%arg25 : memref<!tpu.dma_semaphore, #tpu.memory_space<semaphore_mem>>) src(%dma_wait3A_86 : memref<80xi32, #tpu.memory_space<hbm>>) dst(%arg21 : memref<80xi32, #tpu.memory_space<vmem>>)
      %dma_wait3A_87 = arith.constant 0 : i32
      %dma_wait3A_88 = tpu.memref_slice %arg5[%dma_wait3A_87] : memref<322560xf32, #tpu.memory_space<hbm>> -> memref<80xf32, #tpu.memory_space<hbm>>
      %dma_wait3A_89 = arith.constant 0 : i32
      %dma_wait3A_90 = tpu.memref_slice %arg5[%dma_wait3A_89] : memref<322560xf32, #tpu.memory_space<hbm>> -> memref<80xf32, #tpu.memory_space<hbm>>
      tpu.wait_dma2 semaphore(%arg25 : memref<!tpu.dma_semaphore, #tpu.memory_space<semaphore_mem>>) src(%dma_wait3A_90 : memref<80xf32, #tpu.memory_space<hbm>>) dst(%arg23 : memref<80xf32, #tpu.memory_space<vmem>>)
      %dma_start3A_91 = arith.constant 0 : i32
      %dma_start3A_92 = arith.constant 0 : i32
      %dma_start3A_93 = tpu.memref_slice %arg2[%dma_start3A_91, %dma_start3A_92] : memref<10000x128xf32, #tpu.memory_space<hbm>> -> memref<10000x128xf32, #tpu.memory_space<hbm>>
      tpu.enqueue_indirect_dma source(%dma_start3A_93 : memref<10000x128xf32, #tpu.memory_space<hbm>>) target(%arg24 : memref<80x128xf32, #tpu.memory_space<vmem>>) offsets(%arg21 : memref<80xi32, #tpu.memory_space<vmem>>) semaphore(%arg27 : memref<!tpu.dma_semaphore, #tpu.memory_space<semaphore_mem>>)
      %dma_wait3A_94 = arith.constant 0 : i32
      %dma_wait3A_95 = tpu.memref_slice %arg4[%dma_wait3A_94] : memref<322560xi32, #tpu.memory_space<hbm>> -> memref<80xi32, #tpu.memory_space<hbm>>
      %dma_wait3A_96 = arith.constant 0 : i32
      %dma_wait3A_97 = tpu.memref_slice %arg4[%dma_wait3A_96] : memref<322560xi32, #tpu.memory_space<hbm>> -> memref<80xi32, #tpu.memory_space<hbm>>
      tpu.wait_dma2 semaphore(%arg18 : memref<!tpu.dma_semaphore, #tpu.memory_space<semaphore_mem>>) src(%dma_wait3A_97 : memref<80xi32, #tpu.memory_space<hbm>>) dst(%arg14 : memref<80xi32, #tpu.memory_space<vmem>>)
      %parallel_loop3A = arith.constant 0 : i32
      %parallel_loop3A_98 = arith.constant 80 : i32
      %parallel_loop3A_99 = arith.constant 1 : i32
      scf.for %parallel_loop3A_144 = %parallel_loop3A to %parallel_loop3A_98 step %parallel_loop3A_99  : i32 {
        %parallel_loop3A_145 = vector.broadcast %parallel_loop3A_144 : i32 to vector<16xi32>
        %parallel_loop3A_146 = tpu.vector_load_idx %arg15[%parallel_loop3A_145] : memref<80xf32, #tpu.memory_space<vmem>>[vector<16xi32>], vector<16xf32>,
        %parallel_loop3A_147 = arith.index_cast %parallel_loop3A_144 : i32 to index
        %parallel_loop3A_148 = arith.constant 0 : index
        %parallel_loop3A_149 = tpu.vector_load %arg16[%parallel_loop3A_147, %parallel_loop3A_148] {strides = array<i32>} : memref<80x128xf32, #tpu.memory_space<vmem>>, vector<16xf32>,
        %parallel_loop3A_150 = arith.mulf %parallel_loop3A_149, %parallel_loop3A_146 : vector<16xf32>
        %parallel_loop3A_151 = arith.index_cast %parallel_loop3A_144 : i32 to index
        %parallel_loop3A_152 = arith.constant 0 : index
        %parallel_loop3A_153 = tpu.vector_load %arg16[%parallel_loop3A_151, %parallel_loop3A_152] {strides = array<i32>} : memref<80x128xf32, #tpu.memory_space<vmem>>, vector<16xf32>,
        tpu.vector_store %arg16[%parallel_loop3A_151, %parallel_loop3A_152], %parallel_loop3A_150 {strides = array<i32>} : memref<80x128xf32, #tpu.memory_space<vmem>>, vector<16xf32>,
        %parallel_loop3A_154 = arith.index_cast %parallel_loop3A_144 : i32 to index
        %parallel_loop3A_155 = arith.constant 16 : index
        %parallel_loop3A_156 = tpu.vector_load %arg16[%parallel_loop3A_154, %parallel_loop3A_155] {strides = array<i32>} : memref<80x128xf32, #tpu.memory_space<vmem>>, vector<16xf32>,
        %parallel_loop3A_157 = arith.mulf %parallel_loop3A_156, %parallel_loop3A_146 : vector<16xf32>
        %parallel_loop3A_158 = arith.index_cast %parallel_loop3A_144 : i32 to index
        %parallel_loop3A_159 = arith.constant 16 : index
        %parallel_loop3A_160 = tpu.vector_load %arg16[%parallel_loop3A_158, %parallel_loop3A_159] {strides = array<i32>} : memref<80x128xf32, #tpu.memory_space<vmem>>, vector<16xf32>,
        tpu.vector_store %arg16[%parallel_loop3A_158, %parallel_loop3A_159], %parallel_loop3A_157 {strides = array<i32>} : memref<80x128xf32, #tpu.memory_space<vmem>>, vector<16xf32>,
        %parallel_loop3A_161 = arith.index_cast %parallel_loop3A_144 : i32 to index
        %parallel_loop3A_162 = arith.constant 32 : index
        %parallel_loop3A_163 = tpu.vector_load %arg16[%parallel_loop3A_161, %parallel_loop3A_162] {strides = array<i32>} : memref<80x128xf32, #tpu.memory_space<vmem>>, vector<16xf32>,
        %parallel_loop3A_164 = arith.mulf %parallel_loop3A_163, %parallel_loop3A_146 : vector<16xf32>
        %parallel_loop3A_165 = arith.index_cast %parallel_loop3A_144 : i32 to index
        %parallel_loop3A_166 = arith.constant 32 : index
        %parallel_loop3A_167 = tpu.vector_load %arg16[%parallel_loop3A_165, %parallel_loop3A_166] {strides = array<i32>} : memref<80x128xf32, #tpu.memory_space<vmem>>, vector<16xf32>,
        tpu.vector_store %arg16[%parallel_loop3A_165, %parallel_loop3A_166], %parallel_loop3A_164 {strides = array<i32>} : memref<80x128xf32, #tpu.memory_space<vmem>>, vector<16xf32>,
        %parallel_loop3A_168 = arith.index_cast %parallel_loop3A_144 : i32 to index
        %parallel_loop3A_169 = arith.constant 48 : index
        %parallel_loop3A_170 = tpu.vector_load %arg16[%parallel_loop3A_168, %parallel_loop3A_169] {strides = array<i32>} : memref<80x128xf32, #tpu.memory_space<vmem>>, vector<16xf32>,
        %parallel_loop3A_171 = arith.mulf %parallel_loop3A_170, %parallel_loop3A_146 : vector<16xf32>
        %parallel_loop3A_172 = arith.index_cast %parallel_loop3A_144 : i32 to index
        %parallel_loop3A_173 = arith.constant 48 : index
        %parallel_loop3A_174 = tpu.vector_load %arg16[%parallel_loop3A_172, %parallel_loop3A_173] {strides = array<i32>} : memref<80x128xf32, #tpu.memory_space<vmem>>, vector<16xf32>,
        tpu.vector_store %arg16[%parallel_loop3A_172, %parallel_loop3A_173], %parallel_loop3A_171 {strides = array<i32>} : memref<80x128xf32, #tpu.memory_space<vmem>>, vector<16xf32>,
        %parallel_loop3A_175 = arith.index_cast %parallel_loop3A_144 : i32 to index
        %parallel_loop3A_176 = arith.constant 64 : index
        %parallel_loop3A_177 = tpu.vector_load %arg16[%parallel_loop3A_175, %parallel_loop3A_176] {strides = array<i32>} : memref<80x128xf32, #tpu.memory_space<vmem>>, vector<16xf32>,
        %parallel_loop3A_178 = arith.mulf %parallel_loop3A_177, %parallel_loop3A_146 : vector<16xf32>
        %parallel_loop3A_179 = arith.index_cast %parallel_loop3A_144 : i32 to index
        %parallel_loop3A_180 = arith.constant 64 : index
        %parallel_loop3A_181 = tpu.vector_load %arg16[%parallel_loop3A_179, %parallel_loop3A_180] {strides = array<i32>} : memref<80x128xf32, #tpu.memory_space<vmem>>, vector<16xf32>,
        tpu.vector_store %arg16[%parallel_loop3A_179, %parallel_loop3A_180], %parallel_loop3A_178 {strides = array<i32>} : memref<80x128xf32, #tpu.memory_space<vmem>>, vector<16xf32>,
        %parallel_loop3A_182 = arith.index_cast %parallel_loop3A_144 : i32 to index
        %parallel_loop3A_183 = arith.constant 80 : index
        %parallel_loop3A_184 = tpu.vector_load %arg16[%parallel_loop3A_182, %parallel_loop3A_183] {strides = array<i32>} : memref<80x128xf32, #tpu.memory_space<vmem>>, vector<16xf32>,
        %parallel_loop3A_185 = arith.mulf %parallel_loop3A_184, %parallel_loop3A_146 : vector<16xf32>
        %parallel_loop3A_186 = arith.index_cast %parallel_loop3A_144 : i32 to index
        %parallel_loop3A_187 = arith.constant 80 : index
        %parallel_loop3A_188 = tpu.vector_load %arg16[%parallel_loop3A_186, %parallel_loop3A_187] {strides = array<i32>} : memref<80x128xf32, #tpu.memory_space<vmem>>, vector<16xf32>,
        tpu.vector_store %arg16[%parallel_loop3A_186, %parallel_loop3A_187], %parallel_loop3A_185 {strides = array<i32>} : memref<80x128xf32, #tpu.memory_space<vmem>>, vector<16xf32>,
        %parallel_loop3A_189 = arith.index_cast %parallel_loop3A_144 : i32 to index
        %parallel_loop3A_190 = arith.constant 96 : index
        %parallel_loop3A_191 = tpu.vector_load %arg16[%parallel_loop3A_189, %parallel_loop3A_190] {strides = array<i32>} : memref<80x128xf32, #tpu.memory_space<vmem>>, vector<16xf32>,
        %parallel_loop3A_192 = arith.mulf %parallel_loop3A_191, %parallel_loop3A_146 : vector<16xf32>
        %parallel_loop3A_193 = arith.index_cast %parallel_loop3A_144 : i32 to index
        %parallel_loop3A_194 = arith.constant 96 : index
        %parallel_loop3A_195 = tpu.vector_load %arg16[%parallel_loop3A_193, %parallel_loop3A_194] {strides = array<i32>} : memref<80x128xf32, #tpu.memory_space<vmem>>, vector<16xf32>,
        tpu.vector_store %arg16[%parallel_loop3A_193, %parallel_loop3A_194], %parallel_loop3A_192 {strides = array<i32>} : memref<80x128xf32, #tpu.memory_space<vmem>>, vector<16xf32>,
        %parallel_loop3A_196 = arith.index_cast %parallel_loop3A_144 : i32 to index
        %parallel_loop3A_197 = arith.constant 112 : index
        %parallel_loop3A_198 = tpu.vector_load %arg16[%parallel_loop3A_196, %parallel_loop3A_197] {strides = array<i32>} : memref<80x128xf32, #tpu.memory_space<vmem>>, vector<16xf32>,
        %parallel_loop3A_199 = arith.mulf %parallel_loop3A_198, %parallel_loop3A_146 : vector<16xf32>
        %parallel_loop3A_200 = arith.index_cast %parallel_loop3A_144 : i32 to index
        %parallel_loop3A_201 = arith.constant 112 : index
        %parallel_loop3A_202 = tpu.vector_load %arg16[%parallel_loop3A_200, %parallel_loop3A_201] {strides = array<i32>} : memref<80x128xf32, #tpu.memory_space<vmem>>, vector<16xf32>,
        tpu.vector_store %arg16[%parallel_loop3A_200, %parallel_loop3A_201], %parallel_loop3A_199 {strides = array<i32>} : memref<80x128xf32, #tpu.memory_space<vmem>>, vector<16xf32>,
      } {sc.loop_unroll_factor = 8 : i64, sc.parallel_access}
      %scan3A_100 = arith.constant 0 : i32
      %scan3A_101 = arith.constant 5 : i32
      %scan3A_102 = arith.addi %scan3A_100, %scan3A_101 : i32
      %scan3A_103 = arith.constant 1 : i32
      scf.for %scan3A_144 = %scan3A_100 to %scan3A_102 step %scan3A_103  : i32 {
        %mul3A_145 = arith.constant 1 : i32
        %mul3A_146 = arith.muli %scan3A_144, %mul3A_145 : i32
        %add3A_147 = arith.constant 0 : i32
        %add3A_148 = arith.addi %add3A_147, %mul3A_146 : i32
        %mul3A_149 = arith.constant 16 : i32
        %mul3A_150 = arith.muli %add3A_148, %mul3A_149 : i32
        %get3A = arith.index_cast %mul3A_150 : i32 to index
        %get3A_151 = tpu.vector_load %arg14[%get3A] {strides = array<i32>} : memref<80xi32, #tpu.memory_space<vmem>>, vector<16xi32>,
        %mul3A_152 = arith.constant 16 : i32
        %mul3A_153 = arith.muli %add3A_148, %mul3A_152 : i32
        %get3A_154 = arith.index_cast %mul3A_153 : i32 to index
        %get3A_155 = tpu.vector_load %arg15[%get3A_154] {strides = array<i32>} : memref<80xf32, #tpu.memory_space<vmem>>, vector<16xf32>,
        %shift_right_logical3A = arith.constant 7 : i32
        %shift_right_logical3A_156 = vector.broadcast %shift_right_logical3A : i32 to vector<16xi32>
        %shift_right_logical3A_157 = arith.shrui %get3A_151, %shift_right_logical3A_156 : vector<16xi32>
        %and3A = arith.constant 127 : i32
        %and3A_158 = vector.broadcast %and3A : i32 to vector<16xi32>
        %and3A_159 = arith.andi %get3A_151, %and3A_158 : vector<16xi32>
        tpu.vector_store_idx %arg10[%shift_right_logical3A_157, %and3A_159], %get3A_155 {add = true} : memref<80x128xf32, #tpu.memory_space<vmem>>[vector<16xi32>, vector<16xi32>], vector<16xf32>,
      }
      %scan3A_104 = arith.constant 5 : i32
      %lt3A_105 = arith.constant 62 : i32
      %lt3A_106 = arith.cmpi slt, %add3A_69, %lt3A_105 : i32
      %convert_element_type3A_107 = arith.extui %lt3A_106 : i1 to i32
      %cond3A_108 = arith.constant 0 : i32
      %cond3A_109 = arith.cmpi ne, %convert_element_type3A_107, %cond3A_108 : i32
      scf.if %cond3A_109 {
        %add3A_144 = arith.constant 2 : i32
        %add3A_145 = arith.addi %mul3A_71, %add3A_144 : i32
        %mul3A_146 = arith.constant 80 : i32
        %mul3A_147 = arith.muli %add3A_145, %mul3A_146 : i32
        %add3A_148 = arith.addi %mul3A_4, %mul3A_147 : i32
        %dma_start3A_149 = tpu.memref_slice %arg3[%add3A_148] : memref<322560xi32, #tpu.memory_space<hbm>> -> memref<80xi32, #tpu.memory_space<hbm>>
        %dma_start3A_150 = tpu.memref_slice %arg3[%add3A_148] : memref<322560xi32, #tpu.memory_space<hbm>> -> memref<80xi32, #tpu.memory_space<hbm>>
        tpu.enqueue_dma source(%dma_start3A_150 : memref<80xi32, #tpu.memory_space<hbm>>) target(%arg13 : memref<80xi32, #tpu.memory_space<vmem>>) target_semaphore(%arg17 : memref<!tpu.dma_semaphore, #tpu.memory_space<semaphore_mem>>)
        %dma_start3A_151 = tpu.memref_slice %arg5[%add3A_148] : memref<322560xf32, #tpu.memory_space<hbm>> -> memref<80xf32, #tpu.memory_space<hbm>>
        %dma_start3A_152 = tpu.memref_slice %arg5[%add3A_148] : memref<322560xf32, #tpu.memory_space<hbm>> -> memref<80xf32, #tpu.memory_space<hbm>>
        tpu.enqueue_dma source(%dma_start3A_152 : memref<80xf32, #tpu.memory_space<hbm>>) target(%arg15 : memref<80xf32, #tpu.memory_space<vmem>>) target_semaphore(%arg17 : memref<!tpu.dma_semaphore, #tpu.memory_space<semaphore_mem>>)
      } else {
      }
      %dma_start3A_110 = arith.constant 0 : i32
      %dma_start3A_111 = arith.constant 0 : i32
      %dma_start3A_112 = tpu.memref_slice %arg8[%dma_start3A_110, %dma_start3A_111] : memref<10240x128xf32, #tpu.memory_space<vmem_shared>> -> memref<10240x128xf32, #tpu.memory_space<vmem_shared>>
      tpu.enqueue_indirect_dma source(%arg16 : memref<80x128xf32, #tpu.memory_space<vmem>>) target(%dma_start3A_112 : memref<10240x128xf32, #tpu.memory_space<vmem_shared>>) offsets(%arg14 : memref<80xi32, #tpu.memory_space<vmem>>) semaphore(%arg20 : memref<!tpu.dma_semaphore, #tpu.memory_space<semaphore_mem>>) {add = true}
      %dma_wait3A_113 = arith.constant 0 : i32
      %dma_wait3A_114 = arith.constant 0 : i32
      %dma_wait3A_115 = tpu.memref_slice %arg2[%dma_wait3A_113, %dma_wait3A_114] : memref<10000x128xf32, #tpu.memory_space<hbm>> -> memref<10000x128xf32, #tpu.memory_space<hbm>>
      tpu.wait_indirect_dma semaphore(%arg27 : memref<!tpu.dma_semaphore, #tpu.memory_space<semaphore_mem>>) src(%dma_wait3A_115 : memref<10000x128xf32, #tpu.memory_space<hbm>>) dst(%arg24 : memref<80x128xf32, #tpu.memory_space<vmem>>)
      %dma_wait3A_116 = arith.constant 0 : i32
      %dma_wait3A_117 = arith.constant 0 : i32
      %dma_wait3A_118 = tpu.memref_slice %arg8[%dma_wait3A_116, %dma_wait3A_117] : memref<10240x128xf32, #tpu.memory_space<vmem_shared>> -> memref<10240x128xf32, #tpu.memory_space<vmem_shared>>
      tpu.wait_indirect_dma semaphore(%arg20 : memref<!tpu.dma_semaphore, #tpu.memory_space<semaphore_mem>>) src(%arg16 : memref<80x128xf32, #tpu.memory_space<vmem>>) dst(%dma_wait3A_118 : memref<10240x128xf32, #tpu.memory_space<vmem_shared>>)
      %lt3A_119 = arith.constant 62 : i32
      %lt3A_120 = arith.cmpi slt, %add3A_69, %lt3A_119 : i32
      %convert_element_type3A_121 = arith.extui %lt3A_120 : i1 to i32
      %cond3A_122 = arith.constant 0 : i32
      %cond3A_123 = arith.cmpi ne, %convert_element_type3A_121, %cond3A_122 : i32
      scf.if %cond3A_123 {
        %add3A_144 = arith.constant 2 : i32
        %add3A_145 = arith.addi %mul3A_71, %add3A_144 : i32
        %mul3A_146 = arith.constant 80 : i32
        %mul3A_147 = arith.muli %add3A_145, %mul3A_146 : i32
        %add3A_148 = arith.addi %mul3A_4, %mul3A_147 : i32
        %dma_start3A_149 = tpu.memref_slice %arg4[%add3A_148] : memref<322560xi32, #tpu.memory_space<hbm>> -> memref<80xi32, #tpu.memory_space<hbm>>
        %dma_start3A_150 = tpu.memref_slice %arg4[%add3A_148] : memref<322560xi32, #tpu.memory_space<hbm>> -> memref<80xi32, #tpu.memory_space<hbm>>
        tpu.enqueue_dma source(%dma_start3A_150 : memref<80xi32, #tpu.memory_space<hbm>>) target(%arg14 : memref<80xi32, #tpu.memory_space<vmem>>) target_semaphore(%arg18 : memref<!tpu.dma_semaphore, #tpu.memory_space<semaphore_mem>>)
        %dma_wait3A_151 = arith.constant 0 : i32
        %dma_wait3A_152 = tpu.memref_slice %arg3[%dma_wait3A_151] : memref<322560xi32, #tpu.memory_space<hbm>> -> memref<80xi32, #tpu.memory_space<hbm>>
        %dma_wait3A_153 = arith.constant 0 : i32
        %dma_wait3A_154 = tpu.memref_slice %arg3[%dma_wait3A_153] : memref<322560xi32, #tpu.memory_space<hbm>> -> memref<80xi32, #tpu.memory_space<hbm>>
        tpu.wait_dma2 semaphore(%arg17 : memref<!tpu.dma_semaphore, #tpu.memory_space<semaphore_mem>>) src(%dma_wait3A_154 : memref<80xi32, #tpu.memory_space<hbm>>) dst(%arg13 : memref<80xi32, #tpu.memory_space<vmem>>)
        %dma_wait3A_155 = arith.constant 0 : i32
        %dma_wait3A_156 = tpu.memref_slice %arg5[%dma_wait3A_155] : memref<322560xf32, #tpu.memory_space<hbm>> -> memref<80xf32, #tpu.memory_space<hbm>>
        %dma_wait3A_157 = arith.constant 0 : i32
        %dma_wait3A_158 = tpu.memref_slice %arg5[%dma_wait3A_157] : memref<322560xf32, #tpu.memory_space<hbm>> -> memref<80xf32, #tpu.memory_space<hbm>>
        tpu.wait_dma2 semaphore(%arg17 : memref<!tpu.dma_semaphore, #tpu.memory_space<semaphore_mem>>) src(%dma_wait3A_158 : memref<80xf32, #tpu.memory_space<hbm>>) dst(%arg15 : memref<80xf32, #tpu.memory_space<vmem>>)
        %dma_start3A_159 = arith.constant 0 : i32
        %dma_start3A_160 = arith.constant 0 : i32
        %dma_start3A_161 = tpu.memref_slice %arg2[%dma_start3A_159, %dma_start3A_160] : memref<10000x128xf32, #tpu.memory_space<hbm>> -> memref<10000x128xf32, #tpu.memory_space<hbm>>
        tpu.enqueue_indirect_dma source(%dma_start3A_161 : memref<10000x128xf32, #tpu.memory_space<hbm>>) target(%arg16 : memref<80x128xf32, #tpu.memory_space<vmem>>) offsets(%arg13 : memref<80xi32, #tpu.memory_space<vmem>>) semaphore(%arg19 : memref<!tpu.dma_semaphore, #tpu.memory_space<semaphore_mem>>)
      } else {
      }
      %dma_wait3A_124 = arith.constant 0 : i32
      %dma_wait3A_125 = tpu.memref_slice %arg4[%dma_wait3A_124] : memref<322560xi32, #tpu.memory_space<hbm>> -> memref<80xi32, #tpu.memory_space<hbm>>
      %dma_wait3A_126 = arith.constant 0 : i32
      %dma_wait3A_127 = tpu.memref_slice %arg4[%dma_wait3A_126] : memref<322560xi32, #tpu.memory_space<hbm>> -> memref<80xi32, #tpu.memory_space<hbm>>
      tpu.wait_dma2 semaphore(%arg26 : memref<!tpu.dma_semaphore, #tpu.memory_space<semaphore_mem>>) src(%dma_wait3A_127 : memref<80xi32, #tpu.memory_space<hbm>>) dst(%arg22 : memref<80xi32, #tpu.memory_space<vmem>>)
      %parallel_loop3A_128 = arith.constant 0 : i32
      %parallel_loop3A_129 = arith.constant 80 : i32
      %parallel_loop3A_130 = arith.constant 1 : i32
      scf.for %parallel_loop3A_144 = %parallel_loop3A_128 to %parallel_loop3A_129 step %parallel_loop3A_130  : i32 {
        %parallel_loop3A_145 = vector.broadcast %parallel_loop3A_144 : i32 to vector<16xi32>
        %parallel_loop3A_146 = tpu.vector_load_idx %arg23[%parallel_loop3A_145] : memref<80xf32, #tpu.memory_space<vmem>>[vector<16xi32>], vector<16xf32>,
        %parallel_loop3A_147 = arith.index_cast %parallel_loop3A_144 : i32 to index
        %parallel_loop3A_148 = arith.constant 0 : index
        %parallel_loop3A_149 = tpu.vector_load %arg24[%parallel_loop3A_147, %parallel_loop3A_148] {strides = array<i32>} : memref<80x128xf32, #tpu.memory_space<vmem>>, vector<16xf32>,
        %parallel_loop3A_150 = arith.mulf %parallel_loop3A_149, %parallel_loop3A_146 : vector<16xf32>
        %parallel_loop3A_151 = arith.index_cast %parallel_loop3A_144 : i32 to index
        %parallel_loop3A_152 = arith.constant 0 : index
        %parallel_loop3A_153 = tpu.vector_load %arg24[%parallel_loop3A_151, %parallel_loop3A_152] {strides = array<i32>} : memref<80x128xf32, #tpu.memory_space<vmem>>, vector<16xf32>,
        tpu.vector_store %arg24[%parallel_loop3A_151, %parallel_loop3A_152], %parallel_loop3A_150 {strides = array<i32>} : memref<80x128xf32, #tpu.memory_space<vmem>>, vector<16xf32>,
        %parallel_loop3A_154 = arith.index_cast %parallel_loop3A_144 : i32 to index
        %parallel_loop3A_155 = arith.constant 16 : index
        %parallel_loop3A_156 = tpu.vector_load %arg24[%parallel_loop3A_154, %parallel_loop3A_155] {strides = array<i32>} : memref<80x128xf32, #tpu.memory_space<vmem>>, vector<16xf32>,
        %parallel_loop3A_157 = arith.mulf %parallel_loop3A_156, %parallel_loop3A_146 : vector<16xf32>
        %parallel_loop3A_158 = arith.index_cast %parallel_loop3A_144 : i32 to index
        %parallel_loop3A_159 = arith.constant 16 : index
        %parallel_loop3A_160 = tpu.vector_load %arg24[%parallel_loop3A_158, %parallel_loop3A_159] {strides = array<i32>} : memref<80x128xf32, #tpu.memory_space<vmem>>, vector<16xf32>,
        tpu.vector_store %arg24[%parallel_loop3A_158, %parallel_loop3A_159], %parallel_loop3A_157 {strides = array<i32>} : memref<80x128xf32, #tpu.memory_space<vmem>>, vector<16xf32>,
        %parallel_loop3A_161 = arith.index_cast %parallel_loop3A_144 : i32 to index
        %parallel_loop3A_162 = arith.constant 32 : index
        %parallel_loop3A_163 = tpu.vector_load %arg24[%parallel_loop3A_161, %parallel_loop3A_162] {strides = array<i32>} : memref<80x128xf32, #tpu.memory_space<vmem>>, vector<16xf32>,
        %parallel_loop3A_164 = arith.mulf %parallel_loop3A_163, %parallel_loop3A_146 : vector<16xf32>
        %parallel_loop3A_165 = arith.index_cast %parallel_loop3A_144 : i32 to index
        %parallel_loop3A_166 = arith.constant 32 : index
        %parallel_loop3A_167 = tpu.vector_load %arg24[%parallel_loop3A_165, %parallel_loop3A_166] {strides = array<i32>} : memref<80x128xf32, #tpu.memory_space<vmem>>, vector<16xf32>,
        tpu.vector_store %arg24[%parallel_loop3A_165, %parallel_loop3A_166], %parallel_loop3A_164 {strides = array<i32>} : memref<80x128xf32, #tpu.memory_space<vmem>>, vector<16xf32>,
        %parallel_loop3A_168 = arith.index_cast %parallel_loop3A_144 : i32 to index
        %parallel_loop3A_169 = arith.constant 48 : index
        %parallel_loop3A_170 = tpu.vector_load %arg24[%parallel_loop3A_168, %parallel_loop3A_169] {strides = array<i32>} : memref<80x128xf32, #tpu.memory_space<vmem>>, vector<16xf32>,
        %parallel_loop3A_171 = arith.mulf %parallel_loop3A_170, %parallel_loop3A_146 : vector<16xf32>
        %parallel_loop3A_172 = arith.index_cast %parallel_loop3A_144 : i32 to index
        %parallel_loop3A_173 = arith.constant 48 : index
        %parallel_loop3A_174 = tpu.vector_load %arg24[%parallel_loop3A_172, %parallel_loop3A_173] {strides = array<i32>} : memref<80x128xf32, #tpu.memory_space<vmem>>, vector<16xf32>,
        tpu.vector_store %arg24[%parallel_loop3A_172, %parallel_loop3A_173], %parallel_loop3A_171 {strides = array<i32>} : memref<80x128xf32, #tpu.memory_space<vmem>>, vector<16xf32>,
        %parallel_loop3A_175 = arith.index_cast %parallel_loop3A_144 : i32 to index
        %parallel_loop3A_176 = arith.constant 64 : index
        %parallel_loop3A_177 = tpu.vector_load %arg24[%parallel_loop3A_175, %parallel_loop3A_176] {strides = array<i32>} : memref<80x128xf32, #tpu.memory_space<vmem>>, vector<16xf32>,
        %parallel_loop3A_178 = arith.mulf %parallel_loop3A_177, %parallel_loop3A_146 : vector<16xf32>
        %parallel_loop3A_179 = arith.index_cast %parallel_loop3A_144 : i32 to index
        %parallel_loop3A_180 = arith.constant 64 : index
        %parallel_loop3A_181 = tpu.vector_load %arg24[%parallel_loop3A_179, %parallel_loop3A_180] {strides = array<i32>} : memref<80x128xf32, #tpu.memory_space<vmem>>, vector<16xf32>,
        tpu.vector_store %arg24[%parallel_loop3A_179, %parallel_loop3A_180], %parallel_loop3A_178 {strides = array<i32>} : memref<80x128xf32, #tpu.memory_space<vmem>>, vector<16xf32>,
        %parallel_loop3A_182 = arith.index_cast %parallel_loop3A_144 : i32 to index
        %parallel_loop3A_183 = arith.constant 80 : index
        %parallel_loop3A_184 = tpu.vector_load %arg24[%parallel_loop3A_182, %parallel_loop3A_183] {strides = array<i32>} : memref<80x128xf32, #tpu.memory_space<vmem>>, vector<16xf32>,
        %parallel_loop3A_185 = arith.mulf %parallel_loop3A_184, %parallel_loop3A_146 : vector<16xf32>
        %parallel_loop3A_186 = arith.index_cast %parallel_loop3A_144 : i32 to index
        %parallel_loop3A_187 = arith.constant 80 : index
        %parallel_loop3A_188 = tpu.vector_load %arg24[%parallel_loop3A_186, %parallel_loop3A_187] {strides = array<i32>} : memref<80x128xf32, #tpu.memory_space<vmem>>, vector<16xf32>,
        tpu.vector_store %arg24[%parallel_loop3A_186, %parallel_loop3A_187], %parallel_loop3A_185 {strides = array<i32>} : memref<80x128xf32, #tpu.memory_space<vmem>>, vector<16xf32>,
        %parallel_loop3A_189 = arith.index_cast %parallel_loop3A_144 : i32 to index
        %parallel_loop3A_190 = arith.constant 96 : index
        %parallel_loop3A_191 = tpu.vector_load %arg24[%parallel_loop3A_189, %parallel_loop3A_190] {strides = array<i32>} : memref<80x128xf32, #tpu.memory_space<vmem>>, vector<16xf32>,
        %parallel_loop3A_192 = arith.mulf %parallel_loop3A_191, %parallel_loop3A_146 : vector<16xf32>
        %parallel_loop3A_193 = arith.index_cast %parallel_loop3A_144 : i32 to index
        %parallel_loop3A_194 = arith.constant 96 : index
        %parallel_loop3A_195 = tpu.vector_load %arg24[%parallel_loop3A_193, %parallel_loop3A_194] {strides = array<i32>} : memref<80x128xf32, #tpu.memory_space<vmem>>, vector<16xf32>,
        tpu.vector_store %arg24[%parallel_loop3A_193, %parallel_loop3A_194], %parallel_loop3A_192 {strides = array<i32>} : memref<80x128xf32, #tpu.memory_space<vmem>>, vector<16xf32>,
        %parallel_loop3A_196 = arith.index_cast %parallel_loop3A_144 : i32 to index
        %parallel_loop3A_197 = arith.constant 112 : index
        %parallel_loop3A_198 = tpu.vector_load %arg24[%parallel_loop3A_196, %parallel_loop3A_197] {strides = array<i32>} : memref<80x128xf32, #tpu.memory_space<vmem>>, vector<16xf32>,
        %parallel_loop3A_199 = arith.mulf %parallel_loop3A_198, %parallel_loop3A_146 : vector<16xf32>
        %parallel_loop3A_200 = arith.index_cast %parallel_loop3A_144 : i32 to index
        %parallel_loop3A_201 = arith.constant 112 : index
        %parallel_loop3A_202 = tpu.vector_load %arg24[%parallel_loop3A_200, %parallel_loop3A_201] {strides = array<i32>} : memref<80x128xf32, #tpu.memory_space<vmem>>, vector<16xf32>,
        tpu.vector_store %arg24[%parallel_loop3A_200, %parallel_loop3A_201], %parallel_loop3A_199 {strides = array<i32>} : memref<80x128xf32, #tpu.memory_space<vmem>>, vector<16xf32>,
      } {sc.loop_unroll_factor = 8 : i64, sc.parallel_access}
      %scan3A_131 = arith.constant 0 : i32
      %scan3A_132 = arith.constant 5 : i32
      %scan3A_133 = arith.addi %scan3A_131, %scan3A_132 : i32
      %scan3A_134 = arith.constant 1 : i32
      scf.for %scan3A_144 = %scan3A_131 to %scan3A_133 step %scan3A_134  : i32 {
        %mul3A_145 = arith.constant 1 : i32
        %mul3A_146 = arith.muli %scan3A_144, %mul3A_145 : i32
        %add3A_147 = arith.constant 0 : i32
        %add3A_148 = arith.addi %add3A_147, %mul3A_146 : i32
        %mul3A_149 = arith.constant 16 : i32
        %mul3A_150 = arith.muli %add3A_148, %mul3A_149 : i32
        %get3A = arith.index_cast %mul3A_150 : i32 to index
        %get3A_151 = tpu.vector_load %arg22[%get3A] {strides = array<i32>} : memref<80xi32, #tpu.memory_space<vmem>>, vector<16xi32>,
        %mul3A_152 = arith.constant 16 : i32
        %mul3A_153 = arith.muli %add3A_148, %mul3A_152 : i32
        %get3A_154 = arith.index_cast %mul3A_153 : i32 to index
        %get3A_155 = tpu.vector_load %arg23[%get3A_154] {strides = array<i32>} : memref<80xf32, #tpu.memory_space<vmem>>, vector<16xf32>,
        %shift_right_logical3A = arith.constant 7 : i32
        %shift_right_logical3A_156 = vector.broadcast %shift_right_logical3A : i32 to vector<16xi32>
        %shift_right_logical3A_157 = arith.shrui %get3A_151, %shift_right_logical3A_156 : vector<16xi32>
        %and3A = arith.constant 127 : i32
        %and3A_158 = vector.broadcast %and3A : i32 to vector<16xi32>
        %and3A_159 = arith.andi %get3A_151, %and3A_158 : vector<16xi32>
        tpu.vector_store_idx %arg10[%shift_right_logical3A_157, %and3A_159], %get3A_155 {add = true} : memref<80x128xf32, #tpu.memory_space<vmem>>[vector<16xi32>, vector<16xi32>], vector<16xf32>,
      }
      %scan3A_135 = arith.constant 5 : i32
      %lt3A_136 = arith.constant 62 : i32
      %lt3A_137 = arith.cmpi slt, %add3A_69, %lt3A_136 : i32
      %convert_element_type3A_138 = arith.extui %lt3A_137 : i1 to i32
      %cond3A_139 = arith.constant 0 : i32
      %cond3A_140 = arith.cmpi ne, %convert_element_type3A_138, %cond3A_139 : i32
      scf.if %cond3A_140 {
        %add3A_144 = arith.constant 2 : i32
        %add3A_145 = arith.addi %add3A_75, %add3A_144 : i32
        %mul3A_146 = arith.constant 80 : i32
        %mul3A_147 = arith.muli %add3A_145, %mul3A_146 : i32
        %add3A_148 = arith.addi %mul3A_4, %mul3A_147 : i32
        %dma_start3A_149 = tpu.memref_slice %arg3[%add3A_148] : memref<322560xi32, #tpu.memory_space<hbm>> -> memref<80xi32, #tpu.memory_space<hbm>>
        %dma_start3A_150 = tpu.memref_slice %arg3[%add3A_148] : memref<322560xi32, #tpu.memory_space<hbm>> -> memref<80xi32, #tpu.memory_space<hbm>>
        tpu.enqueue_dma source(%dma_start3A_150 : memref<80xi32, #tpu.memory_space<hbm>>) target(%arg21 : memref<80xi32, #tpu.memory_space<vmem>>) target_semaphore(%arg25 : memref<!tpu.dma_semaphore, #tpu.memory_space<semaphore_mem>>)
        %dma_start3A_151 = tpu.memref_slice %arg5[%add3A_148] : memref<322560xf32, #tpu.memory_space<hbm>> -> memref<80xf32, #tpu.memory_space<hbm>>
        %dma_start3A_152 = tpu.memref_slice %arg5[%add3A_148] : memref<322560xf32, #tpu.memory_space<hbm>> -> memref<80xf32, #tpu.memory_space<hbm>>
        tpu.enqueue_dma source(%dma_start3A_152 : memref<80xf32, #tpu.memory_space<hbm>>) target(%arg23 : memref<80xf32, #tpu.memory_space<vmem>>) target_semaphore(%arg25 : memref<!tpu.dma_semaphore, #tpu.memory_space<semaphore_mem>>)
      } else {
      }
      %dma_start3A_141 = arith.constant 0 : i32
      %dma_start3A_142 = arith.constant 0 : i32
      %dma_start3A_143 = tpu.memref_slice %arg8[%dma_start3A_141, %dma_start3A_142] : memref<10240x128xf32, #tpu.memory_space<vmem_shared>> -> memref<10240x128xf32, #tpu.memory_space<vmem_shared>>
      tpu.enqueue_indirect_dma source(%arg24 : memref<80x128xf32, #tpu.memory_space<vmem>>) target(%dma_start3A_143 : memref<10240x128xf32, #tpu.memory_space<vmem_shared>>) offsets(%arg22 : memref<80xi32, #tpu.memory_space<vmem>>) semaphore(%arg28 : memref<!tpu.dma_semaphore, #tpu.memory_space<semaphore_mem>>) {add = true}
    }
    %scan3A_53 = arith.constant 63 : i32
    %dma_wait3A_54 = arith.constant 0 : i32
    %dma_wait3A_55 = arith.constant 0 : i32
    %dma_wait3A_56 = tpu.memref_slice %arg8[%dma_wait3A_54, %dma_wait3A_55] : memref<10240x128xf32, #tpu.memory_space<vmem_shared>> -> memref<10240x128xf32, #tpu.memory_space<vmem_shared>>
    tpu.wait_indirect_dma semaphore(%arg28 : memref<!tpu.dma_semaphore, #tpu.memory_space<semaphore_mem>>) src(%arg24 : memref<80x128xf32, #tpu.memory_space<vmem>>) dst(%dma_wait3A_56 : memref<10240x128xf32, #tpu.memory_space<vmem_shared>>)
    "tpu.region"() ({
      %run_scoped3A = tpu.sem_alloc : memref<!tpu.dma_semaphore, #tpu.memory_space<semaphore_mem>>
      %dma_start3A_65 = arith.constant 0 : i32
      %dma_start3A_66 = arith.constant 0 : i32
      %dma_start3A_67 = tpu.memref_slice %arg9[%arg1, %dma_start3A_65, %dma_start3A_66] : memref<16x80x128xf32, #tpu.memory_space<vmem_shared>> -> memref<1x80x128xf32, #tpu.memory_space<vmem_shared>>
      %dma_start3A_68 = tpu.memref_squeeze %dma_start3A_67 : memref<1x80x128xf32, #tpu.memory_space<vmem_shared>> -> memref<80x128xf32, #tpu.memory_space<vmem_shared>>
      %dma_start3A_69 = arith.constant 0 : i32
      %dma_start3A_70 = arith.constant 0 : i32
      %dma_start3A_71 = tpu.memref_slice %arg9[%arg1, %dma_start3A_69, %dma_start3A_70] : memref<16x80x128xf32, #tpu.memory_space<vmem_shared>> -> memref<1x80x128xf32, #tpu.memory_space<vmem_shared>>
      %dma_start3A_72 = tpu.memref_squeeze %dma_start3A_71 : memref<1x80x128xf32, #tpu.memory_space<vmem_shared>> -> memref<80x128xf32, #tpu.memory_space<vmem_shared>>
      tpu.enqueue_dma source(%arg10 : memref<80x128xf32, #tpu.memory_space<vmem>>) target(%dma_start3A_72 : memref<80x128xf32, #tpu.memory_space<vmem_shared>>) target_semaphore(%run_scoped3A : memref<!tpu.dma_semaphore, #tpu.memory_space<semaphore_mem>>)
      %dma_wait3A_73 = arith.constant 0 : i32
      %dma_wait3A_74 = arith.constant 0 : i32
      %dma_wait3A_75 = tpu.memref_slice %arg9[%arg1, %dma_wait3A_73, %dma_wait3A_74] : memref<16x80x128xf32, #tpu.memory_space<vmem_shared>> -> memref<1x80x128xf32, #tpu.memory_space<vmem_shared>>
      %dma_wait3A_76 = tpu.memref_squeeze %dma_wait3A_75 : memref<1x80x128xf32, #tpu.memory_space<vmem_shared>> -> memref<80x128xf32, #tpu.memory_space<vmem_shared>>
      %dma_wait3A_77 = arith.constant 0 : i32
      %dma_wait3A_78 = arith.constant 0 : i32
      %dma_wait3A_79 = tpu.memref_slice %arg9[%arg1, %dma_wait3A_77, %dma_wait3A_78] : memref<16x80x128xf32, #tpu.memory_space<vmem_shared>> -> memref<1x80x128xf32, #tpu.memory_space<vmem_shared>>
      %dma_wait3A_80 = tpu.memref_squeeze %dma_wait3A_79 : memref<1x80x128xf32, #tpu.memory_space<vmem_shared>> -> memref<80x128xf32, #tpu.memory_space<vmem_shared>>
      tpu.wait_dma2 semaphore(%run_scoped3A : memref<!tpu.dma_semaphore, #tpu.memory_space<semaphore_mem>>) src(%arg10 : memref<80x128xf32, #tpu.memory_space<vmem>>) dst(%dma_wait3A_80 : memref<80x128xf32, #tpu.memory_space<vmem_shared>>)
      tpu.yield
    }) : () -> ()
    %barrier3A_57 = arith.constant 0 : index
    tpu.barrier barrier_id(%barrier3A_57)
    %scan3A_58 = arith.constant 0 : i32
    %scan3A_59 = arith.constant 8 : i32
    %scan3A_60 = arith.addi %scan3A_58, %scan3A_59 : i32
    %scan3A_61 = arith.constant 1 : i32
    scf.for %scan3A_65 = %scan3A_58 to %scan3A_60 step %scan3A_61  : i32 {
      %mul3A_66 = arith.constant 1 : i32
      %mul3A_67 = arith.muli %scan3A_65, %mul3A_66 : i32
      %add3A_68 = arith.constant 0 : i32
      %add3A_69 = arith.addi %add3A_68, %mul3A_67 : i32
      %mul3A_70 = arith.constant 80 : i32
      %mul3A_71 = arith.muli %add3A_69, %mul3A_70 : i32
      %add3A_72 = arith.addi %mul3A_2, %mul3A_71 : i32
      "tpu.region"() ({
        %run_scoped3A = tpu.sem_alloc : memref<!tpu.dma_semaphore, #tpu.memory_space<semaphore_mem>>
        %dma_start3A_73 = arith.constant 0 : i32
        %dma_start3A_74 = tpu.memref_slice %arg8[%add3A_72, %dma_start3A_73] : memref<10240x128xf32, #tpu.memory_space<vmem_shared>> -> memref<80x128xf32, #tpu.memory_space<vmem_shared>>
        %dma_start3A_75 = arith.constant 0 : i32
        %dma_start3A_76 = tpu.memref_slice %arg8[%add3A_72, %dma_start3A_75] : memref<10240x128xf32, #tpu.memory_space<vmem_shared>> -> memref<80x128xf32, #tpu.memory_space<vmem_shared>>
        tpu.enqueue_dma source(%dma_start3A_76 : memref<80x128xf32, #tpu.memory_space<vmem_shared>>) target(%arg16 : memref<80x128xf32, #tpu.memory_space<vmem>>) target_semaphore(%run_scoped3A : memref<!tpu.dma_semaphore, #tpu.memory_space<semaphore_mem>>)
        %dma_wait3A_77 = arith.constant 0 : i32
        %dma_wait3A_78 = tpu.memref_slice %arg8[%add3A_72, %dma_wait3A_77] : memref<10240x128xf32, #tpu.memory_space<vmem_shared>> -> memref<80x128xf32, #tpu.memory_space<vmem_shared>>
        %dma_wait3A_79 = arith.constant 0 : i32
        %dma_wait3A_80 = tpu.memref_slice %arg8[%add3A_72, %dma_wait3A_79] : memref<10240x128xf32, #tpu.memory_space<vmem_shared>> -> memref<80x128xf32, #tpu.memory_space<vmem_shared>>
        tpu.wait_dma2 semaphore(%run_scoped3A : memref<!tpu.dma_semaphore, #tpu.memory_space<semaphore_mem>>) src(%dma_wait3A_80 : memref<80x128xf32, #tpu.memory_space<vmem_shared>>) dst(%arg16 : memref<80x128xf32, #tpu.memory_space<vmem>>)
        tpu.yield
      }) : () -> ()
      "tpu.region"() ({
        %run_scoped3A = tpu.sem_alloc : memref<!tpu.dma_semaphore, #tpu.memory_space<semaphore_mem>>
        %dma_start3A_73 = arith.constant 0 : i32
        %dma_start3A_74 = tpu.memref_slice %arg6[%arg0, %add3A_72, %dma_start3A_73] : memref<2x10240x128xf32, #tpu.memory_space<hbm>> -> memref<1x80x128xf32, #tpu.memory_space<hbm>>
        %dma_start3A_75 = tpu.memref_squeeze %dma_start3A_74 : memref<1x80x128xf32, #tpu.memory_space<hbm>> -> memref<80x128xf32, #tpu.memory_space<hbm>>
        %dma_start3A_76 = arith.constant 0 : i32
        %dma_start3A_77 = tpu.memref_slice %arg6[%arg0, %add3A_72, %dma_start3A_76] : memref<2x10240x128xf32, #tpu.memory_space<hbm>> -> memref<1x80x128xf32, #tpu.memory_space<hbm>>
        %dma_start3A_78 = tpu.memref_squeeze %dma_start3A_77 : memref<1x80x128xf32, #tpu.memory_space<hbm>> -> memref<80x128xf32, #tpu.memory_space<hbm>>
        tpu.enqueue_dma source(%arg16 : memref<80x128xf32, #tpu.memory_space<vmem>>) target(%dma_start3A_78 : memref<80x128xf32, #tpu.memory_space<hbm>>) target_semaphore(%run_scoped3A : memref<!tpu.dma_semaphore, #tpu.memory_space<semaphore_mem>>)
        %dma_wait3A_79 = arith.constant 0 : i32
        %dma_wait3A_80 = tpu.memref_slice %arg6[%arg0, %add3A_72, %dma_wait3A_79] : memref<2x10240x128xf32, #tpu.memory_space<hbm>> -> memref<1x80x128xf32, #tpu.memory_space<hbm>>
        %dma_wait3A_81 = tpu.memref_squeeze %dma_wait3A_80 : memref<1x80x128xf32, #tpu.memory_space<hbm>> -> memref<80x128xf32, #tpu.memory_space<hbm>>
        %dma_wait3A_82 = arith.constant 0 : i32
        %dma_wait3A_83 = tpu.memref_slice %arg6[%arg0, %add3A_72, %dma_wait3A_82] : memref<2x10240x128xf32, #tpu.memory_space<hbm>> -> memref<1x80x128xf32, #tpu.memory_space<hbm>>
        %dma_wait3A_84 = tpu.memref_squeeze %dma_wait3A_83 : memref<1x80x128xf32, #tpu.memory_space<hbm>> -> memref<80x128xf32, #tpu.memory_space<hbm>>
        tpu.wait_dma2 semaphore(%run_scoped3A : memref<!tpu.dma_semaphore, #tpu.memory_space<semaphore_mem>>) src(%arg16 : memref<80x128xf32, #tpu.memory_space<vmem>>) dst(%dma_wait3A_84 : memref<80x128xf32, #tpu.memory_space<hbm>>)
        tpu.yield
      }) : () -> ()
    }
    %scan3A_62 = arith.constant 8 : i32
    %lt3A = arith.constant 10 : i32
    %lt3A_63 = arith.cmpi slt, %arg1, %lt3A : i32
    %convert_element_type3A = arith.extui %lt3A_63 : i1 to i32
    %cond3A = arith.constant 0 : i32
    %cond3A_64 = arith.cmpi ne, %convert_element_type3A, %cond3A : i32
    scf.if %cond3A_64 {
      %mul3A_65 = arith.constant 8 : i32
      %mul3A_66 = arith.muli %arg1, %mul3A_65 : i32
      %scan3A_67 = arith.constant 0 : i32
      %scan3A_68 = arith.constant 8 : i32
      %scan3A_69 = arith.addi %scan3A_67, %scan3A_68 : i32
      %scan3A_70 = arith.constant 1 : i32
      scf.for %scan3A_77 = %scan3A_67 to %scan3A_69 step %scan3A_70  : i32 {
        %mul3A_78 = arith.constant 1 : i32
        %mul3A_79 = arith.muli %scan3A_77, %mul3A_78 : i32
        %add3A_80 = arith.constant 0 : i32
        %add3A_81 = arith.addi %add3A_80, %mul3A_79 : i32
        %swap3A = arith.index_cast %add3A_81 : i32 to index
        %swap3A_82 = arith.constant 0 : index
        %swap3A_83 = tpu.vector_load %arg12[%swap3A, %swap3A_82] {strides = array<i32>} : memref<8x128xf32, #tpu.memory_space<vmem>>, vector<16xf32>,
        tpu.vector_store %arg12[%swap3A, %swap3A_82], %broadcast_in_dim3A_5 {strides = array<i32>} : memref<8x128xf32, #tpu.memory_space<vmem>>, vector<16xf32>,
        %swap3A_84 = arith.index_cast %add3A_81 : i32 to index
        %swap3A_85 = arith.constant 16 : index
        %swap3A_86 = tpu.vector_load %arg12[%swap3A_84, %swap3A_85] {strides = array<i32>} : memref<8x128xf32, #tpu.memory_space<vmem>>, vector<16xf32>,
        tpu.vector_store %arg12[%swap3A_84, %swap3A_85], %broadcast_in_dim3A_5 {strides = array<i32>} : memref<8x128xf32, #tpu.memory_space<vmem>>, vector<16xf32>,
        %swap3A_87 = arith.index_cast %add3A_81 : i32 to index
        %swap3A_88 = arith.constant 32 : index
        %swap3A_89 = tpu.vector_load %arg12[%swap3A_87, %swap3A_88] {strides = array<i32>} : memref<8x128xf32, #tpu.memory_space<vmem>>, vector<16xf32>,
        tpu.vector_store %arg12[%swap3A_87, %swap3A_88], %broadcast_in_dim3A_5 {strides = array<i32>} : memref<8x128xf32, #tpu.memory_space<vmem>>, vector<16xf32>,
        %swap3A_90 = arith.index_cast %add3A_81 : i32 to index
        %swap3A_91 = arith.constant 48 : index
        %swap3A_92 = tpu.vector_load %arg12[%swap3A_90, %swap3A_91] {strides = array<i32>} : memref<8x128xf32, #tpu.memory_space<vmem>>, vector<16xf32>,
        tpu.vector_store %arg12[%swap3A_90, %swap3A_91], %broadcast_in_dim3A_5 {strides = array<i32>} : memref<8x128xf32, #tpu.memory_space<vmem>>, vector<16xf32>,
        %swap3A_93 = arith.index_cast %add3A_81 : i32 to index
        %swap3A_94 = arith.constant 64 : index
        %swap3A_95 = tpu.vector_load %arg12[%swap3A_93, %swap3A_94] {strides = array<i32>} : memref<8x128xf32, #tpu.memory_space<vmem>>, vector<16xf32>,
        tpu.vector_store %arg12[%swap3A_93, %swap3A_94], %broadcast_in_dim3A_5 {strides = array<i32>} : memref<8x128xf32, #tpu.memory_space<vmem>>, vector<16xf32>,
        %swap3A_96 = arith.index_cast %add3A_81 : i32 to index
        %swap3A_97 = arith.constant 80 : index
        %swap3A_98 = tpu.vector_load %arg12[%swap3A_96, %swap3A_97] {strides = array<i32>} : memref<8x128xf32, #tpu.memory_space<vmem>>, vector<16xf32>,
        tpu.vector_store %arg12[%swap3A_96, %swap3A_97], %broadcast_in_dim3A_5 {strides = array<i32>} : memref<8x128xf32, #tpu.memory_space<vmem>>, vector<16xf32>,
        %swap3A_99 = arith.index_cast %add3A_81 : i32 to index
        %swap3A_100 = arith.constant 96 : index
        %swap3A_101 = tpu.vector_load %arg12[%swap3A_99, %swap3A_100] {strides = array<i32>} : memref<8x128xf32, #tpu.memory_space<vmem>>, vector<16xf32>,
        tpu.vector_store %arg12[%swap3A_99, %swap3A_100], %broadcast_in_dim3A_5 {strides = array<i32>} : memref<8x128xf32, #tpu.memory_space<vmem>>, vector<16xf32>,
        %swap3A_102 = arith.index_cast %add3A_81 : i32 to index
        %swap3A_103 = arith.constant 112 : index
        %swap3A_104 = tpu.vector_load %arg12[%swap3A_102, %swap3A_103] {strides = array<i32>} : memref<8x128xf32, #tpu.memory_space<vmem>>, vector<16xf32>,
        tpu.vector_store %arg12[%swap3A_102, %swap3A_103], %broadcast_in_dim3A_5 {strides = array<i32>} : memref<8x128xf32, #tpu.memory_space<vmem>>, vector<16xf32>,
      }
      %scan3A_71 = arith.constant 8 : i32
      %scan3A_72 = arith.constant 0 : i32
      %scan3A_73 = arith.constant 16 : i32
      %scan3A_74 = arith.addi %scan3A_72, %scan3A_73 : i32
      %scan3A_75 = arith.constant 1 : i32
      scf.for %scan3A_77 = %scan3A_72 to %scan3A_74 step %scan3A_75  : i32 {
        %mul3A_78 = arith.constant 1 : i32
        %mul3A_79 = arith.muli %scan3A_77, %mul3A_78 : i32
        %add3A_80 = arith.constant 0 : i32
        %add3A_81 = arith.addi %add3A_80, %mul3A_79 : i32
        "tpu.region"() ({
          %run_scoped3A = tpu.sem_alloc : memref<!tpu.dma_semaphore, #tpu.memory_space<semaphore_mem>>
          %dma_start3A_87 = arith.constant 0 : i32
          %dma_start3A_88 = tpu.memref_slice %arg9[%add3A_81, %mul3A_66, %dma_start3A_87] : memref<16x80x128xf32, #tpu.memory_space<vmem_shared>> -> memref<1x8x128xf32, #tpu.memory_space<vmem_shared>>
          %dma_start3A_89 = tpu.memref_squeeze %dma_start3A_88 : memref<1x8x128xf32, #tpu.memory_space<vmem_shared>> -> memref<8x128xf32, #tpu.memory_space<vmem_shared>>
          %dma_start3A_90 = arith.constant 0 : i32
          %dma_start3A_91 = tpu.memref_slice %arg9[%add3A_81, %mul3A_66, %dma_start3A_90] : memref<16x80x128xf32, #tpu.memory_space<vmem_shared>> -> memref<1x8x128xf32, #tpu.memory_space<vmem_shared>>
          %dma_start3A_92 = tpu.memref_squeeze %dma_start3A_91 : memref<1x8x128xf32, #tpu.memory_space<vmem_shared>> -> memref<8x128xf32, #tpu.memory_space<vmem_shared>>
          tpu.enqueue_dma source(%dma_start3A_92 : memref<8x128xf32, #tpu.memory_space<vmem_shared>>) target(%arg11 : memref<8x128xf32, #tpu.memory_space<vmem>>) target_semaphore(%run_scoped3A : memref<!tpu.dma_semaphore, #tpu.memory_space<semaphore_mem>>)
          %dma_wait3A_93 = arith.constant 0 : i32
          %dma_wait3A_94 = tpu.memref_slice %arg9[%add3A_81, %mul3A_66, %dma_wait3A_93] : memref<16x80x128xf32, #tpu.memory_space<vmem_shared>> -> memref<1x8x128xf32, #tpu.memory_space<vmem_shared>>
          %dma_wait3A_95 = tpu.memref_squeeze %dma_wait3A_94 : memref<1x8x128xf32, #tpu.memory_space<vmem_shared>> -> memref<8x128xf32, #tpu.memory_space<vmem_shared>>
          %dma_wait3A_96 = arith.constant 0 : i32
          %dma_wait3A_97 = tpu.memref_slice %arg9[%add3A_81, %mul3A_66, %dma_wait3A_96] : memref<16x80x128xf32, #tpu.memory_space<vmem_shared>> -> memref<1x8x128xf32, #tpu.memory_space<vmem_shared>>
          %dma_wait3A_98 = tpu.memref_squeeze %dma_wait3A_97 : memref<1x8x128xf32, #tpu.memory_space<vmem_shared>> -> memref<8x128xf32, #tpu.memory_space<vmem_shared>>
          tpu.wait_dma2 semaphore(%run_scoped3A : memref<!tpu.dma_semaphore, #tpu.memory_space<semaphore_mem>>) src(%dma_wait3A_98 : memref<8x128xf32, #tpu.memory_space<vmem_shared>>) dst(%arg11 : memref<8x128xf32, #tpu.memory_space<vmem>>)
          tpu.yield
        }) : () -> ()
        %scan3A_82 = arith.constant 0 : i32
        %scan3A_83 = arith.constant 8 : i32
        %scan3A_84 = arith.addi %scan3A_82, %scan3A_83 : i32
        %scan3A_85 = arith.constant 1 : i32
        scf.for %scan3A_87 = %scan3A_82 to %scan3A_84 step %scan3A_85  : i32 {
          %mul3A_88 = arith.constant 1 : i32
          %mul3A_89 = arith.muli %scan3A_87, %mul3A_88 : i32
          %add3A_90 = arith.constant 0 : i32
          %add3A_91 = arith.addi %add3A_90, %mul3A_89 : i32
          %get3A = arith.index_cast %add3A_91 : i32 to index
          %get3A_92 = arith.constant 0 : index
          %get3A_93 = tpu.vector_load %arg12[%get3A, %get3A_92] {strides = array<i32>} : memref<8x128xf32, #tpu.memory_space<vmem>>, vector<16xf32>,
          %get3A_94 = arith.index_cast %add3A_91 : i32 to index
          %get3A_95 = arith.constant 0 : index
          %get3A_96 = tpu.vector_load %arg11[%get3A_94, %get3A_95] {strides = array<i32>} : memref<8x128xf32, #tpu.memory_space<vmem>>, vector<16xf32>,
          %add3A_97 = arith.addf %get3A_93, %get3A_96 : vector<16xf32>
          %swap3A = arith.index_cast %add3A_91 : i32 to index
          %swap3A_98 = arith.constant 0 : index
          %swap3A_99 = tpu.vector_load %arg12[%swap3A, %swap3A_98] {strides = array<i32>} : memref<8x128xf32, #tpu.memory_space<vmem>>, vector<16xf32>,
          tpu.vector_store %arg12[%swap3A, %swap3A_98], %add3A_97 {strides = array<i32>} : memref<8x128xf32, #tpu.memory_space<vmem>>, vector<16xf32>,
          %get3A_100 = arith.index_cast %add3A_91 : i32 to index
          %get3A_101 = arith.constant 16 : index
          %get3A_102 = tpu.vector_load %arg12[%get3A_100, %get3A_101] {strides = array<i32>} : memref<8x128xf32, #tpu.memory_space<vmem>>, vector<16xf32>,
          %get3A_103 = arith.index_cast %add3A_91 : i32 to index
          %get3A_104 = arith.constant 16 : index
          %get3A_105 = tpu.vector_load %arg11[%get3A_103, %get3A_104] {strides = array<i32>} : memref<8x128xf32, #tpu.memory_space<vmem>>, vector<16xf32>,
          %add3A_106 = arith.addf %get3A_102, %get3A_105 : vector<16xf32>
          %swap3A_107 = arith.index_cast %add3A_91 : i32 to index
          %swap3A_108 = arith.constant 16 : index
          %swap3A_109 = tpu.vector_load %arg12[%swap3A_107, %swap3A_108] {strides = array<i32>} : memref<8x128xf32, #tpu.memory_space<vmem>>, vector<16xf32>,
          tpu.vector_store %arg12[%swap3A_107, %swap3A_108], %add3A_106 {strides = array<i32>} : memref<8x128xf32, #tpu.memory_space<vmem>>, vector<16xf32>,
          %get3A_110 = arith.index_cast %add3A_91 : i32 to index
          %get3A_111 = arith.constant 32 : index
          %get3A_112 = tpu.vector_load %arg12[%get3A_110, %get3A_111] {strides = array<i32>} : memref<8x128xf32, #tpu.memory_space<vmem>>, vector<16xf32>,
          %get3A_113 = arith.index_cast %add3A_91 : i32 to index
          %get3A_114 = arith.constant 32 : index
          %get3A_115 = tpu.vector_load %arg11[%get3A_113, %get3A_114] {strides = array<i32>} : memref<8x128xf32, #tpu.memory_space<vmem>>, vector<16xf32>,
          %add3A_116 = arith.addf %get3A_112, %get3A_115 : vector<16xf32>
          %swap3A_117 = arith.index_cast %add3A_91 : i32 to index
          %swap3A_118 = arith.constant 32 : index
          %swap3A_119 = tpu.vector_load %arg12[%swap3A_117, %swap3A_118] {strides = array<i32>} : memref<8x128xf32, #tpu.memory_space<vmem>>, vector<16xf32>,
          tpu.vector_store %arg12[%swap3A_117, %swap3A_118], %add3A_116 {strides = array<i32>} : memref<8x128xf32, #tpu.memory_space<vmem>>, vector<16xf32>,
          %get3A_120 = arith.index_cast %add3A_91 : i32 to index
          %get3A_121 = arith.constant 48 : index
          %get3A_122 = tpu.vector_load %arg12[%get3A_120, %get3A_121] {strides = array<i32>} : memref<8x128xf32, #tpu.memory_space<vmem>>, vector<16xf32>,
          %get3A_123 = arith.index_cast %add3A_91 : i32 to index
          %get3A_124 = arith.constant 48 : index
          %get3A_125 = tpu.vector_load %arg11[%get3A_123, %get3A_124] {strides = array<i32>} : memref<8x128xf32, #tpu.memory_space<vmem>>, vector<16xf32>,
          %add3A_126 = arith.addf %get3A_122, %get3A_125 : vector<16xf32>
          %swap3A_127 = arith.index_cast %add3A_91 : i32 to index
          %swap3A_128 = arith.constant 48 : index
          %swap3A_129 = tpu.vector_load %arg12[%swap3A_127, %swap3A_128] {strides = array<i32>} : memref<8x128xf32, #tpu.memory_space<vmem>>, vector<16xf32>,
          tpu.vector_store %arg12[%swap3A_127, %swap3A_128], %add3A_126 {strides = array<i32>} : memref<8x128xf32, #tpu.memory_space<vmem>>, vector<16xf32>,
          %get3A_130 = arith.index_cast %add3A_91 : i32 to index
          %get3A_131 = arith.constant 64 : index
          %get3A_132 = tpu.vector_load %arg12[%get3A_130, %get3A_131] {strides = array<i32>} : memref<8x128xf32, #tpu.memory_space<vmem>>, vector<16xf32>,
          %get3A_133 = arith.index_cast %add3A_91 : i32 to index
          %get3A_134 = arith.constant 64 : index
          %get3A_135 = tpu.vector_load %arg11[%get3A_133, %get3A_134] {strides = array<i32>} : memref<8x128xf32, #tpu.memory_space<vmem>>, vector<16xf32>,
          %add3A_136 = arith.addf %get3A_132, %get3A_135 : vector<16xf32>
          %swap3A_137 = arith.index_cast %add3A_91 : i32 to index
          %swap3A_138 = arith.constant 64 : index
          %swap3A_139 = tpu.vector_load %arg12[%swap3A_137, %swap3A_138] {strides = array<i32>} : memref<8x128xf32, #tpu.memory_space<vmem>>, vector<16xf32>,
          tpu.vector_store %arg12[%swap3A_137, %swap3A_138], %add3A_136 {strides = array<i32>} : memref<8x128xf32, #tpu.memory_space<vmem>>, vector<16xf32>,
          %get3A_140 = arith.index_cast %add3A_91 : i32 to index
          %get3A_141 = arith.constant 80 : index
          %get3A_142 = tpu.vector_load %arg12[%get3A_140, %get3A_141] {strides = array<i32>} : memref<8x128xf32, #tpu.memory_space<vmem>>, vector<16xf32>,
          %get3A_143 = arith.index_cast %add3A_91 : i32 to index
          %get3A_144 = arith.constant 80 : index
          %get3A_145 = tpu.vector_load %arg11[%get3A_143, %get3A_144] {strides = array<i32>} : memref<8x128xf32, #tpu.memory_space<vmem>>, vector<16xf32>,
          %add3A_146 = arith.addf %get3A_142, %get3A_145 : vector<16xf32>
          %swap3A_147 = arith.index_cast %add3A_91 : i32 to index
          %swap3A_148 = arith.constant 80 : index
          %swap3A_149 = tpu.vector_load %arg12[%swap3A_147, %swap3A_148] {strides = array<i32>} : memref<8x128xf32, #tpu.memory_space<vmem>>, vector<16xf32>,
          tpu.vector_store %arg12[%swap3A_147, %swap3A_148], %add3A_146 {strides = array<i32>} : memref<8x128xf32, #tpu.memory_space<vmem>>, vector<16xf32>,
          %get3A_150 = arith.index_cast %add3A_91 : i32 to index
          %get3A_151 = arith.constant 96 : index
          %get3A_152 = tpu.vector_load %arg12[%get3A_150, %get3A_151] {strides = array<i32>} : memref<8x128xf32, #tpu.memory_space<vmem>>, vector<16xf32>,
          %get3A_153 = arith.index_cast %add3A_91 : i32 to index
          %get3A_154 = arith.constant 96 : index
          %get3A_155 = tpu.vector_load %arg11[%get3A_153, %get3A_154] {strides = array<i32>} : memref<8x128xf32, #tpu.memory_space<vmem>>, vector<16xf32>,
          %add3A_156 = arith.addf %get3A_152, %get3A_155 : vector<16xf32>
          %swap3A_157 = arith.index_cast %add3A_91 : i32 to index
          %swap3A_158 = arith.constant 96 : index
          %swap3A_159 = tpu.vector_load %arg12[%swap3A_157, %swap3A_158] {strides = array<i32>} : memref<8x128xf32, #tpu.memory_space<vmem>>, vector<16xf32>,
          tpu.vector_store %arg12[%swap3A_157, %swap3A_158], %add3A_156 {strides = array<i32>} : memref<8x128xf32, #tpu.memory_space<vmem>>, vector<16xf32>,
          %get3A_160 = arith.index_cast %add3A_91 : i32 to index
          %get3A_161 = arith.constant 112 : index
          %get3A_162 = tpu.vector_load %arg12[%get3A_160, %get3A_161] {strides = array<i32>} : memref<8x128xf32, #tpu.memory_space<vmem>>, vector<16xf32>,
          %get3A_163 = arith.index_cast %add3A_91 : i32 to index
          %get3A_164 = arith.constant 112 : index
          %get3A_165 = tpu.vector_load %arg11[%get3A_163, %get3A_164] {strides = array<i32>} : memref<8x128xf32, #tpu.memory_space<vmem>>, vector<16xf32>,
          %add3A_166 = arith.addf %get3A_162, %get3A_165 : vector<16xf32>
          %swap3A_167 = arith.index_cast %add3A_91 : i32 to index
          %swap3A_168 = arith.constant 112 : index
          %swap3A_169 = tpu.vector_load %arg12[%swap3A_167, %swap3A_168] {strides = array<i32>} : memref<8x128xf32, #tpu.memory_space<vmem>>, vector<16xf32>,
          tpu.vector_store %arg12[%swap3A_167, %swap3A_168], %add3A_166 {strides = array<i32>} : memref<8x128xf32, #tpu.memory_space<vmem>>, vector<16xf32>,
        }
        %scan3A_86 = arith.constant 8 : i32
      }
      %scan3A_76 = arith.constant 16 : i32
      "tpu.region"() ({
        %run_scoped3A = tpu.sem_alloc : memref<!tpu.dma_semaphore, #tpu.memory_space<semaphore_mem>>
        %dma_start3A_77 = arith.constant 0 : i32
        %dma_start3A_78 = tpu.memref_slice %arg7[%arg0, %mul3A_66, %dma_start3A_77] : memref<2x80x128xf32, #tpu.memory_space<hbm>> -> memref<1x8x128xf32, #tpu.memory_space<hbm>>
        %dma_start3A_79 = tpu.memref_squeeze %dma_start3A_78 : memref<1x8x128xf32, #tpu.memory_space<hbm>> -> memref<8x128xf32, #tpu.memory_space<hbm>>
        %dma_start3A_80 = arith.constant 0 : i32
        %dma_start3A_81 = tpu.memref_slice %arg7[%arg0, %mul3A_66, %dma_start3A_80] : memref<2x80x128xf32, #tpu.memory_space<hbm>> -> memref<1x8x128xf32, #tpu.memory_space<hbm>>
        %dma_start3A_82 = tpu.memref_squeeze %dma_start3A_81 : memref<1x8x128xf32, #tpu.memory_space<hbm>> -> memref<8x128xf32, #tpu.memory_space<hbm>>
        tpu.enqueue_dma source(%arg12 : memref<8x128xf32, #tpu.memory_space<vmem>>) target(%dma_start3A_82 : memref<8x128xf32, #tpu.memory_space<hbm>>) target_semaphore(%run_scoped3A : memref<!tpu.dma_semaphore, #tpu.memory_space<semaphore_mem>>)
        %dma_wait3A_83 = arith.constant 0 : i32
        %dma_wait3A_84 = tpu.memref_slice %arg7[%arg0, %mul3A_66, %dma_wait3A_83] : memref<2x80x128xf32, #tpu.memory_space<hbm>> -> memref<1x8x128xf32, #tpu.memory_space<hbm>>
        %dma_wait3A_85 = tpu.memref_squeeze %dma_wait3A_84 : memref<1x8x128xf32, #tpu.memory_space<hbm>> -> memref<8x128xf32, #tpu.memory_space<hbm>>
        %dma_wait3A_86 = arith.constant 0 : i32
        %dma_wait3A_87 = tpu.memref_slice %arg7[%arg0, %mul3A_66, %dma_wait3A_86] : memref<2x80x128xf32, #tpu.memory_space<hbm>> -> memref<1x8x128xf32, #tpu.memory_space<hbm>>
        %dma_wait3A_88 = tpu.memref_squeeze %dma_wait3A_87 : memref<1x8x128xf32, #tpu.memory_space<hbm>> -> memref<8x128xf32, #tpu.memory_space<hbm>>
        tpu.wait_dma2 semaphore(%run_scoped3A : memref<!tpu.dma_semaphore, #tpu.memory_space<semaphore_mem>>) src(%arg12 : memref<8x128xf32, #tpu.memory_space<vmem>>) dst(%dma_wait3A_88 : memref<8x128xf32, #tpu.memory_space<hbm>>)
        tpu.yield
      }) : () -> ()
    } else {
    }
    return
  }
}

module attributes {stable_mosaic.version = 14 : i64} {
  func.func @body(%arg0: i32, %arg1: memref<2x1024x128xf32, #tpu.memory_space<vmem>>, %arg2: memref<2x1024x1xf32, #tpu.memory_space<vmem>>, %arg3: memref<128x128xf32, #tpu.memory_space<vmem>>, %arg4: memref<1x128xf32, #tpu.memory_space<vmem>>, %arg5: memref<1024x128xf32, #tpu.memory_space<vmem>>) attributes {dimension_semantics = [#tpu.dimension_semantics<arbitrary>], iteration_bounds = array<i64: 10>, scalar_prefetch = 0 : i64, scratch_operands = 0 : i64, tpu.core_type = #tpu.core_type<tc>, window_params = [{transform_indices = @transform_0, window_bounds = array<i64: 2, 1024, 128>}, {transform_indices = @transform_1, window_bounds = array<i64: 2, 1024, 1>}, {pipeline_mode = #tpu.pipeline_mode<synchronous>, transform_indices = @transform_2, window_bounds = array<i64: 128, 128>}, {pipeline_mode = #tpu.pipeline_mode<synchronous>, transform_indices = @transform_3, window_bounds = array<i64: 1, 128>}, {transform_indices = @transform_4, window_bounds = array<i64: 1024, 128>}]} {
    %get3A = arith.constant 0 : index
    %get3A_0 = arith.constant 0 : index
    %get3A_1 = arith.constant 0 : index
    %get3A_2 = vector.load %arg1[%get3A, %get3A_0, %get3A_1] : memref<2x1024x128xf32, #tpu.memory_space<vmem>>, vector<1x1024x128xf32>
    %get3A_3 = vector.shape_cast %get3A_2 : vector<1x1024x128xf32> to vector<1024x128xf32>
    %get3A_4 = arith.constant 1 : index
    %get3A_5 = arith.constant 0 : index
    %get3A_6 = arith.constant 0 : index
    %get3A_7 = vector.load %arg1[%get3A_4, %get3A_5, %get3A_6] : memref<2x1024x128xf32, #tpu.memory_space<vmem>>, vector<1x1024x128xf32>
    %get3A_8 = vector.shape_cast %get3A_7 : vector<1x1024x128xf32> to vector<1024x128xf32>
    %add3A = arith.addf %get3A_3, %get3A_8 : vector<1024x128xf32>
    %get3A_9 = arith.constant 0 : index
    %get3A_10 = arith.constant 0 : index
    %get3A_11 = arith.constant 0 : index
    %get3A_12 = vector.load %arg2[%get3A_9, %get3A_10, %get3A_11] : memref<2x1024x1xf32, #tpu.memory_space<vmem>>, vector<1x1024x1xf32>
    %get3A_13 = vector.shape_cast %get3A_12 : vector<1x1024x1xf32> to vector<1024x1xf32>
    %get3A_14 = arith.constant 1 : index
    %get3A_15 = arith.constant 0 : index
    %get3A_16 = arith.constant 0 : index
    %get3A_17 = vector.load %arg2[%get3A_14, %get3A_15, %get3A_16] : memref<2x1024x1xf32, #tpu.memory_space<vmem>>, vector<1x1024x1xf32>
    %get3A_18 = vector.shape_cast %get3A_17 : vector<1x1024x1xf32> to vector<1024x1xf32>
    %add3A_19 = arith.addf %get3A_13, %get3A_18 : vector<1024x1xf32>
    %gt3A = arith.constant 0.000000e+00 : f32
    %gt3A_20 = vector.broadcast %gt3A : f32 to vector<1024x1xf32>
    %gt3A_21 = arith.cmpf ogt, %add3A_19, %gt3A_20 : vector<1024x1xf32>
    %max3A = arith.constant 9.99999996E-13 : f32
    %max3A_22 = vector.broadcast %max3A : f32 to vector<1024x1xf32>
    %max3A_23 = arith.maximumf %add3A_19, %max3A_22 : vector<1024x1xf32>
    %div3A = vector.broadcast %max3A_23 : vector<1024x1xf32> to vector<1024x128xf32>
    %div3A_24 = arith.divf %add3A, %div3A : vector<1024x128xf32>
    %jit3A = arith.constant 0.000000e+00 : f32
    %broadcast_in_dim3A = vector.shape_cast %gt3A_21 : vector<1024x1xi1> to vector<1024x1xi1>
    %broadcast_in_dim3A_25 = vector.broadcast %broadcast_in_dim3A : vector<1024x1xi1> to vector<1024x128xi1>
    %broadcast_in_dim3A_26 = vector.broadcast %jit3A : f32 to vector<1024x128xf32>
    %select_n3A = arith.select %broadcast_in_dim3A_25, %div3A_24, %broadcast_in_dim3A_26 : vector<1024x128xi1>, vector<1024x128xf32>
    %get3A_27 = arith.constant 0 : index
    %get3A_28 = arith.constant 0 : index
    %get3A_29 = vector.load %arg3[%get3A_27, %get3A_28] : memref<128x128xf32, #tpu.memory_space<vmem>>, vector<128x128xf32>
    %dot_general3A = arith.constant dense<0.000000e+00> : vector<1024x128xf32>
    %dot_general3A_30 = tpu.matmul %select_n3A, %get3A_29, %dot_general3A {dimension_numbers = #tpu.dot_dimension_numbers<[1], [0], [0], [1], [0, 0, 1, 1], [], []>, transpose_lhs_hint = false} : vector<1024x128xf32>, vector<128x128xf32>, vector<1024x128xf32> -> vector<1024x128xf32>
    %get3A_31 = arith.constant 0 : index
    %get3A_32 = arith.constant 0 : index
    %get3A_33 = vector.load %arg4[%get3A_31, %get3A_32] : memref<1x128xf32, #tpu.memory_space<vmem>>, vector<1x128xf32>
    %add3A_34 = vector.broadcast %get3A_33 : vector<1x128xf32> to vector<1024x128xf32>
    %add3A_35 = arith.addf %dot_general3A_30, %add3A_34 : vector<1024x128xf32>
    %max3A_36 = arith.constant 0.000000e+00 : f32
    %max3A_37 = vector.broadcast %max3A_36 : f32 to vector<1024x128xf32>
    %max3A_38 = arith.maximumf %add3A_35, %max3A_37 : vector<1024x128xf32>
    %swap3A = arith.constant 0 : index
    %swap3A_39 = arith.constant 0 : index
    %swap3A_40 = vector.load %arg5[%swap3A, %swap3A_39] : memref<1024x128xf32, #tpu.memory_space<vmem>>, vector<1024x128xf32>
    tpu.vector_store %arg5[%swap3A, %swap3A_39], %max3A_38 {strides = array<i32>} : memref<1024x128xf32, #tpu.memory_space<vmem>>, vector<1024x128xf32>,
    return
  }
  func.func @transform_0(%arg0: i32) -> (i32, i32, i32) {
    %c0_i32 = arith.constant 0 : i32
    %c0_i32_0 = arith.constant 0 : i32
    %c0_i32_1 = arith.constant 0 : i32
    return %c0_i32, %arg0, %c0_i32_0 : i32, i32, i32
  }
  func.func @transform_1(%arg0: i32) -> (i32, i32, i32) {
    %c0_i32 = arith.constant 0 : i32
    %c0_i32_0 = arith.constant 0 : i32
    %c0_i32_1 = arith.constant 0 : i32
    return %c0_i32, %arg0, %c0_i32_0 : i32, i32, i32
  }
  func.func @transform_2(%arg0: i32) -> (i32, i32) {
    %c0_i32 = arith.constant 0 : i32
    %c0_i32_0 = arith.constant 0 : i32
    %c0_i32_1 = arith.constant 0 : i32
    return %c0_i32, %c0_i32_0 : i32, i32
  }
  func.func @transform_3(%arg0: i32) -> (i32, i32) {
    %c0_i32 = arith.constant 0 : i32
    %c0_i32_0 = arith.constant 0 : i32
    %c0_i32_1 = arith.constant 0 : i32
    return %c0_i32, %c0_i32_0 : i32, i32
  }
  func.func @transform_4(%arg0: i32) -> (i32, i32) {
    %c0_i32 = arith.constant 0 : i32
    %c0_i32_0 = arith.constant 0 : i32
    return %arg0, %c0_i32 : i32, i32
  }
}

</mosaic_0001>

<sc_bundles>
// kernel: kernel.4.cloned.1.call-start
scs
__scs_entry_jumppad:
0x0: {  	(pc) =	sbr.rel $0x88, $3  }
0x1: {  	(tag) =	ssettag $0x0;
	lr =	simm.s32 $0x1  }
0x2: {  	[smem:$0x3F9C] =	sst lr;
	_ =	strace $0xD0000000  }
0x3: {  	_ = 	snop  }
0x4: {  	_ = 	snop  }
0x5: {  	_ = 	snop  }
0x6: {  	_ = 	snop  }
0x7: {  	_ = 	snop  }
__scs_overlays_trampoline_lowered:
0x8: {  	[smem:$0x3FAB] =	sst s0  }
0x9: {  	[smem:$0x3FAC] =	sst s1  }
0xa: {  	[smem:$0x3FAD] =	sst s2  }
0xb: {  	[smem:$0x3FAE] =	sst s3  }
0xc: {  	[smem:$0x3FAF] =	sst s4  }
0xd: {  	[smem:$0x3FB0] =	sst s5  }
0xe: {  	[smem:$0x3FB1] =	sst s6  }
0xf: {  	[smem:$0x3FB2] =	sst s7  }
0x10: {  	[smem:$0x3FB3] =	sst s8  }
0x11: {  	[smem:$0x3FB4] =	sst s9;
	s0 =	simm.s32 @!p0 $0x0  }
0x12: {  	s1 =	sld [smem:$0x3F9A];
	s0 =	simm.s32 @p0 $0x1  }
0x13: {  	[smem:$0x3FB5] =	sst s0;
	s0 =	simm.s32 @!p1 $0x0  }
0x14: {  	s2 =	sld [smem:$0x3F99];
	s0 =	simm.s32 @p1 $0x1  }
0x15: {  	[smem:$0x3FB6] =	sst s0;
	s0 =	simm.s32 @!p2 $0x0  }
0x16: {  	s3 =	sld [smem:$0x3FDB];
	s0 =	simm.s32 @p2 $0x1  }
0x17: {  	s4 =	simm.s32 $0x1BF5;
	[smem:$0x3FB8] =	sst s0  }
0x18: {  	s0 =	sld [smem:$0x3F9B];
	_ =	swait.ge [sflag:s4], $0x0  }
0x19: {  	s7 =	sld [smem:$0x3F9C]  }
0x1a: {  	s8 =	sadd.s32 $0xFFFFE003, lr  }
0x1b: {  	s9 =	sadd.s32 $0xFFFFFEF7, lr;
	s5 =	simm.s32 $0xFFFFFFFF;
	p2 =	slt.u32 s8, $0xFFFFF086  }
0x1c: {  	p1 =	slt.u32 s9, $0xF7A;
	s5 =	simm.s32 @!p2 $0x0  }
0x1d: {  	s5 =	simm.s32 @p1 $0x1;
	p0 =	seq.s32 s7, s2  }
0x1e: {  	s7 =	smul.u32 @!p0 $0xF7A, s2;
	p2 =	seq.s32 @!p0 s5, $0x0  }
0x1f: {  	s9 =	smul.u32 $0xF7A, s1;
	s8 =	simm.s32 @!p0 $0x1BF5;
	p2 =	por !p2, p0  }
0x20: {  	[sflag:s8] =	ssyncset.s32 @!p0 $0xFFFFF086;
	s6 =	sadd.s32 @!p0 s3, s7;
	s7 =	simm.s32 @!p0 $0x108  }
0x21: {  	s3 =	sadd.s32 s3, s9;
	s6 =	sadd.s32 @!p0 $0x88, s6;
	s7 =	simm.s32 @p2 $0x1082  }
0x22: {  	[simem:s7], [sflag:s8] =	dma.local @!p0 [hbm:s6], $0xF7A  }
0x23: {  	s9 =	sor.u32 $0xD0000000, s2;
	s6 =	simm.s32 $0x108;
	_ =	swait.ge @!p0 [sflag:s8], $0x0  }
0x24: {  	s3 =	sadd.s32 $0x88, s3;
	s6 =	simm.s32 @!p1 $0x1082;
	[sflag:s4] =	ssyncset.s32 $0xFFFFF086  }
0x25: {  	[simem:s6], [sflag:s4] =	dma.local [hbm:s3], $0xF7A  }
0x26: {  	[smem:$0x3F9C] =	sst s1;
	(tag) =	ssettag s2;
	_ =	strace s9  }
0x27: {  	s1 =	sld [smem:$0x3FAC]  }
0x28: {  	s2 =	sld [smem:$0x3FAD]  }
0x29: {  	s4 =	sld [smem:$0x3FAF]  }
0x2a: {  	p0 =	seq.s32 s5, $0x0;
	s5 =	sld [smem:$0x3FB0]  }
0x2b: {  	s6 =	sld [smem:$0x3FB1]  }
0x2c: {  	s7 =	sld [smem:$0x3FB2]  }
0x2d: {  	s3 =	simm.s32 $0x108;
	s8 =	sld [smem:$0x3FB3]  }
0x2e: {  	s3 =	simm.s32 @!p0 $0x1082;
	s9 =	sld [smem:$0x3FB4]  }
0x2f: {  	lr =	sadd.s32 s0, s3;
	s0 =	sld [smem:$0x3FAB]  }
0x30: {  	s3 =	sld [smem:$0x3FAE]  }
0x31: {  	[smem:$0x3FB7] =	sst s10  }
0x32: {  	s10 =	sld [smem:$0x3FB5];
	_ =	sdelay $0x3  }
0x33: {  	p0 =	seq.s32 s10, $0x1;
	s10 =	sld [smem:$0x3FB7];
	_ =	sdelay $0x3  }
0x34: {  	[smem:$0x3FB7] =	sst s10  }
0x35: {  	s10 =	sld [smem:$0x3FB6];
	_ =	sdelay $0x3  }
0x36: {  	p1 =	seq.s32 s10, $0x1;
	s10 =	sld [smem:$0x3FB7];
	_ =	sdelay $0x3  }
0x37: {  	[smem:$0x3FB7] =	sst s10  }
0x38: {  	s10 =	sld [smem:$0x3FB8]  }
0x39: {  	_ = 	snop;
	(pc) =	sbr.ind lr, $3  }
0x3a: {  	_ = 	snop  }
0x3b: {  	_ = 	snop  }
0x3c: {  	p2 =	seq.s32 s10, $0x1;
	s10 =	sld [smem:$0x3FB7]  }
0x3d: {  	_ =	shalt  }
0x3e: {  	_ =	shalt  }
0x3f: {  	_ =	shalt  }
0x40: {  	_ =	shalt  }
0x41: {  	_ =	shalt  }
0x42: {  	_ =	shalt  }
0x43: {  	_ =	shalt  }
0x44: {  	_ =	shalt  }
0x45: {  	_ =	shalt  }
0x46: {  	_ =	shalt  }
0x47: {  	_ =	shalt  }
0x48: {  	_ =	shalt  }
0x49: {  	_ =	shalt  }
0x4a: {  	_ =	shalt  }
0x4b: {  	_ =	shalt  }
0x4c: {  	_ =	shalt  }
0x4d: {  	_ =	shalt  }
0x4e: {  	_ =	shalt  }
0x4f: {  	_ =	shalt  }
0x50: {  	_ =	shalt  }
0x51: {  	_ =	shalt  }
0x52: {  	_ =	shalt  }
0x53: {  	_ =	shalt  }
0x54: {  	_ =	shalt  }
0x55: {  	_ =	shalt  }
0x56: {  	_ =	shalt  }
0x57: {  	_ =	shalt  }
0x58: {  	_ =	shalt  }
0x59: {  	_ =	shalt  }
0x5a: {  	_ =	shalt  }
0x5b: {  	_ =	shalt  }
0x5c: {  	_ =	shalt  }
0x5d: {  	_ =	shalt  }
0x5e: {  	_ =	shalt  }
0x5f: {  	_ =	shalt  }
0x60: {  	_ =	shalt  }
0x61: {  	_ =	shalt  }
0x62: {  	_ =	shalt  }
0x63: {  	_ =	shalt  }
0x64: {  	_ =	shalt  }
0x65: {  	_ =	shalt  }
0x66: {  	_ =	shalt  }
0x67: {  	_ =	shalt  }
0x68: {  	_ =	shalt  }
0x69: {  	_ =	shalt  }
0x6a: {  	_ =	shalt  }
0x6b: {  	_ =	shalt  }
0x6c: {  	_ =	shalt  }
0x6d: {  	_ =	shalt  }
0x6e: {  	_ =	shalt  }
0x6f: {  	_ =	shalt  }
0x70: {  	_ =	shalt  }
0x71: {  	_ =	shalt  }
0x72: {  	_ =	shalt  }
0x73: {  	_ =	shalt  }
0x74: {  	_ =	shalt  }
0x75: {  	_ =	shalt  }
0x76: {  	_ =	shalt  }
0x77: {  	_ =	shalt  }
0x78: {  	_ =	shalt  }
0x79: {  	_ =	shalt  }
0x7a: {  	_ =	shalt  }
0x7b: {  	_ =	shalt  }
0x7c: {  	_ =	shalt  }
0x7d: {  	_ =	shalt  }
0x7e: {  	_ =	shalt  }
0x7f: {  	_ =	shalt  }
0x80: {  	_ =	shalt  }
0x81: {  	_ =	shalt  }
0x82: {  	_ =	shalt  }
0x83: {  	_ =	shalt  }
0x84: {  	_ =	shalt  }
0x85: {  	_ =	shalt  }
0x86: {  	_ =	shalt  }
0x87: {  	_ =	shalt  }
.Lfunc_end0:
.L_simem_size_0:
called_computation_lowered:
.L_overlay_start_0:
0x88: {  	s2 =	sld [smem:$0x3FD9]  }
0x89: {  	s3 =	sld [smem:$0x3FFE];
	_ =	sdelay $0x1  }
0x8a: {  	s1 =	srdreg.scid  }
0x8b: {  	s0 =	sand.u32 $0x1, s1  }
0x8c: {  	s17 =	sshll.u32 s0, $0xA;
	s2 =	sadd.s32 s3, s2  }
0x8d: {  	s2 =	sadd.s32 s2, s17  }
0x8e: {  	[smem:$0x3FC3] =	sst s2  }
0x8f: {  	_ = 	snop  }
0x90: {  	s2 =	sld [smem:$0x3FC9]  }
0x91: {  	s18 =	sld [smem:$0x3FD0];
	(tm) =	ssettm $0x1  }
0x92: {  	s4 =	sld [smem:$0x3FFB];
	_ =	sdelay $0x3  }
0x93: {  	_ =	strace s4  }
0x94: {  	s4 =	sld [smem:$0x3FFC];
	_ =	sdelay $0x3  }
0x95: {  	_ =	strace s4  }
0x96: {  	s4 =	sld [smem:$0x3FFD];
	_ =	sdelay $0x3  }
0x97: {  	_ =	strace s4  }
0x98: {  	_ =	strace $0x8FFFFFFF  }
0x99: {  	s19 =	sld [smem:$0x3FDB];
	_ =	sdelay $0x1  }
0x9a: {  	s5 =	simm.s32 $_scs_section_size  }
0x9b: {  	s6 =	simm.s32 $_size__tile_overlayer_lowered;
	s7 =	simm.s32 $_tile_overlayer_lowered  }
0x9c: {  	s22 =	simm.s32 $0x1BFF;
	s21 =	sshll.u32 s7, $0x1;
	s4 =	sadd.s32 s5, s19  }
0x9d: {  	s8 =	simm.s32 $0x0;
	s20 =	sshll.u32 s6, $0x1;
	s6 =	sadd.s32 s21, s4  }
0x9e: {  	[timem:s8], [sflag:s22] =	dma.local [hbm:s6], s20  }
0x9f: {  	_ =	swait.ge [sflag:s22], s20  }
0xa0: {  	s5 =	ssub.s32 $0x0, s20;
	[sflag:s22] =	ssyncset.done $0x0  }
0xa1: {  	[sflag:s22] =	ssyncadd.s32 s5;
	_ =	sdelay $0x1  }
0xa2: {  	s23 =	simm.s32 $0x1B8B  }
0xa3: {  	_ =	swait.ge [sflag:s23], $0x1  }
0xa4: {  	[sflag:s23] =	ssyncset.done $0x0  }
0xa5: {  	s25 =	simm.s32 $0x1B8E;
	s24 =	sld [smem:$0x3FFE];
	[sflag:s23] =	ssyncadd.s32 $0xFFFFFFFF  }
0xa6: {  	s26 =	simm.s32 $execute0_lowered;
	[smem:$0x3FD2] =	sst s25  }
0xa7: {  	s6 =	sshll.u32 s26, $0x1;
	_ =	strace $0x80000046;
	[dreg:$0x1] =	wrdreg $0xFFFFFFFF  }
0xa8: {  	s28 =	simm.s32 $_size_execute0_lowered;
	s4 =	sadd.s32 s4, s6;
	[dreg:$0x0] =	wrdreg $0x0  }
0xa9: {  	s6 =	sshll.u32 s28, $0x1;
	[dreg:$0x2] =	wrdreg s4  }
0xaa: {  	[dreg:$0x3] =	wrdreg s6  }
0xab: {  	[dreg:$0x4] =	wrdreg $0xC0  }
0xac: {  	_ =	task [dreg:s8], $0x5FFFF  }
0xad: {  	[dreg:$0x1] =	wrdreg $0xFFFFFFFF  }
0xae: {  	[dreg:$0x0] =	wrdreg $0x60  }
0xaf: {  	[dreg:$0x2] =	wrdreg s2  }
0xb0: {  	[dreg:$0x3] =	wrdreg s18  }
0xb1: {  	[dreg:$0x4] =	wrdreg s24  }
0xb2: {  	[dreg:$0x5] =	wrdreg $0x0  }
0xb3: {  	[dreg:$0x6] =	wrdreg $0x140000  }
0xb4: {  	[dreg:$0x7] =	wrdreg $0x9  }
0xb5: {  	_ =	task.clear_ibuf [dreg:s8], $0x8FFFF;
	_ =	strace $0x90000046  }
0xb6: {  	s29 =	simm.s32 $0x9;
	_ =	strace $0x80000048  }
0xb7: {  	_ =	swait.ge [sflag:s29], $0x1  }
0xb8: {  	[sflag:s29] =	ssyncadd.s32 $0xFFFFFFFF  }
0xb9: {  	_ =	strace $0x90000048  }
0xba: {  	_ =	sfence  }
0xbb: {  	s30 =	sld [smem:$0x0];
	_ =	sdelay $0x2  }
0xbc: {  	s31 =	sshll.u32 s1, $0xD;
	s1 =	sshrl.u32 s1, $0x2  }
0xbd: {  	s3 =	sand.u32 $0x4000, s31;
	s1 =	sadd.s32 s1, s30  }
0xbe: {  	s0 =	sor.u32 s3, s0;
	s1 =	sshll.u32 s1, $0x11  }
0xbf: {  	s0 =	sor.u32 s1, s0  }
0xc0: {  	s0 =	sadd.s32 $0x8F2B, s0  }
0xc1: {  	[sflag:s0] =	ssyncadd.remote.s32 $0x1  }
0xc2: {  	_ =	sfence.sel $0xFFFF  }
0xc3: {  	[dreg:$0x0] =	wrdreg $0xFFFFFFFF;
	(pc) =	sbr.abs _section_cstart, $3  }
0xc4: {  	[dreg:$0x1] =	wrdreg $0xFFFFFFFF  }
0xc5: {  	_ =	task.clear_ibuf [dreg:s8], $0x2FFFF;
	_ =	strace $0x9FFFFFFF  }
0xc6: {  	(tm) =	ssettm $0x7FFFFFFF  }
0xc7: {  	_ =	shalt  }
tec
execute0_lowered:
.L_overlay_start_1:
0x0: {  	(tag) =	ssettag $0x1  }
0x1: {  	s0 =	rddreg [dreg:$0x0]  }
0x2: {  	s1 =	rddreg [dreg:$0x1]  }
0x3: {  	s3 =	rddreg [dreg:$0x2]  }
0x4: {  	s2 =	rddreg [dreg:$0x3];
	s4 =	srdreg.scid  }
0x5: {  	s5 =	rddreg [dreg:$0x4];
	s22 =	stileid.u32;
	s29 =	simm.s32 $0x16800  }
0x6: {  	s30 =	simm.s32 $0x6;
	s31 =	simm.s32 $0x19000;
	s6 =	sadd.s32 $0x14E00, s3  }
0x7: {  	s4 =	sand.u32 $0x1, s4;
	s9 =	sshll.u32 s22, $0xA;
	s11 =	smul.u32 $0xA000, s22  }
0x8: {  	s17 =	sshll.u32 s22, $0x1;
	s12 =	smul.u32 $0x14000, s22;
	s8 =	ssub.s32 $0x2, s4  }
0x9: {  	p0 =	sgt.u32 s22, $0x9;
	s7 =	smul.u32 $0x2800, s4;
	s10 =	sshrl.u32 s8, $0x1  }
0xa: {  	s11 =	sshrl.u32 s11, $0x2;
	s14 =	sadd.s32 $0x7800, s12;
	s15 =	sadd.s32 $0xA000, s12  }
0xb: {  	s19 =	sadd.s32 $0xC800, s12;
	s20 =	sadd.s32 $0xF000, s12;
	s21 =	sadd.s32 $0x11800, s12  }
0xc: {  	s7 =	sadd.s32 s9, s7;
	s8 =	ssub.s32 s8, s10;
	s10 =	sor.u32 s4, s17  }
0xd: {  	s11 =	sadd.s32 s11, s5;
	s4 =	smul.u32 $0x140000, s4;
	s5 =	sadd.s32 s9, s5  }
0xe: {  	s9 =	sor.u32 $0x2800, s12;
	s28 =	sadd.s32 s20, s2;
	[dreg:$0x6] =	wrdreg s11  }
0xf: {  	s11 =	sadd.s32 $0x5000, s12;
	s12 =	sadd.s32 s4, s12;
	s13 =	sadd.s32 s4, s9  }
0x10: {  	s16 =	sadd.s32 s4, s11;
	s24 =	sadd.s32 s4, s14;
	s25 =	sadd.s32 s4, s15  }
0x11: {  	s26 =	sadd.s32 s4, s19;
	s17 =	sadd.s32 s4, s20;
	s12 =	sshrl.u32 s12, $0x3  }
0x12: {  	s4 =	sadd.s32 s4, s21;
	s13 =	sshrl.u32 s13, $0x3;
	s12 =	sadd.s32 s6, s12  }
0x13: {  	s4 =	sshrl.u32 s4, $0x3;
	s18 =	sadd.s32 s6, s13;
	[dreg:$0x7] =	wrdreg s12  }
0x14: {  	s23 =	sshrl.u32 s16, $0x3;
	s4 =	sadd.s32 s6, s4;
	[dreg:$0x8] =	wrdreg s18  }
0x15: {  	s13 =	sshrl.u32 s25, $0x3;
	s12 =	sadd.s32 s6, s23;
	[dreg:$0xe] =	wrdreg s4  }
0x16: {  	s13 =	sadd.s32 s6, s13;
	[dreg:$0x9] =	wrdreg s12;
	s12 =	sshrl.u32 s24, $0x3  }
0x17: {  	s16 =	sshrl.u32 s26, $0x3;
	[dreg:$0xb] =	wrdreg s13;
	s12 =	sadd.s32 s6, s12  }
0x18: {  	s18 =	sshrl.u32 s7, $0x3;
	[dreg:$0xa] =	wrdreg s12;
	s12 =	sadd.s32 s6, s16  }
0x19: {  	s13 =	simm.s32 $0x0;
	[dreg:$0xc] =	wrdreg s12;
	s12 =	sshrl.u32 s17, $0x3  }
0x1a: {  	s4 =	sadd.s32 s18, s3;
	[smem:$0x7FF] =	sst s13;
	s12 =	sadd.s32 s6, s12  }
0x1b: {  	s15 =	sadd.s32 s15, s2;
	s4 =	sadd.s32 $0x14400, s4;
	[dreg:$0xd] =	wrdreg s12  }
0x1c: {  	s6 =	smul.u32 $0x2760, s10;
	_ =	strace $0x80000047;
	[dreg:$0x15] =	wrdreg s4  }
0x1d: {  	s19 =	sadd.s32 s19, s2;
	s20 =	simm.s32 $0x50;
	[dreg:$0x1b] =	wrdreg s15  }
0x1e: {  	s16 =	sadd.s32 $0x800, s3;
	s23 =	sshrl.u32 s6, $0x3;
	[dreg:$0x1c] =	wrdreg s19  }
0x1f: {  	s17 =	sadd.s32 $0xA600, s3;
	[dreg:$0x1d] =	wrdreg s28;
	s24 =	sadd.s32 s1, s23  }
0x20: {  	s10 =	simm.s32 $0x1C180;
	s25 =	sadd.s32 s17, s23;
	[dreg:$0xf] =	wrdreg s24  }
0x21: {  	s18 =	sadd.s32 $0x50, s6;
	s3 =	sadd.s32 s16, s23;
	[dreg:$0x10] =	wrdreg s25  }
0x22: {  	s4 =	simm.s32 $0x0;
	s26 =	sshrl.u32 s18, $0x3;
	[dreg:$0x11] =	wrdreg s3  }
0x23: {  	s23 =	sadd.s32 s1, s26;
	s24 =	smul.u32 $0x50000, s22;
	s12 =	sadd.s32 s17, s26  }
0x24: {  	s7 =	sadd.s32 s16, s26;
	s25 =	sadd.s32 $0xA0, s6;
	[dreg:$0x12] =	wrdreg s23  }
0x25: {  	s26 =	sadd.s32 $0xF0, s6;
	s22 =	simm.s32 $0x5;
	[dreg:$0x13] =	wrdreg s12  }
0x26: {  	[dreg:$0x14] =	wrdreg s7;
	s23 =	smax.u32 s8, $0x1;
	s7 =	sadd.s32 s9, s2  }
0x27: {  	s8 =	sadd.s32 s11, s2;
	s12 =	sadd.s32 s14, s2;
	[dreg:$0x16] =	wrdreg s23  }
.Ltmp0:
0x28: {  	s9 =	simm.s32 $0x9;
	[dreg:$0x18] =	wrdreg s7;
	(pc) =	sbr.rel .LBB2_1-.Ltmp0, $4  }
0x29: {  	s11 =	simm.s32 $0x19900;
	s14 =	simm.s32 $0x1C280;
	[dreg:$0x19] =	wrdreg s8  }
0x2a: {  	s3 =	sshrl.u32 s24, $0x2;
	s24 =	sadd.s32 s21, s2;
	[dreg:$0x1a] =	wrdreg s12  }
0x2b: {  	s21 =	simm.s32 $0x3;
	s6 =	sadd.s32 s3, s2;
	[dreg:$0x1e] =	wrdreg s24  }
0x2c: {  	v0 =	vimm.f32 $0.0e+00;
	s23 =	simm.s32 $0x1C300;
	s24 =	simm.s32 $0x2;
	[dreg:$0x17] =	wrdreg s6  }
.LBB2_16:
0x2d: {  	s4 =	sadd.s32 $0x1, s4;
	s3 =	rddreg [dreg:$0x16]  }
0x2e: {  	p1 =	sne.s32 s4, s3  }
.Ltmp1:
0x2f: {  	_ = 	snop;
	(pc) =	sbr.rel @!p1 .LBB2_17-.Ltmp1, $1  }
0x30: {  	_ =	sdelay $0x3  }
.LBB2_1:
0x31: {  	[dreg:$0x1f] =	wrdreg s4;
	s3 =	simm.s32 $0x0;
	s4 =	simm.s32 $0x200  }
.LBB2_2:
0x32: {  	p1 =	sne.s32 s4, $0x9E00;
	[tilespmem:s3+$0x199F0] =	vst v0  }
0x33: {  	[tilespmem:s3+$0x19980] =	vst v0  }
0x34: {  	[tilespmem:s3+$0x19990] =	vst v0  }
.Ltmp2:
0x35: {  	[tilespmem:s3+$0x199A0] =	vst v0;
	(pc) =	sbr.rel @p1 .LBB2_2-.Ltmp2, $4  }
0x36: {  	[tilespmem:s3+$0x199B0] =	vst v0  }
0x37: {  	[tilespmem:s3+$0x199C0] =	vst v0  }
0x38: {  	[tilespmem:s3+$0x199D0] =	vst v0  }
0x39: {  	[tilespmem:s3+$0x199E0] =	vst v0;
	s3 =	sshra.s32 s4, $0x2;
	s4 =	sadd.s32 $0x200, s4  }
0x3a: {  	[tilespmem:s3+$0x199F0] =	vst v0  }
0x3b: {  	[tilespmem:s3+$0x19980] =	vst v0  }
0x3c: {  	[tilespmem:s3+$0x19990] =	vst v0  }
0x3d: {  	[tilespmem:s3+$0x199A0] =	vst v0  }
0x3e: {  	[tilespmem:s3+$0x199B0] =	vst v0  }
0x3f: {  	[tilespmem:s3+$0x199C0] =	vst v0  }
0x40: {  	[tilespmem:s3+$0x199D0] =	vst v0  }
0x41: {  	[tilespmem:s3+$0x199E0] =	vst v0;
	s3 =	simm.s32 $0x0;
	s4 =	simm.s32 $0x200  }
.LBB2_4:
0x42: {  	p1 =	sne.s32 s4, $0x9E00;
	[tilespmem:s3+$0x16870] =	vst v0  }
0x43: {  	[tilespmem:s3+$0x16800] =	vst v0  }
0x44: {  	[tilespmem:s3+$0x16810] =	vst v0  }
.Ltmp3:
0x45: {  	[tilespmem:s3+$0x16820] =	vst v0;
	(pc) =	sbr.rel @p1 .LBB2_4-.Ltmp3, $4  }
0x46: {  	[tilespmem:s3+$0x16830] =	vst v0  }
0x47: {  	[tilespmem:s3+$0x16840] =	vst v0  }
0x48: {  	[tilespmem:s3+$0x16850] =	vst v0  }
0x49: {  	[tilespmem:s3+$0x16860] =	vst v0;
	s3 =	sshra.s32 s4, $0x2;
	s4 =	sadd.s32 $0x200, s4  }
0x4a: {  	[tilespmem:s3+$0x16870] =	vst v0  }
0x4b: {  	[tilespmem:s3+$0x16800] =	vst v0  }
0x4c: {  	[tilespmem:s3+$0x16810] =	vst v0  }
0x4d: {  	[tilespmem:s3+$0x16820] =	vst v0  }
0x4e: {  	[tilespmem:s3+$0x16830] =	vst v0  }
0x4f: {  	[tilespmem:s3+$0x16840] =	vst v0  }
0x50: {  	[tilespmem:s3+$0x16850] =	vst v0  }
0x51: {  	[tilespmem:s3+$0x16860] =	vst v0;
	s4 =	smov.u32 s6;
	s6 =	simm.s32 $0x19980  }
0x52: {  	[spmem:s4] =	stream.linear.scatter [tilespmem:s6], [sflag:$0x9], $0x2800, $0x38;
	[tilespmem:$0x1EB00] =	vst v63  }
0x53: {  	_ =	swait.ge [sflag:s9], $0x2800  }
0x54: {  	[sflag:s9] =	ssyncset.done $0x0  }
0x55: {  	[sflag:s9] =	ssyncadd.s32 $0xFFFFD800  }
0x56: {  	[spmem:s7] =	stream.linear.scatter [tilespmem:s6], [sflag:$0x9], $0x2800, $0x38;
	[tilespmem:$0x1EB00] =	vst v63  }
0x57: {  	_ =	swait.ge [sflag:s9], $0x2800  }
0x58: {  	[sflag:s9] =	ssyncset.done $0x0  }
0x59: {  	[sflag:s9] =	ssyncadd.s32 $0xFFFFD800  }
0x5a: {  	[spmem:s8] =	stream.linear.scatter [tilespmem:s6], [sflag:$0x9], $0x2800, $0x38;
	[tilespmem:$0x1EB00] =	vst v63  }
0x5b: {  	_ =	swait.ge [sflag:s9], $0x2800  }
0x5c: {  	[sflag:s9] =	ssyncset.done $0x0  }
0x5d: {  	[sflag:s9] =	ssyncadd.s32 $0xFFFFD800  }
0x5e: {  	[spmem:s12] =	stream.linear.scatter [tilespmem:s6], [sflag:$0x9], $0x2800, $0x38;
	[tilespmem:$0x1EB00] =	vst v63  }
0x5f: {  	_ =	swait.ge [sflag:s9], $0x2800  }
0x60: {  	[sflag:s9] =	ssyncset.done $0x0  }
0x61: {  	[sflag:s9] =	ssyncadd.s32 $0xFFFFD800  }
0x62: {  	[spmem:s15] =	stream.linear.scatter [tilespmem:s6], [sflag:$0x9], $0x2800, $0x38;
	[tilespmem:$0x1EB00] =	vst v63  }
0x63: {  	_ =	swait.ge [sflag:s9], $0x2800  }
0x64: {  	[sflag:s9] =	ssyncset.done $0x0  }
0x65: {  	[sflag:s9] =	ssyncadd.s32 $0xFFFFD800  }
0x66: {  	[spmem:s19] =	stream.linear.scatter [tilespmem:s6], [sflag:$0x9], $0x2800, $0x38;
	[tilespmem:$0x1EB00] =	vst v63  }
0x67: {  	_ =	swait.ge [sflag:s9], $0x2800  }
0x68: {  	[sflag:s9] =	ssyncset.done $0x0  }
0x69: {  	[sflag:s9] =	ssyncadd.s32 $0xFFFFD800  }
0x6a: {  	[spmem:s28] =	stream.linear.scatter [tilespmem:s6], [sflag:$0x9], $0x2800, $0x38;
	[tilespmem:$0x1EB00] =	vst v63  }
0x6b: {  	_ =	swait.ge [sflag:s9], $0x2800  }
0x6c: {  	[sflag:s9] =	ssyncset.done $0x0  }
0x6d: {  	s7 =	rddreg [dreg:$0x1e];
	[sflag:s9] =	ssyncadd.s32 $0xFFFFD800  }
0x6e: {  	[spmem:s7] =	stream.linear.scatter [tilespmem:s6], [sflag:$0x9], $0x2800, $0x38;
	[tilespmem:$0x1EB00] =	vst v63  }
0x6f: {  	_ =	swait.ge [sflag:s9], $0x2800  }
0x70: {  	[sflag:s9] =	ssyncset.done $0x0  }
0x71: {  	[sflag:s9] =	ssyncadd.s32 $0xFFFFD800  }
0x72: {  	[bflag:$0x0] =	sbarrier.arrive $0xFFFF  }
0x73: {  	s3 =	simm.s32 $0x0;
	s7 =	simm.s32 $0x19800;
	s4 =	rddreg [dreg:$0xf]  }
0x74: {  	[tilespmem:s7], [sflag:$0x1] =	stream.linear.gather [hbm4b:s4+s3], $0x50, $0x38;
	[tilespmem:$0x1EB00] =	vst v63  }
0x75: {  	s8 =	rddreg [dreg:$0x10]  }
0x76: {  	[tilespmem:s11], [sflag:$0x1] =	stream.linear.gather [hbm4b:s8+s3], $0x50, $0x38;
	[tilespmem:$0x1EB00] =	vst v63  }
0x77: {  	s15 =	simm.s32 $0x19880;
	s12 =	rddreg [dreg:$0x11]  }
0x78: {  	[tilespmem:s15], [sflag:$0x2] =	stream.linear.gather [hbm4b:s12+s3], $0x50, $0x38;
	[tilespmem:$0x1EB00] =	vst v63  }
0x79: {  	s19 =	rddreg [dreg:$0x12]  }
0x7a: {  	[tilespmem:s10], [sflag:$0x5] =	stream.linear.gather [hbm4b:s19+s3], $0x50, $0x38;
	[tilespmem:$0x1EB00] =	vst v63  }
0x7b: {  	s8 =	rddreg [dreg:$0x13]  }
0x7c: {  	[tilespmem:s14], [sflag:$0x5] =	stream.linear.gather [hbm4b:s8+s3], $0x50, $0x38;
	[tilespmem:$0x1EB00] =	vst v63  }
0x7d: {  	s12 =	rddreg [dreg:$0x14];
	s15 =	simm.s32 $0x1C200;
	s19 =	simm.s32 $0x1  }
0x7e: {  	[tilespmem:s15], [sflag:$0x6] =	stream.linear.gather [hbm4b:s12+s3], $0x50, $0x38;
	[tilespmem:$0x1EB00] =	vst v63  }
0x7f: {  	_ =	swait.ge [sflag:s19], $0x50  }
0x80: {  	[sflag:s19] =	ssyncset.done $0x0  }
0x81: {  	[sflag:s19] =	ssyncadd.s32 $0xFFFFFFB0  }
0x82: {  	_ =	swait.ge [sflag:s19], $0x50  }
0x83: {  	[sflag:s19] =	ssyncset.done $0x0  }
0x84: {  	s28 =	simm.s32 $0x0;
	[sflag:s19] =	ssyncadd.s32 $0xFFFFFFB0  }
0x85: {  	[tilespmem:s6], [sflag:$0x3] =	stream.indirect.gather [hbm4b:s0+s20], $0x80, s7, s20, $0xb8;
	[tilespmem:$0x1EB00] =	vst v63  }
.LBB2_6:
0x86: {  	_ =	swait.ge [sflag:s21], $0x2800  }
0x87: {  	p1 =	seq.s32 s28, $0x0;
	[sflag:s21] =	ssyncset.done $0x0  }
0x88: {  	s4 =	simm.s32 @!p1 $0x8;
	s6 =	smul.u32 @!p1 $0xA0, s28;
	[sflag:s21] =	ssyncadd.s32 $0xFFFFD800  }
0x89: {  	_ =	swait.ge @!p1 [sflag:s4], $0x2800  }
0x8a: {  	s6 =	sadd.s32 @!p1 s6, s18;
	[sflag:s4] =	ssyncset.done @!p1 $0x0  }
0x8b: {  	[sflag:s4] =	ssyncadd.s32 @!p1 $0xFFFFD800;
	s4 =	sshrl.u32 @!p1 s6, $0x3  }
0x8c: {  	s7 =	simm.s32 @!p1 $0x1C200;
	s6 =	simm.s32 @!p1 $0x0;
	s4 =	sadd.s32 @!p1 s16, s4  }
0x8d: {  	[tilespmem:s7], [sflag:$0x6] =	stream.linear.gather @!p1 [hbm4b:s4+s6], $0x50, $0x38;
	[tilespmem:$0x1EB00] =	vst v63  }
0x8e: {  	_ =	swait.ge [sflag:s22], $0x50  }
0x8f: {  	[sflag:s22] =	ssyncset.done $0x0  }
0x90: {  	v1 =	vmov s3;
	s12 =	simm.s32 $0x6;
	[sflag:s22] =	ssyncadd.s32 $0xFFFFFFB0  }
0x91: {  	v1 =	vand.u32 $0xFFFFFFF8, v1;
	v2 =	vmov s12;
	_ =	swait.ge [sflag:s22], $0x50  }
0x92: {  	v1 =	vbroadcast v1, $0x0;
	v2 =	vand.u32 $0xFFFFFFFE, v2;
	[sflag:s22] =	ssyncset.done $0x0  }
0x93: {  	v2 =	vbroadcast v2, $0x0;
	[sflag:s22] =	ssyncadd.s32 $0xFFFFFFB0  }
0x94: {  	[tilespmem:s23], [sflag:$0x7] =	stream.indirect.gather [hbm4b:s0+s20], $0x80, s10, s20, $0xb8;
	[tilespmem:$0x1EB00] =	vst v63  }
0x95: {  	_ =	swait.ge [sflag:s24], $0x50  }
0x96: {  	[sflag:s24] =	ssyncset.done $0x0  }
0x97: {  	[sflag:s24] =	ssyncadd.s32 $0xFFFFFFB0  }
0x98: {  	v1 =	vld.idx.msk [tilespmem:v1+s11+$0x0], $0xffff  }
0x99: {  	s15 =	simm.s32 $0x1;
	s4 =	simm.s32 $0x19B80;
	v2 =	vld.idx.msk [tilespmem:v2+s11+$0x0], $0xffff  }
0x9a: {  	v3 =	vmov s15;
	v4 =	vld [tilespmem:s4+$0x170]  }
0x9b: {  	v3 =	vand.u32 $0xFFFFFFF9, v3;
	v5 =	vld [tilespmem:s4+$0xFFFFFE00]  }
0x9c: {  	v3 =	vbroadcast v3, $0x0;
	v6 =	vld [tilespmem:s4+$0xFFFFFE10]  }
0x9d: {  	v7 =	vld [tilespmem:s4+$0xFFFFFE20]  }
0x9e: {  	v8 =	vld [tilespmem:s4+$0xFFFFFE30]  }
0x9f: {  	v9 =	vld [tilespmem:s4+$0xFFFFFE40]  }
0xa0: {  	v10 =	vld [tilespmem:s4+$0xFFFFFE50]  }
0xa1: {  	v11 =	vld [tilespmem:s4+$0xFFFFFE60]  }
0xa2: {  	v3 =	vld.idx.msk [tilespmem:v3+s11+$0x0], $0xffff  }
0xa3: {  	v12 =	vld [tilespmem:s4+$0xFFFFFE70]  }
0xa4: {  	v13 =	vld [tilespmem:s4+$0xFFFFFE80];
	v5 =	vmul.f32 v5, v1  }
0xa5: {  	v14 =	vld [tilespmem:s4+$0xFFFFFE90];
	v4 =	vmul.f32 v4, v2  }
0xa6: {  	v15 =	vld [tilespmem:s4+$0xFFFFFEA0];
	v6 =	vmul.f32 v6, v1;
	[tilespmem:s4+$0xFFFFFE00] =	vst v5  }
0xa7: {  	s19 =	simm.s32 $0x2;
	v16 =	vld [tilespmem:s4+$0xFFFFFEB0];
	v8 =	vmul.f32 v8, v1;
	[tilespmem:s4+$0x170] =	vst v4  }
0xa8: {  	v9 =	vmul.f32 v9, v1;
	v5 =	vmov s19;
	v4 =	vmul.f32 v7, v1;
	v7 =	vld [tilespmem:s4+$0xFFFFFEC0];
	[tilespmem:s4+$0xFFFFFE10] =	vst v6  }
0xa9: {  	v6 =	vmul.f32 v13, v3;
	v13 =	vld [tilespmem:s4+$0xFFFFFED0];
	[tilespmem:s4+$0xFFFFFE30] =	vst v8;
	v5 =	vand.u32 $0xFFFFFFFA, v5  }
0xaa: {  	v8 =	vmul.f32 v10, v1;
	v10 =	vld [tilespmem:s4+$0xFFFFFEF0];
	[tilespmem:s4+$0xFFFFFE40] =	vst v9;
	v5 =	vbroadcast v5, $0x0  }
0xab: {  	v9 =	vmul.f32 v11, v1;
	v11 =	vld [tilespmem:s4+$0xFFFFFF00];
	[tilespmem:s4+$0xFFFFFE20] =	vst v4  }
0xac: {  	v1 =	vmul.f32 v12, v1;
	v12 =	vld [tilespmem:s4+$0xFFFFFF20];
	[tilespmem:s4+$0xFFFFFE80] =	vst v6  }
0xad: {  	s7 =	simm.s32 $0x3;
	v4 =	vld [tilespmem:s4+$0xFFFFFEE0];
	[tilespmem:s4+$0xFFFFFE50] =	vst v8  }
0xae: {  	v6 =	vmov s7;
	v8 =	vld [tilespmem:s4+$0xFFFFFF10];
	[tilespmem:s4+$0xFFFFFE60] =	vst v9;
	v9 =	vmul.f32 v14, v3  }
0xaf: {  	[tilespmem:s4+$0xFFFFFE70] =	vst v1;
	v1 =	vmul.f32 v15, v3;
	v14 =	vld [tilespmem:s4+$0xFFFFFF30];
	v6 =	vand.u32 $0xFFFFFFFB, v6  }
0xb0: {  	v6 =	vbroadcast v6, $0x0;
	[tilespmem:s4+$0xFFFFFE90] =	vst v9;
	v9 =	vmul.f32 v16, v3;
	v5 =	vld.idx.msk [tilespmem:v5+s11+$0x0], $0xffff  }
0xb1: {  	v15 =	vld [tilespmem:s4+$0xFFFFFF40];
	[tilespmem:s4+$0xFFFFFEA0] =	vst v1;
	v7 =	vmul.f32 v7, v3  }
0xb2: {  	v13 =	vmul.f32 v13, v3;
	[tilespmem:s4+$0xFFFFFEB0] =	vst v9;
	v9 =	vld [tilespmem:s4+$0xFFFFFF60]  }
0xb3: {  	[tilespmem:s4+$0xFFFFFEC0] =	vst v7;
	v4 =	vmul.f32 v4, v3;
	v7 =	vld [tilespmem:s4+$0xFFFFFF70]  }
0xb4: {  	[tilespmem:s4+$0xFFFFFED0] =	vst v13;
	v3 =	vmul.f32 v10, v3;
	v10 =	vld [tilespmem:s4+$0xFFFFFF80]  }
0xb5: {  	v13 =	vld [tilespmem:s4+$0xFFFFFFB0];
	[tilespmem:s4+$0xFFFFFEE0] =	vst v4;
	v1 =	vmul.f32 v11, v5  }
0xb6: {  	[tilespmem:s4+$0xFFFFFEF0] =	vst v3;
	v6 =	vld.idx.msk [tilespmem:v6+s11+$0x0], $0xffff;
	v4 =	vmul.f32 v8, v5  }
0xb7: {  	s8 =	simm.s32 $0x4;
	v11 =	vld [tilespmem:s4+$0xFFFFFF50];
	v3 =	vmul.f32 v12, v5;
	[tilespmem:s4+$0xFFFFFF00] =	vst v1  }
0xb8: {  	v8 =	vld [tilespmem:s4+$0xFFFFFF90];
	v9 =	vmul.f32 v9, v5;
	v1 =	vmov s8;
	[tilespmem:s4+$0xFFFFFF10] =	vst v4  }
0xb9: {  	v12 =	vld [tilespmem:s4+$0xFFFFFFA0];
	v4 =	vmul.f32 v14, v5;
	[tilespmem:s4+$0xFFFFFF20] =	vst v3;
	v1 =	vand.u32 $0xFFFFFFFC, v1  }
0xba: {  	v3 =	vmul.f32 v15, v5;
	v14 =	vld [tilespmem:s4+$0xFFFFFFC0];
	[tilespmem:s4+$0xFFFFFF60] =	vst v9;
	v1 =	vbroadcast v1, $0x0  }
0xbb: {  	v9 =	vld [tilespmem:s4+$0x0];
	[tilespmem:s4+$0xFFFFFF30] =	vst v4;
	v4 =	vmul.f32 v10, v6  }
0xbc: {  	s12 =	simm.s32 $0x5;
	v10 =	vld [tilespmem:s4+$0xFFFFFFD0];
	[tilespmem:s4+$0xFFFFFF40] =	vst v3;
	v11 =	vmul.f32 v11, v5  }
0xbd: {  	v3 =	vld [tilespmem:s4+$0xFFFFFFE0];
	v5 =	vmul.f32 v7, v5;
	[tilespmem:s4+$0xFFFFFF80] =	vst v4;
	v4 =	vmov s12  }
0xbe: {  	v7 =	vld [tilespmem:s4+$0xFFFFFFF0];
	v8 =	vmul.f32 v8, v6;
	[tilespmem:s4+$0xFFFFFF50] =	vst v11;
	v4 =	vand.u32 $0xFFFFFFFD, v4  }
0xbf: {  	[tilespmem:s4+$0xFFFFFF70] =	vst v5;
	v5 =	vmul.f32 v12, v6;
	v11 =	vld [tilespmem:s4+$0x10];
	v4 =	vbroadcast v4, $0x0  }
0xc0: {  	[tilespmem:s4+$0xFFFFFF90] =	vst v8;
	v8 =	vmul.f32 v13, v6;
	v1 =	vld.idx.msk [tilespmem:v1+s11+$0x0], $0xffff  }
0xc1: {  	v12 =	vld [tilespmem:s4+$0x20];
	[tilespmem:s4+$0xFFFFFFA0] =	vst v5;
	v5 =	vmul.f32 v14, v6  }
0xc2: {  	v13 =	vld [tilespmem:s4+$0x30];
	[tilespmem:s4+$0xFFFFFFB0] =	vst v8;
	v8 =	vmul.f32 v10, v6  }
0xc3: {  	v10 =	vld [tilespmem:s4+$0x40];
	v3 =	vmul.f32 v3, v6;
	[tilespmem:s4+$0xFFFFFFC0] =	vst v5  }
0xc4: {  	v6 =	vmul.f32 v7, v6;
	[tilespmem:s4+$0xFFFFFFD0] =	vst v8;
	v8 =	vld [tilespmem:s4+$0x60]  }
0xc5: {  	[tilespmem:s4+$0xFFFFFFE0] =	vst v3;
	v4 =	vld.idx.msk [tilespmem:v4+s11+$0x0], $0xffff;
	v5 =	vmul.f32 v9, v1  }
0xc6: {  	[tilespmem:s4+$0xFFFFFFF0] =	vst v6;
	v9 =	vld [tilespmem:s4+$0x50];
	v6 =	vmul.f32 v12, v1  }
0xc7: {  	v3 =	vmul.f32 v11, v1;
	v11 =	vld [tilespmem:s4+$0x90];
	[tilespmem:s4+$0x0] =	vst v5  }
0xc8: {  	v7 =	vld [tilespmem:s4+$0x80];
	[tilespmem:s4+$0x20] =	vst v6;
	v6 =	vmul.f32 v10, v1  }
0xc9: {  	v5 =	vld [tilespmem:s4+$0x70];
	[tilespmem:s4+$0x10] =	vst v3;
	v3 =	vmul.f32 v13, v1  }
0xca: {  	v10 =	vld [tilespmem:s4+$0xA0];
	[tilespmem:s4+$0x40] =	vst v6;
	v6 =	vmul.f32 v8, v1  }
0xcb: {  	[tilespmem:s4+$0x30] =	vst v3;
	v8 =	vld [tilespmem:s4+$0xC0];
	v3 =	vmul.f32 v9, v1  }
0xcc: {  	v9 =	vld [tilespmem:s4+$0xB0];
	v11 =	vmul.f32 v11, v4;
	[tilespmem:s4+$0x60] =	vst v6  }
0xcd: {  	v6 =	vld [tilespmem:s4+$0xE0];
	[tilespmem:s4+$0x50] =	vst v3;
	v3 =	vmul.f32 v7, v4  }
0xce: {  	v7 =	vld [tilespmem:s4+$0xD0];
	v5 =	vmul.f32 v5, v1;
	[tilespmem:s4+$0x90] =	vst v11  }
0xcf: {  	v11 =	vld [tilespmem:s4+$0x150];
	[tilespmem:s4+$0x80] =	vst v3  }
0xd0: {  	[tilespmem:s4+$0x70] =	vst v5;
	v3 =	vmul.f32 v10, v4;
	v5 =	vld [tilespmem:s4+$0xF0]  }
0xd1: {  	v10 =	vld [tilespmem:s4+$0x100];
	v9 =	vmul.f32 v9, v4  }
0xd2: {  	s15 =	simm.s32 $0x7;
	[tilespmem:s4+$0xA0] =	vst v3;
	v3 =	vmul.f32 v8, v4;
	v8 =	vld [tilespmem:s4+$0x110]  }
0xd3: {  	v14 =	vld [tilespmem:s4+$0x180];
	v12 =	vmov s15;
	[tilespmem:s4+$0xB0] =	vst v9;
	v7 =	vmul.f32 v7, v4  }
0xd4: {  	v9 =	vld [tilespmem:s4+$0x120];
	v11 =	vmul.f32 v11, v2;
	[tilespmem:s4+$0xC0] =	vst v3  }
0xd5: {  	s15 =	simm.s32 $0xC;
	v3 =	vmul.f32 v6, v4;
	v6 =	vld [tilespmem:s4+$0x130];
	[tilespmem:s4+$0xD0] =	vst v7;
	v4 =	vmul.f32 v5, v4  }
0xd6: {  	s19 =	simm.s32 $0x8;
	v15 =	vmov s15;
	v5 =	vld [tilespmem:s4+$0x140];
	[tilespmem:s4+$0x150] =	vst v11  }
0xd7: {  	s7 =	simm.s32 $0xF;
	s8 =	simm.s32 $0x9;
	v7 =	vmov s19;
	v10 =	vmul.f32 v10, v2;
	[tilespmem:s4+$0xF0] =	vst v4;
	v4 =	vmul.f32 v8, v2;
	v8 =	vld [tilespmem:s4+$0x160]  }
0xd8: {  	s12 =	simm.s32 $0xB;
	v1 =	vld.idx.msk [tilespmem:v12+s11+$0x0], $0xffff;
	v12 =	vmov s8;
	s19 =	simm.s32 $0xA;
	[tilespmem:s4+$0xE0] =	vst v3;
	v7 =	vand.u32 $0xFFFFFFF8, v7;
	v3 =	vmov s7  }
0xd9: {  	v17 =	vld [tilespmem:s4+$0x190];
	v13 =	vmov s19;
	s19 =	simm.s32 $0xD;
	[tilespmem:s4+$0x100] =	vst v10;
	v10 =	vmov s12;
	v9 =	vmul.f32 v9, v2  }
0xda: {  	v18 =	vmov s19;
	[tilespmem:s4+$0x110] =	vst v4;
	v16 =	vmul.f32 v6, v2;
	v4 =	vbroadcast v7, $0x0;
	v6 =	vld [tilespmem:s4+$0x1A0]  }
0xdb: {  	v7 =	vld [tilespmem:s4+$0x1B0];
	[tilespmem:s4+$0x120] =	vst v9;
	v9 =	vmul.f32 v5, v2;
	v5 =	vand.u32 $0xFFFFFFF9, v12;
	v12 =	vand.u32 $0xFFFFFFFA, v13  }
0xdc: {  	v13 =	vand.u32 $0xFFFFFFFB, v10;
	[tilespmem:s4+$0x130] =	vst v16;
	v5 =	vbroadcast v5, $0x0;
	v16 =	vmul.f32 v8, v2;
	v8 =	vld [tilespmem:s4+$0x1C0]  }
0xdd: {  	v10 =	vbroadcast v12, $0x0;
	[tilespmem:s4+$0x140] =	vst v9;
	v2 =	vand.u32 $0xFFFFFFFC, v15;
	v15 =	vmul.f32 v14, v1;
	v9 =	vld [tilespmem:s4+$0x1D0]  }
0xde: {  	s6 =	simm.s32 $0x10;
	v11 =	vld [tilespmem:s4+$0x1E0];
	s7 =	simm.s32 $0xE;
	v12 =	vbroadcast v13, $0x0;
	v13 =	vmul.f32 v17, v1;
	v14 =	vand.u32 $0xFFFFFFFD, v18;
	[tilespmem:s4+$0x160] =	vst v16  }
.LBB2_7:
0xdf: {  	p1 =	slt.u32 s6, $0x48;
	v2 =	vbroadcast v2, $0x0;
	v16 =	vmov s7;
	[tilespmem:s4+$0x180] =	vst v15;
	v6 =	vmul.f32 v6, v1;
	v15 =	vld [tilespmem:s4+$0x1F0]  }
0xe0: {  	v14 =	vbroadcast v14, $0x0;
	v16 =	vand.u32 $0xFFFFFFFE, v16;
	v17 =	vld.idx.msk [tilespmem:v3+s11+$0x0], $0xffff;
	[tilespmem:s4+$0x190] =	vst v13;
	v3 =	vmul.f32 v7, v1  }
0xe1: {  	v7 =	vld.idx.msk [tilespmem:v4+s11+$0x0], $0xffff;
	v13 =	vbroadcast v16, $0x0;
	[tilespmem:s4+$0x1A0] =	vst v6;
	v4 =	vmul.f32 v8, v1  }
0xe2: {  	v6 =	vld.idx.msk [tilespmem:v5+s11+$0x0], $0xffff;
	[tilespmem:s4+$0x1B0] =	vst v3;
	v3 =	vmul.f32 v9, v1  }
0xe3: {  	v8 =	vld.idx.msk [tilespmem:v10+s11+$0x0], $0xffff;
	[tilespmem:s4+$0x1C0] =	vst v4;
	v9 =	vmul.f32 v11, v1  }
0xe4: {  	v5 =	vld.idx.msk [tilespmem:v12+s11+$0x0], $0xffff;
	[tilespmem:s4+$0x1D0] =	vst v3;
	v10 =	vmul.f32 v15, v1  }
0xe5: {  	v4 =	vld.idx.msk [tilespmem:v2+s11+$0x0], $0xffff;
	[tilespmem:s4+$0x1E0] =	vst v9  }
0xe6: {  	v1 =	vmov v17;
	v3 =	vld.idx.msk [tilespmem:v14+s11+$0x0], $0xffff;
	[tilespmem:s4+$0x1F0] =	vst v10  }
0xe7: {  	s4 =	sadd.s32 $0x400, s4;
	v2 =	vld.idx.msk [tilespmem:v13+s11+$0x0], $0xffff  }
0xe8: {  	v9 =	vld [tilespmem:s4+$0x170]  }
0xe9: {  	v10 =	vld [tilespmem:s4+$0xFFFFFE00]  }
0xea: {  	v11 =	vld [tilespmem:s4+$0xFFFFFE10]  }
0xeb: {  	v12 =	vld [tilespmem:s4+$0xFFFFFE20]  }
0xec: {  	v13 =	vld [tilespmem:s4+$0xFFFFFE30]  }
0xed: {  	v14 =	vld [tilespmem:s4+$0xFFFFFE40];
	v9 =	vmul.f32 v9, v2  }
0xee: {  	v10 =	vmul.f32 v10, v7;
	v15 =	vld [tilespmem:s4+$0xFFFFFE50]  }
0xef: {  	v11 =	vmul.f32 v11, v7;
	v16 =	vld [tilespmem:s4+$0xFFFFFE60];
	[tilespmem:s4+$0x170] =	vst v9  }
0xf0: {  	[tilespmem:s4+$0xFFFFFE00] =	vst v10;
	v9 =	vmul.f32 v12, v7;
	v10 =	vld [tilespmem:s4+$0xFFFFFE70]  }
0xf1: {  	[tilespmem:s4+$0xFFFFFE10] =	vst v11;
	v11 =	vmul.f32 v13, v7;
	v12 =	vld [tilespmem:s4+$0xFFFFFE80]  }
0xf2: {  	[tilespmem:s4+$0xFFFFFE20] =	vst v9;
	v9 =	vmul.f32 v14, v7;
	v13 =	vld [tilespmem:s4+$0xFFFFFE90]  }
0xf3: {  	[tilespmem:s4+$0xFFFFFE30] =	vst v11;
	v11 =	vmul.f32 v15, v7;
	v14 =	vld [tilespmem:s4+$0xFFFFFEA0]  }
0xf4: {  	[tilespmem:s4+$0xFFFFFE40] =	vst v9;
	v9 =	vmul.f32 v16, v7;
	v15 =	vld [tilespmem:s4+$0xFFFFFEB0]  }
0xf5: {  	[tilespmem:s4+$0xFFFFFE50] =	vst v11;
	v7 =	vmul.f32 v10, v7;
	v10 =	vld [tilespmem:s4+$0xFFFFFEC0]  }
0xf6: {  	[tilespmem:s4+$0xFFFFFE60] =	vst v9;
	v9 =	vmul.f32 v12, v6;
	v11 =	vld [tilespmem:s4+$0xFFFFFED0]  }
0xf7: {  	[tilespmem:s4+$0xFFFFFE70] =	vst v7;
	v7 =	vmul.f32 v13, v6;
	v12 =	vld [tilespmem:s4+$0xFFFFFEE0]  }
0xf8: {  	[tilespmem:s4+$0xFFFFFE80] =	vst v9;
	v9 =	vmul.f32 v14, v6;
	v13 =	vld [tilespmem:s4+$0xFFFFFEF0]  }
0xf9: {  	[tilespmem:s4+$0xFFFFFE90] =	vst v7;
	v7 =	vmul.f32 v15, v6;
	v14 =	vld [tilespmem:s4+$0xFFFFFF00]  }
0xfa: {  	[tilespmem:s4+$0xFFFFFEA0] =	vst v9;
	v9 =	vmul.f32 v10, v6;
	v10 =	vld [tilespmem:s4+$0xFFFFFF10]  }
0xfb: {  	[tilespmem:s4+$0xFFFFFEB0] =	vst v7;
	v7 =	vmul.f32 v11, v6;
	v11 =	vld [tilespmem:s4+$0xFFFFFF20]  }
0xfc: {  	[tilespmem:s4+$0xFFFFFEC0] =	vst v9;
	v9 =	vmul.f32 v12, v6;
	v12 =	vld [tilespmem:s4+$0xFFFFFF30]  }
0xfd: {  	[tilespmem:s4+$0xFFFFFED0] =	vst v7;
	v6 =	vmul.f32 v13, v6;
	v7 =	vld [tilespmem:s4+$0xFFFFFF40]  }
0xfe: {  	[tilespmem:s4+$0xFFFFFEE0] =	vst v9;
	v9 =	vmul.f32 v14, v8;
	v13 =	vld [tilespmem:s4+$0xFFFFFF50]  }
0xff: {  	[tilespmem:s4+$0xFFFFFEF0] =	vst v6;
	v6 =	vmul.f32 v10, v8;
	v10 =	vld [tilespmem:s4+$0xFFFFFF60]  }
0x100: {  	[tilespmem:s4+$0xFFFFFF00] =	vst v9;
	v9 =	vmul.f32 v11, v8;
	v11 =	vld [tilespmem:s4+$0xFFFFFF70]  }
0x101: {  	[tilespmem:s4+$0xFFFFFF10] =	vst v6;
	v6 =	vmul.f32 v12, v8;
	v12 =	vld [tilespmem:s4+$0xFFFFFF80]  }
0x102: {  	[tilespmem:s4+$0xFFFFFF20] =	vst v9;
	v7 =	vmul.f32 v7, v8;
	v9 =	vld [tilespmem:s4+$0xFFFFFF90]  }
0x103: {  	[tilespmem:s4+$0xFFFFFF30] =	vst v6;
	v6 =	vmul.f32 v13, v8;
	v13 =	vld [tilespmem:s4+$0xFFFFFFA0]  }
0x104: {  	[tilespmem:s4+$0xFFFFFF40] =	vst v7;
	v7 =	vmul.f32 v10, v8;
	v10 =	vld [tilespmem:s4+$0xFFFFFFB0]  }
0x105: {  	[tilespmem:s4+$0xFFFFFF50] =	vst v6;
	v6 =	vmul.f32 v11, v8;
	v8 =	vld [tilespmem:s4+$0xFFFFFFC0]  }
0x106: {  	[tilespmem:s4+$0xFFFFFF60] =	vst v7;
	v7 =	vmul.f32 v12, v5;
	v11 =	vld [tilespmem:s4+$0xFFFFFFD0]  }
0x107: {  	[tilespmem:s4+$0xFFFFFF70] =	vst v6;
	v6 =	vmul.f32 v9, v5;
	v9 =	vld [tilespmem:s4+$0xFFFFFFE0]  }
0x108: {  	[tilespmem:s4+$0xFFFFFF80] =	vst v7;
	v7 =	vmul.f32 v13, v5;
	v12 =	vld [tilespmem:s4+$0xFFFFFFF0]  }
0x109: {  	[tilespmem:s4+$0xFFFFFF90] =	vst v6;
	v6 =	vmul.f32 v10, v5;
	v10 =	vld [tilespmem:s4+$0x0]  }
0x10a: {  	[tilespmem:s4+$0xFFFFFFA0] =	vst v7;
	v7 =	vmul.f32 v8, v5;
	v8 =	vld [tilespmem:s4+$0x10]  }
0x10b: {  	[tilespmem:s4+$0xFFFFFFB0] =	vst v6;
	v6 =	vmul.f32 v11, v5;
	v11 =	vld [tilespmem:s4+$0x20]  }
0x10c: {  	[tilespmem:s4+$0xFFFFFFC0] =	vst v7;
	v7 =	vmul.f32 v9, v5;
	v9 =	vld [tilespmem:s4+$0x30]  }
0x10d: {  	[tilespmem:s4+$0xFFFFFFD0] =	vst v6;
	v5 =	vmul.f32 v12, v5;
	v6 =	vld [tilespmem:s4+$0x40]  }
0x10e: {  	[tilespmem:s4+$0xFFFFFFE0] =	vst v7;
	v7 =	vmul.f32 v10, v4;
	v10 =	vld [tilespmem:s4+$0x50]  }
0x10f: {  	[tilespmem:s4+$0xFFFFFFF0] =	vst v5;
	v5 =	vmul.f32 v8, v4;
	v8 =	vld [tilespmem:s4+$0x60]  }
0x110: {  	[tilespmem:s4+$0x0] =	vst v7;
	v7 =	vmul.f32 v11, v4;
	v11 =	vld [tilespmem:s4+$0x70]  }
0x111: {  	[tilespmem:s4+$0x10] =	vst v5;
	v5 =	vmul.f32 v9, v4;
	v9 =	vld [tilespmem:s4+$0x80]  }
0x112: {  	[tilespmem:s4+$0x20] =	vst v7;
	v6 =	vmul.f32 v6, v4;
	v7 =	vld [tilespmem:s4+$0x90]  }
0x113: {  	[tilespmem:s4+$0x30] =	vst v5;
	v5 =	vmul.f32 v10, v4;
	v10 =	vld [tilespmem:s4+$0xA0]  }
0x114: {  	[tilespmem:s4+$0x40] =	vst v6;
	v6 =	vmul.f32 v8, v4;
	v8 =	vld [tilespmem:s4+$0xB0]  }
0x115: {  	[tilespmem:s4+$0x50] =	vst v5;
	v4 =	vmul.f32 v11, v4;
	v5 =	vld [tilespmem:s4+$0xC0]  }
0x116: {  	[tilespmem:s4+$0x60] =	vst v6;
	v6 =	vmul.f32 v9, v3;
	v9 =	vld [tilespmem:s4+$0xD0]  }
0x117: {  	[tilespmem:s4+$0x70] =	vst v4;
	v4 =	vmul.f32 v7, v3;
	v7 =	vld [tilespmem:s4+$0xE0]  }
0x118: {  	[tilespmem:s4+$0x80] =	vst v6;
	v6 =	vmul.f32 v10, v3;
	v10 =	vld [tilespmem:s4+$0xF0]  }
0x119: {  	[tilespmem:s4+$0x90] =	vst v4;
	v4 =	vmul.f32 v8, v3;
	v8 =	vld [tilespmem:s4+$0x100]  }
0x11a: {  	[tilespmem:s4+$0xA0] =	vst v6;
	v5 =	vmul.f32 v5, v3;
	v6 =	vld [tilespmem:s4+$0x110]  }
0x11b: {  	[tilespmem:s4+$0xB0] =	vst v4;
	v4 =	vmul.f32 v9, v3;
	v9 =	vld [tilespmem:s4+$0x120]  }
0x11c: {  	[tilespmem:s4+$0xC0] =	vst v5;
	v5 =	vmul.f32 v7, v3;
	v7 =	vld [tilespmem:s4+$0x130]  }
0x11d: {  	[tilespmem:s4+$0xD0] =	vst v4;
	v4 =	vmul.f32 v10, v3;
	v10 =	vld [tilespmem:s4+$0x140]  }
0x11e: {  	s7 =	sadd.s32 $0x7, s6;
	v3 =	vmov s6;
	[tilespmem:s4+$0xE0] =	vst v5;
	v5 =	vmul.f32 v8, v2;
	v8 =	vld [tilespmem:s4+$0x150]  }
0x11f: {  	s19 =	sadd.s32 $0x1, s6;
	s12 =	sadd.s32 $0x2, s6;
	v11 =	vand.u32 $0xFFFFFFF8, v3;
	v3 =	vmov s7;
	[tilespmem:s4+$0xF0] =	vst v4;
	v4 =	vmul.f32 v6, v2;
	v12 =	vld [tilespmem:s4+$0x160]  }
0x120: {  	v14 =	vmov s12;
	s12 =	sadd.s32 $0x4, s6;
	v13 =	vmov s19;
	s7 =	sadd.s32 $0x3, s6;
	[tilespmem:s4+$0x100] =	vst v5;
	v5 =	vmul.f32 v9, v2;
	v9 =	vld [tilespmem:s4+$0x180]  }
0x121: {  	v16 =	vmov s12;
	v15 =	vmov s7;
	s7 =	sadd.s32 $0x5, s6;
	[tilespmem:s4+$0x110] =	vst v4;
	v7 =	vmul.f32 v7, v2;
	v17 =	vld [tilespmem:s4+$0x190]  }
.Ltmp4:
0x122: {  	v4 =	vbroadcast v11, $0x0;
	v11 =	vmov s7;
	[tilespmem:s4+$0x120] =	vst v5;
	v10 =	vmul.f32 v10, v2;
	v6 =	vld [tilespmem:s4+$0x1A0];
	(pc) =	sbr.rel @p1 .LBB2_7-.Ltmp4, $4  }
0x123: {  	v5 =	vand.u32 $0xFFFFFFF9, v13;
	v13 =	vand.u32 $0xFFFFFFFA, v14;
	[tilespmem:s4+$0x130] =	vst v7;
	v14 =	vmul.f32 v8, v2;
	v7 =	vld [tilespmem:s4+$0x1B0]  }
0x124: {  	v18 =	vand.u32 $0xFFFFFFFB, v15;
	v5 =	vbroadcast v5, $0x0;
	[tilespmem:s4+$0x140] =	vst v10;
	v19 =	vmul.f32 v12, v2;
	v8 =	vld [tilespmem:s4+$0x1C0]  }
0x125: {  	v10 =	vbroadcast v13, $0x0;
	v2 =	vand.u32 $0xFFFFFFFC, v16;
	[tilespmem:s4+$0x150] =	vst v14;
	v15 =	vmul.f32 v9, v1;
	v9 =	vld [tilespmem:s4+$0x1D0]  }
0x126: {  	s7 =	sadd.s32 $0x6, s6;
	s6 =	sadd.s32 $0x8, s6;
	v12 =	vbroadcast v18, $0x0;
	v14 =	vand.u32 $0xFFFFFFFD, v11;
	[tilespmem:s4+$0x160] =	vst v19;
	v13 =	vmul.f32 v17, v1;
	v11 =	vld [tilespmem:s4+$0x1E0]  }
0x127: {  	_ =	sdelay $0x2  }
0x128: {  	v16 =	vld [tilespmem:s4+$0x1F0]  }
0x129: {  	v18 =	vld.idx.msk [tilespmem:v4+s11+$0x0], $0xffff  }
0x12a: {  	[tilespmem:s4+$0x180] =	vst v15;
	v15 =	vbroadcast v2, $0x0;
	v2 =	vmov s7;
	v10 =	vld.idx.msk [tilespmem:v10+s11+$0x0], $0xffff  }
0x12b: {  	v17 =	vand.u32 $0xFFFFFFFE, v2;
	v2 =	vld.idx.msk [tilespmem:v3+s11+$0x0], $0xffff  }
0x12c: {  	s6 =	sadd.s32 $0x400, s4;
	v12 =	vld.idx.msk [tilespmem:v12+s11+$0x0], $0xffff  }
0x12d: {  	v14 =	vbroadcast v14, $0x0;
	v6 =	vmul.f32 v6, v1;
	[tilespmem:s4+$0x190] =	vst v13;
	v13 =	vld [tilespmem:s6+$0x170]  }
0x12e: {  	v7 =	vmul.f32 v7, v1;
	v3 =	vbroadcast v17, $0x0;
	v17 =	vld.idx.msk [tilespmem:v5+s11+$0x0], $0xffff  }
0x12f: {  	[tilespmem:s4+$0x1A0] =	vst v6;
	v6 =	vmul.f32 v8, v1;
	v8 =	vld [tilespmem:s6+$0xFFFFFE00]  }
0x130: {  	[tilespmem:s4+$0x1B0] =	vst v7;
	v7 =	vmul.f32 v9, v1;
	v9 =	vld [tilespmem:s6+$0xFFFFFE10]  }
0x131: {  	[tilespmem:s4+$0x1C0] =	vst v6;
	v6 =	vmul.f32 v11, v1;
	v11 =	vld [tilespmem:s6+$0xFFFFFE20]  }
0x132: {  	[tilespmem:s4+$0x1D0] =	vst v7;
	v7 =	vld [tilespmem:s6+$0xFFFFFE30]  }
0x133: {  	v5 =	vld.idx.msk [tilespmem:v15+s11+$0x0], $0xffff  }
0x134: {  	v1 =	vmul.f32 v16, v1;
	v4 =	vld.idx.msk [tilespmem:v14+s11+$0x0], $0xffff  }
0x135: {  	[tilespmem:s4+$0x1E0] =	vst v6;
	v6 =	vld [tilespmem:s6+$0xFFFFFE40]  }
0x136: {  	[tilespmem:s4+$0x1F0] =	vst v1;
	v1 =	vmul.f32 v8, v18;
	v3 =	vld.idx.msk [tilespmem:v3+s11+$0x0], $0xffff  }
0x137: {  	v8 =	vld [tilespmem:s6+$0xFFFFFE50];
	v9 =	vmul.f32 v9, v18  }
0x138: {  	v14 =	vld [tilespmem:s6+$0xFFFFFE60];
	[tilespmem:s6+$0xFFFFFE00] =	vst v1;
	v1 =	vmul.f32 v11, v18  }
0x139: {  	v11 =	vld [tilespmem:s6+$0xFFFFFE70];
	[tilespmem:s6+$0xFFFFFE10] =	vst v9;
	v7 =	vmul.f32 v7, v18  }
0x13a: {  	v9 =	vld [tilespmem:s6+$0xFFFFFE80];
	[tilespmem:s6+$0xFFFFFE20] =	vst v1;
	v1 =	vmul.f32 v6, v18  }
0x13b: {  	v6 =	vld [tilespmem:s6+$0xFFFFFE90];
	[tilespmem:s6+$0xFFFFFE30] =	vst v7;
	v13 =	vmul.f32 v13, v3  }
0x13c: {  	v7 =	vmul.f32 v8, v18;
	v8 =	vld [tilespmem:s6+$0xFFFFFEA0];
	[tilespmem:s6+$0xFFFFFE40] =	vst v1  }
0x13d: {  	v1 =	vmul.f32 v14, v18;
	[tilespmem:s6+$0x170] =	vst v13;
	v13 =	vld [tilespmem:s6+$0xFFFFFEB0]  }
0x13e: {  	[tilespmem:s6+$0xFFFFFE50] =	vst v7;
	v7 =	vmul.f32 v11, v18;
	v11 =	vld [tilespmem:s6+$0xFFFFFEC0]  }
0x13f: {  	[tilespmem:s6+$0xFFFFFE60] =	vst v1;
	v1 =	vmul.f32 v9, v17;
	v9 =	vld [tilespmem:s6+$0xFFFFFED0]  }
0x140: {  	[tilespmem:s6+$0xFFFFFE70] =	vst v7;
	v6 =	vmul.f32 v6, v17;
	v7 =	vld [tilespmem:s6+$0xFFFFFEE0]  }
0x141: {  	[tilespmem:s6+$0xFFFFFE80] =	vst v1;
	v1 =	vmul.f32 v8, v17;
	v8 =	vld [tilespmem:s6+$0xFFFFFEF0]  }
0x142: {  	[tilespmem:s6+$0xFFFFFE90] =	vst v6;
	v6 =	vmul.f32 v13, v17;
	v13 =	vld [tilespmem:s6+$0xFFFFFF00]  }
0x143: {  	[tilespmem:s6+$0xFFFFFEA0] =	vst v1;
	v1 =	vmul.f32 v11, v17;
	v11 =	vld [tilespmem:s6+$0xFFFFFF10]  }
0x144: {  	[tilespmem:s6+$0xFFFFFEB0] =	vst v6;
	v6 =	vmul.f32 v9, v17;
	v9 =	vld [tilespmem:s6+$0xFFFFFF20]  }
0x145: {  	[tilespmem:s6+$0xFFFFFEC0] =	vst v1;
	v1 =	vmul.f32 v7, v17;
	v7 =	vld [tilespmem:s6+$0xFFFFFF30]  }
0x146: {  	[tilespmem:s6+$0xFFFFFED0] =	vst v6;
	v6 =	vmul.f32 v8, v17;
	v8 =	vld [tilespmem:s6+$0xFFFFFF40]  }
0x147: {  	[tilespmem:s6+$0xFFFFFEE0] =	vst v1;
	v1 =	vmul.f32 v13, v10;
	v13 =	vld [tilespmem:s6+$0xFFFFFF50]  }
0x148: {  	[tilespmem:s6+$0xFFFFFEF0] =	vst v6;
	v6 =	vmul.f32 v11, v10;
	v11 =	vld [tilespmem:s6+$0xFFFFFF60]  }
0x149: {  	[tilespmem:s6+$0xFFFFFF00] =	vst v1;
	v1 =	vmul.f32 v9, v10;
	v9 =	vld [tilespmem:s6+$0xFFFFFF70]  }
0x14a: {  	[tilespmem:s6+$0xFFFFFF10] =	vst v6;
	v6 =	vmul.f32 v7, v10;
	v7 =	vld [tilespmem:s6+$0xFFFFFF80]  }
0x14b: {  	[tilespmem:s6+$0xFFFFFF20] =	vst v1;
	v1 =	vmul.f32 v8, v10;
	v8 =	vld [tilespmem:s6+$0xFFFFFF90]  }
0x14c: {  	[tilespmem:s6+$0xFFFFFF30] =	vst v6;
	v6 =	vmul.f32 v13, v10;
	v13 =	vld [tilespmem:s6+$0xFFFFFFA0]  }
0x14d: {  	[tilespmem:s6+$0xFFFFFF40] =	vst v1;
	v1 =	vmul.f32 v11, v10;
	v11 =	vld [tilespmem:s6+$0xFFFFFFB0]  }
0x14e: {  	[tilespmem:s6+$0xFFFFFF50] =	vst v6;
	v6 =	vmul.f32 v9, v10;
	v9 =	vld [tilespmem:s6+$0xFFFFFFC0]  }
0x14f: {  	[tilespmem:s6+$0xFFFFFF60] =	vst v1;
	v1 =	vmul.f32 v7, v12;
	v7 =	vld [tilespmem:s6+$0xFFFFFFD0]  }
0x150: {  	[tilespmem:s6+$0xFFFFFF70] =	vst v6;
	v6 =	vmul.f32 v8, v12;
	v8 =	vld [tilespmem:s6+$0xFFFFFFE0]  }
0x151: {  	v10 =	vld [tilespmem:s6+$0xFFFFFFF0];
	[tilespmem:s6+$0xFFFFFF80] =	vst v1;
	v1 =	vmul.f32 v13, v12  }
0x152: {  	[tilespmem:s6+$0xFFFFFF90] =	vst v6;
	v6 =	vmul.f32 v11, v12;
	v11 =	vld [tilespmem:s6+$0x0]  }
0x153: {  	[tilespmem:s6+$0xFFFFFFA0] =	vst v1;
	v1 =	vmul.f32 v9, v12;
	v9 =	vld [tilespmem:s6+$0x10]  }
0x154: {  	[tilespmem:s6+$0xFFFFFFB0] =	vst v6;
	v6 =	vmul.f32 v7, v12;
	v7 =	vld [tilespmem:s6+$0x20]  }
0x155: {  	[tilespmem:s6+$0xFFFFFFC0] =	vst v1;
	v1 =	vmul.f32 v8, v12;
	v8 =	vld [tilespmem:s6+$0x30]  }
0x156: {  	[tilespmem:s6+$0xFFFFFFD0] =	vst v6;
	v6 =	vmul.f32 v10, v12;
	v10 =	vld [tilespmem:s6+$0x40]  }
0x157: {  	[tilespmem:s6+$0xFFFFFFE0] =	vst v1;
	v1 =	vmul.f32 v11, v5;
	v11 =	vld [tilespmem:s6+$0x50]  }
0x158: {  	[tilespmem:s6+$0xFFFFFFF0] =	vst v6;
	v6 =	vmul.f32 v9, v5;
	v9 =	vld [tilespmem:s6+$0x60]  }
0x159: {  	[tilespmem:s6+$0x0] =	vst v1;
	v1 =	vmul.f32 v7, v5;
	v7 =	vld [tilespmem:s6+$0x70]  }
0x15a: {  	[tilespmem:s6+$0x10] =	vst v6;
	v6 =	vmul.f32 v8, v5;
	v8 =	vld [tilespmem:s6+$0x80]  }
0x15b: {  	[tilespmem:s6+$0x20] =	vst v1;
	v1 =	vmul.f32 v10, v5;
	v10 =	vld [tilespmem:s6+$0x90]  }
0x15c: {  	[tilespmem:s6+$0x30] =	vst v6;
	v6 =	vmul.f32 v11, v5;
	v11 =	vld [tilespmem:s6+$0xA0]  }
0x15d: {  	[tilespmem:s6+$0x40] =	vst v1;
	v1 =	vmul.f32 v9, v5;
	v9 =	vld [tilespmem:s6+$0xB0]  }
0x15e: {  	[tilespmem:s6+$0x50] =	vst v6;
	v5 =	vmul.f32 v7, v5;
	v6 =	vld [tilespmem:s6+$0xC0]  }
0x15f: {  	v7 =	vld [tilespmem:s6+$0xD0];
	[tilespmem:s6+$0x60] =	vst v1;
	v1 =	vmul.f32 v8, v4  }
0x160: {  	v8 =	vld [tilespmem:s6+$0xE0];
	[tilespmem:s6+$0x70] =	vst v5;
	v5 =	vmul.f32 v10, v4  }
0x161: {  	v10 =	vld [tilespmem:s6+$0xF0];
	[tilespmem:s6+$0x80] =	vst v1;
	v1 =	vmul.f32 v11, v4  }
0x162: {  	[tilespmem:s6+$0x90] =	vst v5;
	v5 =	vmul.f32 v9, v4;
	v9 =	vld [tilespmem:s6+$0x100]  }
0x163: {  	[tilespmem:s6+$0xA0] =	vst v1;
	v1 =	vmul.f32 v6, v4;
	v6 =	vld [tilespmem:s6+$0x110]  }
0x164: {  	[tilespmem:s6+$0xB0] =	vst v5;
	v5 =	vmul.f32 v7, v4;
	v7 =	vld [tilespmem:s6+$0x120]  }
0x165: {  	[tilespmem:s6+$0xC0] =	vst v1;
	v1 =	vmul.f32 v8, v4;
	v8 =	vld [tilespmem:s6+$0x130]  }
0x166: {  	v4 =	vmul.f32 v10, v4;
	[tilespmem:s6+$0xD0] =	vst v5;
	v5 =	vld [tilespmem:s6+$0x140]  }
0x167: {  	[tilespmem:s6+$0xE0] =	vst v1;
	v1 =	vmul.f32 v9, v3;
	v9 =	vld [tilespmem:s6+$0x150]  }
0x168: {  	[tilespmem:s6+$0xF0] =	vst v4;
	v4 =	vmul.f32 v6, v3;
	v6 =	vld [tilespmem:s6+$0x160]  }
0x169: {  	[tilespmem:s6+$0x100] =	vst v1;
	v1 =	vmul.f32 v7, v3;
	v7 =	vld [tilespmem:s6+$0x180]  }
0x16a: {  	[tilespmem:s6+$0x110] =	vst v4;
	v4 =	vmul.f32 v8, v3;
	v8 =	vld [tilespmem:s6+$0x190]  }
0x16b: {  	[tilespmem:s6+$0x120] =	vst v1;
	v1 =	vmul.f32 v5, v3;
	v5 =	vld [tilespmem:s6+$0x1A0]  }
0x16c: {  	[tilespmem:s6+$0x130] =	vst v4;
	v4 =	vmul.f32 v9, v3;
	v9 =	vld [tilespmem:s6+$0x1B0]  }
0x16d: {  	[tilespmem:s6+$0x140] =	vst v1;
	v1 =	vmul.f32 v6, v3;
	v3 =	vld [tilespmem:s6+$0x1C0]  }
0x16e: {  	v6 =	vld [tilespmem:s6+$0x1D0];
	[tilespmem:s6+$0x150] =	vst v4;
	v4 =	vmul.f32 v7, v2  }
0x16f: {  	v7 =	vld [tilespmem:s6+$0x1E0];
	[tilespmem:s6+$0x160] =	vst v1;
	v1 =	vmul.f32 v8, v2  }
0x170: {  	[tilespmem:s6+$0x180] =	vst v4;
	v4 =	vmul.f32 v5, v2;
	v5 =	vld [tilespmem:s6+$0x1F0]  }
0x171: {  	[tilespmem:s6+$0x190] =	vst v1;
	v1 =	vmul.f32 v9, v2  }
0x172: {  	[tilespmem:s6+$0x1A0] =	vst v4;
	v3 =	vmul.f32 v3, v2  }
0x173: {  	[tilespmem:s6+$0x1B0] =	vst v1;
	v1 =	vmul.f32 v6, v2  }
0x174: {  	[tilespmem:s6+$0x1C0] =	vst v3;
	v3 =	vmul.f32 v7, v2  }
0x175: {  	[tilespmem:s6+$0x1D0] =	vst v1;
	v1 =	vmul.f32 v5, v2  }
0x176: {  	[tilespmem:s6+$0x1E0] =	vst v3  }
0x177: {  	[tilespmem:s6+$0x1F0] =	vst v1  }
0x178: {  	v1 =	vld [tilespmem:$0x19880];
	_ =	sdelay $0x2  }
0x179: {  	v2 =	vld [tilespmem:$0x19900];
	_ =	sdelay $0x4  }
0x17a: {  	[tilespmem:v1+s29+$0x0] =	vst.idx.add.f32.msk $0xffff, v2  }
0x17b: {  	v1 =	vld [tilespmem:$0x19890];
	_ =	sdelay $0x2  }
0x17c: {  	v2 =	vld [tilespmem:$0x19910];
	_ =	sdelay $0x4  }
0x17d: {  	[tilespmem:v1+s29+$0x0] =	vst.idx.add.f32.msk $0xffff, v2  }
0x17e: {  	v1 =	vld [tilespmem:$0x198A0];
	_ =	sdelay $0x2  }
0x17f: {  	v2 =	vld [tilespmem:$0x19920];
	_ =	sdelay $0x4  }
0x180: {  	[tilespmem:v1+s29+$0x0] =	vst.idx.add.f32.msk $0xffff, v2  }
0x181: {  	v1 =	vld [tilespmem:$0x198B0];
	_ =	sdelay $0x2  }
0x182: {  	v2 =	vld [tilespmem:$0x19930];
	_ =	sdelay $0x4  }
0x183: {  	[tilespmem:v1+s29+$0x0] =	vst.idx.add.f32.msk $0xffff, v2  }
0x184: {  	v1 =	vld [tilespmem:$0x198C0];
	_ =	sdelay $0x2  }
0x185: {  	v2 =	vld [tilespmem:$0x19940];
	_ =	sdelay $0x3  }
0x186: {  	p1 =	seq.s32 s28, $0x3E  }
0x187: {  	s7 =	simm.s32 @p1 $0x19980;
	s4 =	simm.s32 @p1 $0x50;
	s6 =	simm.s32 @p1 $0x19880;
	[tilespmem:v1+s29+$0x0] =	vst.idx.add.f32.msk $0xffff, v2  }
0x188: {  	[spmem:s2] =	stream.indirect.scatter.add.f32 @p1 [tilespmem:s7], [sflag:$0x4], $0x80, s6, s4, $0xb8;
	[tilespmem:$0x1EB00] =	vst v63  }
0x189: {  	s4 =	simm.s32 @p1 $0x7  }
0x18a: {  	_ =	swait.ge @p1 [sflag:s4], $0x2800  }
0x18b: {  	[sflag:s4] =	ssyncset.done @p1 $0x0  }
0x18c: {  	s6 =	smul.u32 @!p1 $0xA0, s28;
	[sflag:s4] =	ssyncadd.s32 @p1 $0xFFFFD800;
	s4 =	simm.s32 @p1 $0x4  }
0x18d: {  	_ =	swait.ge @p1 [sflag:s4], $0x2800  }
0x18e: {  	s6 =	sadd.s32 @!p1 s6, s25;
	[sflag:s4] =	ssyncset.done @p1 $0x0  }
0x18f: {  	[sflag:s4] =	ssyncadd.s32 @p1 $0xFFFFD800;
	s4 =	sshrl.u32 @!p1 s6, $0x3  }
0x190: {  	s12 =	simm.s32 @!p1 $0x19800;
	s7 =	simm.s32 @!p1 $0x0;
	s6 =	sadd.s32 @!p1 s1, s4  }
0x191: {  	[tilespmem:s12], [sflag:$0x1] =	stream.linear.gather @!p1 [hbm4b:s6+s7], $0x50, $0x38;
	[tilespmem:$0x1EB00] =	vst v63  }
0x192: {  	s19 =	simm.s32 @!p1 $0x19900;
	s8 =	simm.s32 @!p1 $0x19980;
	s6 =	sadd.s32 @!p1 s17, s4  }
0x193: {  	[tilespmem:s19], [sflag:$0x1] =	stream.linear.gather @!p1 [hbm4b:s6+s7], $0x50, $0x38;
	[tilespmem:$0x1EB00] =	vst v63  }
0x194: {  	s15 =	simm.s32 @!p1 $0x7;
	s6 =	simm.s32 @!p1 $0x50;
	s19 =	simm.s32 @!p1 $0x19880  }
0x195: {  	[spmem:s2] =	stream.indirect.scatter.add.f32 @!p1 [tilespmem:s8], [sflag:$0x4], $0x80, s19, s6, $0xb8;
	[tilespmem:$0x1EB00] =	vst v63  }
0x196: {  	_ =	swait.ge @!p1 [sflag:s15], $0x2800  }
0x197: {  	[sflag:s15] =	ssyncset.done @!p1 $0x0  }
0x198: {  	[sflag:s15] =	ssyncadd.s32 @!p1 $0xFFFFD800;
	s15 =	simm.s32 @!p1 $0x4  }
0x199: {  	_ =	swait.ge @!p1 [sflag:s15], $0x2800  }
0x19a: {  	[sflag:s15] =	ssyncset.done @!p1 $0x0  }
0x19b: {  	s4 =	sadd.s32 @!p1 s16, s4;
	[sflag:s15] =	ssyncadd.s32 @!p1 $0xFFFFD800  }
0x19c: {  	[tilespmem:s19], [sflag:$0x2] =	stream.linear.gather @!p1 [hbm4b:s4+s7], $0x50, $0x38;
	[tilespmem:$0x1EB00] =	vst v63  }
0x19d: {  	s4 =	simm.s32 @!p1 $0x1  }
0x19e: {  	_ =	swait.ge @!p1 [sflag:s4], $0x50  }
0x19f: {  	s15 =	simm.s32 $0x0;
	[sflag:s4] =	ssyncset.done @!p1 $0x0  }
0x1a0: {  	v1 =	vmov s15;
	s19 =	simm.s32 $0x6;
	[sflag:s4] =	ssyncadd.s32 @!p1 $0xFFFFFFB0  }
0x1a1: {  	v1 =	vand.u32 $0xFFFFFFF8, v1;
	v2 =	vmov s19;
	_ =	swait.ge @!p1 [sflag:s4], $0x50  }
0x1a2: {  	v1 =	vbroadcast v1, $0x0;
	v2 =	vand.u32 $0xFFFFFFFE, v2;
	[sflag:s4] =	ssyncset.done @!p1 $0x0  }
0x1a3: {  	v2 =	vbroadcast v2, $0x0;
	[sflag:s4] =	ssyncadd.s32 @!p1 $0xFFFFFFB0  }
0x1a4: {  	[tilespmem:s8], [sflag:$0x3] =	stream.indirect.gather @!p1 [hbm4b:s0+s6], $0x80, s12, s6, $0xb8;
	[tilespmem:$0x1EB00] =	vst v63  }
0x1a5: {  	_ =	swait.ge [sflag:s30], $0x50  }
0x1a6: {  	[sflag:s30] =	ssyncset.done $0x0  }
0x1a7: {  	[sflag:s30] =	ssyncadd.s32 $0xFFFFFFB0  }
0x1a8: {  	v1 =	vld.idx.msk [tilespmem:v1+s14+$0x0], $0xffff  }
0x1a9: {  	s7 =	simm.s32 $0x1;
	s4 =	simm.s32 $0x1C500;
	v2 =	vld.idx.msk [tilespmem:v2+s14+$0x0], $0xffff  }
0x1aa: {  	v3 =	vmov s7;
	v4 =	vld [tilespmem:s4+$0x170]  }
0x1ab: {  	v3 =	vand.u32 $0xFFFFFFF9, v3;
	v5 =	vld [tilespmem:s4+$0xFFFFFE00]  }
0x1ac: {  	v3 =	vbroadcast v3, $0x0;
	v6 =	vld [tilespmem:s4+$0xFFFFFE10]  }
0x1ad: {  	v7 =	vld [tilespmem:s4+$0xFFFFFE20]  }
0x1ae: {  	v8 =	vld [tilespmem:s4+$0xFFFFFE30]  }
0x1af: {  	v9 =	vld [tilespmem:s4+$0xFFFFFE40]  }
0x1b0: {  	v10 =	vld [tilespmem:s4+$0xFFFFFE50]  }
0x1b1: {  	v11 =	vld [tilespmem:s4+$0xFFFFFE60]  }
0x1b2: {  	v3 =	vld.idx.msk [tilespmem:v3+s14+$0x0], $0xffff  }
0x1b3: {  	v12 =	vld [tilespmem:s4+$0xFFFFFE70]  }
0x1b4: {  	v13 =	vld [tilespmem:s4+$0xFFFFFE80];
	v5 =	vmul.f32 v5, v1  }
0x1b5: {  	v14 =	vld [tilespmem:s4+$0xFFFFFE90];
	v4 =	vmul.f32 v4, v2  }
0x1b6: {  	v15 =	vld [tilespmem:s4+$0xFFFFFEA0];
	v6 =	vmul.f32 v6, v1;
	[tilespmem:s4+$0xFFFFFE00] =	vst v5  }
0x1b7: {  	s8 =	simm.s32 $0x2;
	v16 =	vld [tilespmem:s4+$0xFFFFFEB0];
	v8 =	vmul.f32 v8, v1;
	[tilespmem:s4+$0x170] =	vst v4  }
0x1b8: {  	v9 =	vmul.f32 v9, v1;
	v5 =	vmov s8;
	v4 =	vmul.f32 v7, v1;
	v7 =	vld [tilespmem:s4+$0xFFFFFEC0];
	[tilespmem:s4+$0xFFFFFE10] =	vst v6  }
0x1b9: {  	v6 =	vmul.f32 v13, v3;
	v13 =	vld [tilespmem:s4+$0xFFFFFED0];
	[tilespmem:s4+$0xFFFFFE30] =	vst v8;
	v5 =	vand.u32 $0xFFFFFFFA, v5  }
0x1ba: {  	v8 =	vmul.f32 v10, v1;
	v10 =	vld [tilespmem:s4+$0xFFFFFEF0];
	[tilespmem:s4+$0xFFFFFE40] =	vst v9;
	v5 =	vbroadcast v5, $0x0  }
0x1bb: {  	v9 =	vmul.f32 v11, v1;
	v11 =	vld [tilespmem:s4+$0xFFFFFF00];
	[tilespmem:s4+$0xFFFFFE20] =	vst v4  }
0x1bc: {  	v1 =	vmul.f32 v12, v1;
	v12 =	vld [tilespmem:s4+$0xFFFFFF20];
	[tilespmem:s4+$0xFFFFFE80] =	vst v6  }
0x1bd: {  	s12 =	simm.s32 $0x3;
	v4 =	vld [tilespmem:s4+$0xFFFFFEE0];
	[tilespmem:s4+$0xFFFFFE50] =	vst v8  }
0x1be: {  	v6 =	vmov s12;
	v8 =	vld [tilespmem:s4+$0xFFFFFF10];
	[tilespmem:s4+$0xFFFFFE60] =	vst v9;
	v9 =	vmul.f32 v14, v3  }
0x1bf: {  	[tilespmem:s4+$0xFFFFFE70] =	vst v1;
	v1 =	vmul.f32 v15, v3;
	v14 =	vld [tilespmem:s4+$0xFFFFFF30];
	v6 =	vand.u32 $0xFFFFFFFB, v6  }
0x1c0: {  	v6 =	vbroadcast v6, $0x0;
	[tilespmem:s4+$0xFFFFFE90] =	vst v9;
	v9 =	vmul.f32 v16, v3;
	v5 =	vld.idx.msk [tilespmem:v5+s14+$0x0], $0xffff  }
0x1c1: {  	v15 =	vld [tilespmem:s4+$0xFFFFFF40];
	[tilespmem:s4+$0xFFFFFEA0] =	vst v1;
	v7 =	vmul.f32 v7, v3  }
0x1c2: {  	v13 =	vmul.f32 v13, v3;
	[tilespmem:s4+$0xFFFFFEB0] =	vst v9;
	v9 =	vld [tilespmem:s4+$0xFFFFFF60]  }
0x1c3: {  	[tilespmem:s4+$0xFFFFFEC0] =	vst v7;
	v4 =	vmul.f32 v4, v3;
	v7 =	vld [tilespmem:s4+$0xFFFFFF70]  }
0x1c4: {  	[tilespmem:s4+$0xFFFFFED0] =	vst v13;
	v3 =	vmul.f32 v10, v3;
	v10 =	vld [tilespmem:s4+$0xFFFFFF80]  }
0x1c5: {  	v13 =	vld [tilespmem:s4+$0xFFFFFFB0];
	[tilespmem:s4+$0xFFFFFEE0] =	vst v4;
	v1 =	vmul.f32 v11, v5  }
0x1c6: {  	[tilespmem:s4+$0xFFFFFEF0] =	vst v3;
	v6 =	vld.idx.msk [tilespmem:v6+s14+$0x0], $0xffff;
	v4 =	vmul.f32 v8, v5  }
0x1c7: {  	s15 =	simm.s32 $0x4;
	v11 =	vld [tilespmem:s4+$0xFFFFFF50];
	v3 =	vmul.f32 v12, v5;
	[tilespmem:s4+$0xFFFFFF00] =	vst v1  }
0x1c8: {  	v8 =	vld [tilespmem:s4+$0xFFFFFF90];
	v9 =	vmul.f32 v9, v5;
	v1 =	vmov s15;
	[tilespmem:s4+$0xFFFFFF10] =	vst v4  }
0x1c9: {  	v12 =	vld [tilespmem:s4+$0xFFFFFFA0];
	v4 =	vmul.f32 v14, v5;
	[tilespmem:s4+$0xFFFFFF20] =	vst v3;
	v1 =	vand.u32 $0xFFFFFFFC, v1  }
0x1ca: {  	v3 =	vmul.f32 v15, v5;
	v14 =	vld [tilespmem:s4+$0xFFFFFFC0];
	[tilespmem:s4+$0xFFFFFF60] =	vst v9;
	v1 =	vbroadcast v1, $0x0  }
0x1cb: {  	v9 =	vld [tilespmem:s4+$0x0];
	[tilespmem:s4+$0xFFFFFF30] =	vst v4;
	v4 =	vmul.f32 v10, v6  }
0x1cc: {  	s19 =	simm.s32 $0x5;
	v10 =	vld [tilespmem:s4+$0xFFFFFFD0];
	[tilespmem:s4+$0xFFFFFF40] =	vst v3;
	v11 =	vmul.f32 v11, v5  }
0x1cd: {  	v3 =	vld [tilespmem:s4+$0xFFFFFFE0];
	v5 =	vmul.f32 v7, v5;
	[tilespmem:s4+$0xFFFFFF80] =	vst v4;
	v4 =	vmov s19  }
0x1ce: {  	v7 =	vld [tilespmem:s4+$0xFFFFFFF0];
	v8 =	vmul.f32 v8, v6;
	[tilespmem:s4+$0xFFFFFF50] =	vst v11;
	v4 =	vand.u32 $0xFFFFFFFD, v4  }
0x1cf: {  	[tilespmem:s4+$0xFFFFFF70] =	vst v5;
	v5 =	vmul.f32 v12, v6;
	v11 =	vld [tilespmem:s4+$0x10];
	v4 =	vbroadcast v4, $0x0  }
0x1d0: {  	[tilespmem:s4+$0xFFFFFF90] =	vst v8;
	v8 =	vmul.f32 v13, v6;
	v1 =	vld.idx.msk [tilespmem:v1+s14+$0x0], $0xffff  }
0x1d1: {  	v12 =	vld [tilespmem:s4+$0x20];
	[tilespmem:s4+$0xFFFFFFA0] =	vst v5;
	v5 =	vmul.f32 v14, v6  }
0x1d2: {  	v13 =	vld [tilespmem:s4+$0x30];
	[tilespmem:s4+$0xFFFFFFB0] =	vst v8;
	v8 =	vmul.f32 v10, v6  }
0x1d3: {  	v10 =	vld [tilespmem:s4+$0x40];
	v3 =	vmul.f32 v3, v6;
	[tilespmem:s4+$0xFFFFFFC0] =	vst v5  }
0x1d4: {  	v6 =	vmul.f32 v7, v6;
	[tilespmem:s4+$0xFFFFFFD0] =	vst v8;
	v8 =	vld [tilespmem:s4+$0x60]  }
0x1d5: {  	[tilespmem:s4+$0xFFFFFFE0] =	vst v3;
	v4 =	vld.idx.msk [tilespmem:v4+s14+$0x0], $0xffff;
	v5 =	vmul.f32 v9, v1  }
0x1d6: {  	[tilespmem:s4+$0xFFFFFFF0] =	vst v6;
	v9 =	vld [tilespmem:s4+$0x50];
	v6 =	vmul.f32 v12, v1  }
0x1d7: {  	v3 =	vmul.f32 v11, v1;
	v11 =	vld [tilespmem:s4+$0x90];
	[tilespmem:s4+$0x0] =	vst v5  }
0x1d8: {  	v7 =	vld [tilespmem:s4+$0x80];
	[tilespmem:s4+$0x20] =	vst v6;
	v6 =	vmul.f32 v10, v1  }
0x1d9: {  	v5 =	vld [tilespmem:s4+$0x70];
	[tilespmem:s4+$0x10] =	vst v3;
	v3 =	vmul.f32 v13, v1  }
0x1da: {  	v10 =	vld [tilespmem:s4+$0xA0];
	[tilespmem:s4+$0x40] =	vst v6;
	v6 =	vmul.f32 v8, v1  }
0x1db: {  	[tilespmem:s4+$0x30] =	vst v3;
	v8 =	vld [tilespmem:s4+$0xC0];
	v3 =	vmul.f32 v9, v1  }
0x1dc: {  	v9 =	vld [tilespmem:s4+$0xB0];
	v11 =	vmul.f32 v11, v4;
	[tilespmem:s4+$0x60] =	vst v6  }
0x1dd: {  	s7 =	simm.s32 $0x7;
	v6 =	vld [tilespmem:s4+$0xE0];
	[tilespmem:s4+$0x50] =	vst v3;
	v3 =	vmul.f32 v7, v4  }
0x1de: {  	v12 =	vmov s7;
	v7 =	vld [tilespmem:s4+$0xD0];
	v5 =	vmul.f32 v5, v1;
	[tilespmem:s4+$0x90] =	vst v11  }
0x1df: {  	v11 =	vld [tilespmem:s4+$0x150];
	[tilespmem:s4+$0x80] =	vst v3  }
0x1e0: {  	[tilespmem:s4+$0x70] =	vst v5;
	v3 =	vmul.f32 v10, v4;
	v5 =	vld [tilespmem:s4+$0xF0]  }
0x1e1: {  	v10 =	vld [tilespmem:s4+$0x100];
	v9 =	vmul.f32 v9, v4  }
0x1e2: {  	[tilespmem:s4+$0xA0] =	vst v3;
	v3 =	vmul.f32 v8, v4;
	v8 =	vld [tilespmem:s4+$0x110]  }
0x1e3: {  	v1 =	vld.idx.msk [tilespmem:v12+s14+$0x0], $0xffff;
	[tilespmem:s4+$0xB0] =	vst v9;
	v7 =	vmul.f32 v7, v4  }
0x1e4: {  	v9 =	vld [tilespmem:s4+$0x120];
	v11 =	vmul.f32 v11, v2;
	[tilespmem:s4+$0xC0] =	vst v3  }
0x1e5: {  	s19 =	simm.s32 $0xA;
	v3 =	vmul.f32 v6, v4;
	v6 =	vld [tilespmem:s4+$0x130];
	[tilespmem:s4+$0xD0] =	vst v7;
	v4 =	vmul.f32 v5, v4  }
0x1e6: {  	s15 =	simm.s32 $0x9;
	v13 =	vmov s19;
	v5 =	vld [tilespmem:s4+$0x140];
	[tilespmem:s4+$0x150] =	vst v11  }
0x1e7: {  	s8 =	simm.s32 $0x8;
	s19 =	simm.s32 $0xD;
	v12 =	vmov s15;
	s15 =	simm.s32 $0xC;
	v10 =	vmul.f32 v10, v2;
	[tilespmem:s4+$0xF0] =	vst v4;
	v4 =	vmul.f32 v8, v2;
	v8 =	vld [tilespmem:s4+$0x160]  }
0x1e8: {  	s12 =	simm.s32 $0xF;
	v14 =	vld [tilespmem:s4+$0x180];
	v63 =	vmov s19;
	v15 =	vmov s15;
	v7 =	vmov s8;
	[tilespmem:s4+$0xE0] =	vst v3  }
0x1e9: {  	v17 =	vld [tilespmem:s4+$0x190];
	v7 =	vand.u32 $0xFFFFFFF8, v7;
	v3 =	vmov s12;
	s12 =	simm.s32 $0xB;
	[tilespmem:s4+$0x100] =	vst v10;
	v9 =	vmul.f32 v9, v2  }
0x1ea: {  	v10 =	vmov s12;
	[tilespmem:s4+$0x110] =	vst v4;
	v16 =	vmul.f32 v6, v2;
	v4 =	vbroadcast v7, $0x0;
	v6 =	vld [tilespmem:s4+$0x1A0]  }
0x1eb: {  	v7 =	vld [tilespmem:s4+$0x1B0];
	[tilespmem:s4+$0x120] =	vst v9;
	v9 =	vmul.f32 v5, v2;
	v5 =	vand.u32 $0xFFFFFFF9, v12;
	v12 =	vand.u32 $0xFFFFFFFA, v13  }
0x1ec: {  	v13 =	vand.u32 $0xFFFFFFFB, v10;
	[tilespmem:s4+$0x130] =	vst v16;
	v5 =	vbroadcast v5, $0x0;
	v16 =	vmul.f32 v8, v2;
	v8 =	vld [tilespmem:s4+$0x1C0]  }
0x1ed: {  	v10 =	vbroadcast v12, $0x0;
	[tilespmem:s4+$0x140] =	vst v9;
	v2 =	vand.u32 $0xFFFFFFFC, v15;
	v15 =	vmul.f32 v14, v1;
	v9 =	vld [tilespmem:s4+$0x1D0]  }
0x1ee: {  	s6 =	simm.s32 $0x10;
	s7 =	simm.s32 $0xE;
	v11 =	vld [tilespmem:s4+$0x1E0];
	v12 =	vbroadcast v13, $0x0;
	v13 =	vmul.f32 v17, v1;
	v14 =	vand.u32 $0xFFFFFFFD, v63;
	[tilespmem:s4+$0x160] =	vst v16  }
.LBB2_9:
0x1ef: {  	p2 =	slt.u32 s6, $0x48;
	v2 =	vbroadcast v2, $0x0;
	v16 =	vmov s7;
	[tilespmem:s4+$0x180] =	vst v15;
	v6 =	vmul.f32 v6, v1;
	v15 =	vld [tilespmem:s4+$0x1F0]  }
0x1f0: {  	v14 =	vbroadcast v14, $0x0;
	v16 =	vand.u32 $0xFFFFFFFE, v16;
	v17 =	vld.idx.msk [tilespmem:v3+s14+$0x0], $0xffff;
	[tilespmem:s4+$0x190] =	vst v13;
	v3 =	vmul.f32 v7, v1  }
0x1f1: {  	v7 =	vld.idx.msk [tilespmem:v4+s14+$0x0], $0xffff;
	v13 =	vbroadcast v16, $0x0;
	[tilespmem:s4+$0x1A0] =	vst v6;
	v4 =	vmul.f32 v8, v1  }
0x1f2: {  	v6 =	vld.idx.msk [tilespmem:v5+s14+$0x0], $0xffff;
	[tilespmem:s4+$0x1B0] =	vst v3;
	v3 =	vmul.f32 v9, v1  }
0x1f3: {  	v8 =	vld.idx.msk [tilespmem:v10+s14+$0x0], $0xffff;
	[tilespmem:s4+$0x1C0] =	vst v4;
	v9 =	vmul.f32 v11, v1  }
0x1f4: {  	v5 =	vld.idx.msk [tilespmem:v12+s14+$0x0], $0xffff;
	[tilespmem:s4+$0x1D0] =	vst v3;
	v10 =	vmul.f32 v15, v1  }
0x1f5: {  	v4 =	vld.idx.msk [tilespmem:v2+s14+$0x0], $0xffff;
	[tilespmem:s4+$0x1E0] =	vst v9  }
0x1f6: {  	v1 =	vmov v17;
	v3 =	vld.idx.msk [tilespmem:v14+s14+$0x0], $0xffff;
	[tilespmem:s4+$0x1F0] =	vst v10  }
0x1f7: {  	s4 =	sadd.s32 $0x400, s4;
	v2 =	vld.idx.msk [tilespmem:v13+s14+$0x0], $0xffff  }
0x1f8: {  	v9 =	vld [tilespmem:s4+$0x170]  }
0x1f9: {  	v10 =	vld [tilespmem:s4+$0xFFFFFE00]  }
0x1fa: {  	v11 =	vld [tilespmem:s4+$0xFFFFFE10]  }
0x1fb: {  	v12 =	vld [tilespmem:s4+$0xFFFFFE20]  }
0x1fc: {  	v13 =	vld [tilespmem:s4+$0xFFFFFE30]  }
0x1fd: {  	v14 =	vld [tilespmem:s4+$0xFFFFFE40];
	v9 =	vmul.f32 v9, v2  }
0x1fe: {  	v10 =	vmul.f32 v10, v7;
	v15 =	vld [tilespmem:s4+$0xFFFFFE50]  }
0x1ff: {  	v11 =	vmul.f32 v11, v7;
	v16 =	vld [tilespmem:s4+$0xFFFFFE60];
	[tilespmem:s4+$0x170] =	vst v9  }
0x200: {  	[tilespmem:s4+$0xFFFFFE00] =	vst v10;
	v9 =	vmul.f32 v12, v7;
	v10 =	vld [tilespmem:s4+$0xFFFFFE70]  }
0x201: {  	[tilespmem:s4+$0xFFFFFE10] =	vst v11;
	v11 =	vmul.f32 v13, v7;
	v12 =	vld [tilespmem:s4+$0xFFFFFE80]  }
0x202: {  	[tilespmem:s4+$0xFFFFFE20] =	vst v9;
	v9 =	vmul.f32 v14, v7;
	v13 =	vld [tilespmem:s4+$0xFFFFFE90]  }
0x203: {  	[tilespmem:s4+$0xFFFFFE30] =	vst v11;
	v11 =	vmul.f32 v15, v7;
	v14 =	vld [tilespmem:s4+$0xFFFFFEA0]  }
0x204: {  	[tilespmem:s4+$0xFFFFFE40] =	vst v9;
	v9 =	vmul.f32 v16, v7;
	v15 =	vld [tilespmem:s4+$0xFFFFFEB0]  }
0x205: {  	[tilespmem:s4+$0xFFFFFE50] =	vst v11;
	v7 =	vmul.f32 v10, v7;
	v10 =	vld [tilespmem:s4+$0xFFFFFEC0]  }
0x206: {  	[tilespmem:s4+$0xFFFFFE60] =	vst v9;
	v9 =	vmul.f32 v12, v6;
	v11 =	vld [tilespmem:s4+$0xFFFFFED0]  }
0x207: {  	[tilespmem:s4+$0xFFFFFE70] =	vst v7;
	v7 =	vmul.f32 v13, v6;
	v12 =	vld [tilespmem:s4+$0xFFFFFEE0]  }
0x208: {  	[tilespmem:s4+$0xFFFFFE80] =	vst v9;
	v9 =	vmul.f32 v14, v6;
	v13 =	vld [tilespmem:s4+$0xFFFFFEF0]  }
0x209: {  	[tilespmem:s4+$0xFFFFFE90] =	vst v7;
	v7 =	vmul.f32 v15, v6;
	v14 =	vld [tilespmem:s4+$0xFFFFFF00]  }
0x20a: {  	[tilespmem:s4+$0xFFFFFEA0] =	vst v9;
	v9 =	vmul.f32 v10, v6;
	v10 =	vld [tilespmem:s4+$0xFFFFFF10]  }
0x20b: {  	[tilespmem:s4+$0xFFFFFEB0] =	vst v7;
	v7 =	vmul.f32 v11, v6;
	v11 =	vld [tilespmem:s4+$0xFFFFFF20]  }
0x20c: {  	[tilespmem:s4+$0xFFFFFEC0] =	vst v9;
	v9 =	vmul.f32 v12, v6;
	v12 =	vld [tilespmem:s4+$0xFFFFFF30]  }
0x20d: {  	[tilespmem:s4+$0xFFFFFED0] =	vst v7;
	v6 =	vmul.f32 v13, v6;
	v7 =	vld [tilespmem:s4+$0xFFFFFF40]  }
0x20e: {  	[tilespmem:s4+$0xFFFFFEE0] =	vst v9;
	v9 =	vmul.f32 v14, v8;
	v13 =	vld [tilespmem:s4+$0xFFFFFF50]  }
0x20f: {  	[tilespmem:s4+$0xFFFFFEF0] =	vst v6;
	v6 =	vmul.f32 v10, v8;
	v10 =	vld [tilespmem:s4+$0xFFFFFF60]  }
0x210: {  	[tilespmem:s4+$0xFFFFFF00] =	vst v9;
	v9 =	vmul.f32 v11, v8;
	v11 =	vld [tilespmem:s4+$0xFFFFFF70]  }
0x211: {  	[tilespmem:s4+$0xFFFFFF10] =	vst v6;
	v6 =	vmul.f32 v12, v8;
	v12 =	vld [tilespmem:s4+$0xFFFFFF80]  }
0x212: {  	[tilespmem:s4+$0xFFFFFF20] =	vst v9;
	v7 =	vmul.f32 v7, v8;
	v9 =	vld [tilespmem:s4+$0xFFFFFF90]  }
0x213: {  	[tilespmem:s4+$0xFFFFFF30] =	vst v6;
	v6 =	vmul.f32 v13, v8;
	v13 =	vld [tilespmem:s4+$0xFFFFFFA0]  }
0x214: {  	[tilespmem:s4+$0xFFFFFF40] =	vst v7;
	v7 =	vmul.f32 v10, v8;
	v10 =	vld [tilespmem:s4+$0xFFFFFFB0]  }
0x215: {  	[tilespmem:s4+$0xFFFFFF50] =	vst v6;
	v6 =	vmul.f32 v11, v8;
	v8 =	vld [tilespmem:s4+$0xFFFFFFC0]  }
0x216: {  	[tilespmem:s4+$0xFFFFFF60] =	vst v7;
	v7 =	vmul.f32 v12, v5;
	v11 =	vld [tilespmem:s4+$0xFFFFFFD0]  }
0x217: {  	[tilespmem:s4+$0xFFFFFF70] =	vst v6;
	v6 =	vmul.f32 v9, v5;
	v9 =	vld [tilespmem:s4+$0xFFFFFFE0]  }
0x218: {  	[tilespmem:s4+$0xFFFFFF80] =	vst v7;
	v7 =	vmul.f32 v13, v5;
	v12 =	vld [tilespmem:s4+$0xFFFFFFF0]  }
0x219: {  	[tilespmem:s4+$0xFFFFFF90] =	vst v6;
	v6 =	vmul.f32 v10, v5;
	v10 =	vld [tilespmem:s4+$0x0]  }
0x21a: {  	[tilespmem:s4+$0xFFFFFFA0] =	vst v7;
	v7 =	vmul.f32 v8, v5;
	v8 =	vld [tilespmem:s4+$0x10]  }
0x21b: {  	[tilespmem:s4+$0xFFFFFFB0] =	vst v6;
	v6 =	vmul.f32 v11, v5;
	v11 =	vld [tilespmem:s4+$0x20]  }
0x21c: {  	[tilespmem:s4+$0xFFFFFFC0] =	vst v7;
	v7 =	vmul.f32 v9, v5;
	v9 =	vld [tilespmem:s4+$0x30]  }
0x21d: {  	[tilespmem:s4+$0xFFFFFFD0] =	vst v6;
	v5 =	vmul.f32 v12, v5;
	v6 =	vld [tilespmem:s4+$0x40]  }
0x21e: {  	[tilespmem:s4+$0xFFFFFFE0] =	vst v7;
	v7 =	vmul.f32 v10, v4;
	v10 =	vld [tilespmem:s4+$0x50]  }
0x21f: {  	[tilespmem:s4+$0xFFFFFFF0] =	vst v5;
	v5 =	vmul.f32 v8, v4;
	v8 =	vld [tilespmem:s4+$0x60]  }
0x220: {  	[tilespmem:s4+$0x0] =	vst v7;
	v7 =	vmul.f32 v11, v4;
	v11 =	vld [tilespmem:s4+$0x70]  }
0x221: {  	[tilespmem:s4+$0x10] =	vst v5;
	v5 =	vmul.f32 v9, v4;
	v9 =	vld [tilespmem:s4+$0x80]  }
0x222: {  	[tilespmem:s4+$0x20] =	vst v7;
	v6 =	vmul.f32 v6, v4;
	v7 =	vld [tilespmem:s4+$0x90]  }
0x223: {  	[tilespmem:s4+$0x30] =	vst v5;
	v5 =	vmul.f32 v10, v4;
	v10 =	vld [tilespmem:s4+$0xA0]  }
0x224: {  	[tilespmem:s4+$0x40] =	vst v6;
	v6 =	vmul.f32 v8, v4;
	v8 =	vld [tilespmem:s4+$0xB0]  }
0x225: {  	[tilespmem:s4+$0x50] =	vst v5;
	v4 =	vmul.f32 v11, v4;
	v5 =	vld [tilespmem:s4+$0xC0]  }
0x226: {  	[tilespmem:s4+$0x60] =	vst v6;
	v6 =	vmul.f32 v9, v3;
	v9 =	vld [tilespmem:s4+$0xD0]  }
0x227: {  	[tilespmem:s4+$0x70] =	vst v4;
	v4 =	vmul.f32 v7, v3;
	v7 =	vld [tilespmem:s4+$0xE0]  }
0x228: {  	[tilespmem:s4+$0x80] =	vst v6;
	v6 =	vmul.f32 v10, v3;
	v10 =	vld [tilespmem:s4+$0xF0]  }
0x229: {  	[tilespmem:s4+$0x90] =	vst v4;
	v4 =	vmul.f32 v8, v3;
	v8 =	vld [tilespmem:s4+$0x100]  }
0x22a: {  	[tilespmem:s4+$0xA0] =	vst v6;
	v5 =	vmul.f32 v5, v3;
	v6 =	vld [tilespmem:s4+$0x110]  }
0x22b: {  	[tilespmem:s4+$0xB0] =	vst v4;
	v4 =	vmul.f32 v9, v3;
	v9 =	vld [tilespmem:s4+$0x120]  }
0x22c: {  	[tilespmem:s4+$0xC0] =	vst v5;
	v5 =	vmul.f32 v7, v3;
	v7 =	vld [tilespmem:s4+$0x130]  }
0x22d: {  	[tilespmem:s4+$0xD0] =	vst v4;
	v4 =	vmul.f32 v10, v3;
	v10 =	vld [tilespmem:s4+$0x140]  }
0x22e: {  	s7 =	sadd.s32 $0x7, s6;
	v3 =	vmov s6;
	[tilespmem:s4+$0xE0] =	vst v5;
	v5 =	vmul.f32 v8, v2;
	v8 =	vld [tilespmem:s4+$0x150]  }
0x22f: {  	s8 =	sadd.s32 $0x1, s6;
	s12 =	sadd.s32 $0x2, s6;
	v11 =	vand.u32 $0xFFFFFFF8, v3;
	v3 =	vmov s7;
	[tilespmem:s4+$0xF0] =	vst v4;
	v4 =	vmul.f32 v6, v2;
	v12 =	vld [tilespmem:s4+$0x160]  }
0x230: {  	v14 =	vmov s12;
	v13 =	vmov s8;
	s8 =	sadd.s32 $0x4, s6;
	s7 =	sadd.s32 $0x3, s6;
	[tilespmem:s4+$0x100] =	vst v5;
	v5 =	vmul.f32 v9, v2;
	v9 =	vld [tilespmem:s4+$0x180]  }
0x231: {  	v16 =	vmov s8;
	v15 =	vmov s7;
	s7 =	sadd.s32 $0x5, s6;
	[tilespmem:s4+$0x110] =	vst v4;
	v7 =	vmul.f32 v7, v2;
	v17 =	vld [tilespmem:s4+$0x190]  }
.Ltmp5:
0x232: {  	v4 =	vbroadcast v11, $0x0;
	v11 =	vmov s7;
	[tilespmem:s4+$0x120] =	vst v5;
	v10 =	vmul.f32 v10, v2;
	v6 =	vld [tilespmem:s4+$0x1A0];
	(pc) =	sbr.rel @p2 .LBB2_9-.Ltmp5, $4  }
0x233: {  	v5 =	vand.u32 $0xFFFFFFF9, v13;
	v13 =	vand.u32 $0xFFFFFFFA, v14;
	[tilespmem:s4+$0x130] =	vst v7;
	v14 =	vmul.f32 v8, v2;
	v7 =	vld [tilespmem:s4+$0x1B0]  }
0x234: {  	v18 =	vand.u32 $0xFFFFFFFB, v15;
	v5 =	vbroadcast v5, $0x0;
	[tilespmem:s4+$0x140] =	vst v10;
	v19 =	vmul.f32 v12, v2;
	v8 =	vld [tilespmem:s4+$0x1C0]  }
0x235: {  	v10 =	vbroadcast v13, $0x0;
	v2 =	vand.u32 $0xFFFFFFFC, v16;
	[tilespmem:s4+$0x150] =	vst v14;
	v15 =	vmul.f32 v9, v1;
	v9 =	vld [tilespmem:s4+$0x1D0]  }
0x236: {  	s7 =	sadd.s32 $0x6, s6;
	s6 =	sadd.s32 $0x8, s6;
	v12 =	vbroadcast v18, $0x0;
	v14 =	vand.u32 $0xFFFFFFFD, v11;
	[tilespmem:s4+$0x160] =	vst v19;
	v13 =	vmul.f32 v17, v1;
	v11 =	vld [tilespmem:s4+$0x1E0]  }
0x237: {  	_ =	sdelay $0x2  }
0x238: {  	v16 =	vld [tilespmem:s4+$0x1F0]  }
0x239: {  	v18 =	vld.idx.msk [tilespmem:v4+s14+$0x0], $0xffff  }
0x23a: {  	v23 =	vld.idx.msk [tilespmem:v5+s14+$0x0], $0xffff  }
0x23b: {  	v22 =	vbroadcast v2, $0x0;
	v2 =	vmov s7;
	v10 =	vld.idx.msk [tilespmem:v10+s14+$0x0], $0xffff  }
0x23c: {  	v17 =	vand.u32 $0xFFFFFFFE, v2;
	v2 =	vld.idx.msk [tilespmem:v3+s14+$0x0], $0xffff  }
0x23d: {  	s6 =	sadd.s32 $0x400, s4;
	v12 =	vld.idx.msk [tilespmem:v12+s14+$0x0], $0xffff  }
0x23e: {  	v24 =	vld [tilespmem:s6+$0x170]  }
0x23f: {  	v26 =	vld [tilespmem:s6+$0xFFFFFE00]  }
0x240: {  	v28 =	vld [tilespmem:s6+$0xFFFFFE10]  }
0x241: {  	[tilespmem:s4+$0x180] =	vst v15;
	v6 =	vmul.f32 v6, v1;
	v30 =	vld [tilespmem:s6+$0xFFFFFE20]  }
0x242: {  	[tilespmem:s4+$0x190] =	vst v13;
	v7 =	vmul.f32 v7, v1;
	v31 =	vld [tilespmem:s6+$0xFFFFFE30]  }
0x243: {  	v32 =	vld [tilespmem:s6+$0xFFFFFE40];
	[tilespmem:s4+$0x1A0] =	vst v6;
	v25 =	vmul.f32 v8, v1  }
0x244: {  	v33 =	vld [tilespmem:s6+$0xFFFFFE50];
	[tilespmem:s4+$0x1B0] =	vst v7;
	v27 =	vmul.f32 v9, v1  }
0x245: {  	v34 =	vld [tilespmem:s6+$0xFFFFFE60];
	[tilespmem:s4+$0x1C0] =	vst v25;
	v29 =	vmul.f32 v11, v1  }
0x246: {  	v35 =	vld [tilespmem:s6+$0xFFFFFE70];
	[tilespmem:s4+$0x1D0] =	vst v27;
	v1 =	vmul.f32 v16, v1  }
0x247: {  	v36 =	vld [tilespmem:s6+$0xFFFFFE80];
	[tilespmem:s4+$0x1E0] =	vst v29;
	v9 =	vmul.f32 v28, v18  }
0x248: {  	v37 =	vld [tilespmem:s6+$0xFFFFFE90];
	[tilespmem:s4+$0x1F0] =	vst v1;
	v1 =	vmul.f32 v26, v18  }
0x249: {  	v39 =	vld [tilespmem:s6+$0xFFFFFEA0];
	v7 =	vmul.f32 v31, v18;
	[tilespmem:s6+$0xFFFFFE10] =	vst v9  }
0x24a: {  	v40 =	vld [tilespmem:s6+$0xFFFFFEB0];
	[tilespmem:s6+$0xFFFFFE00] =	vst v1;
	v1 =	vmul.f32 v30, v18  }
0x24b: {  	v42 =	vld [tilespmem:s6+$0xFFFFFEC0];
	v38 =	vmul.f32 v33, v18;
	[tilespmem:s6+$0xFFFFFE30] =	vst v7  }
0x24c: {  	v43 =	vld [tilespmem:s6+$0xFFFFFED0];
	[tilespmem:s6+$0xFFFFFE20] =	vst v1;
	v1 =	vmul.f32 v32, v18  }
0x24d: {  	v44 =	vld [tilespmem:s6+$0xFFFFFEE0];
	v41 =	vmul.f32 v35, v18;
	[tilespmem:s6+$0xFFFFFE50] =	vst v38  }
0x24e: {  	v45 =	vld [tilespmem:s6+$0xFFFFFEF0];
	[tilespmem:s6+$0xFFFFFE40] =	vst v1;
	v1 =	vmul.f32 v34, v18  }
0x24f: {  	v47 =	vld [tilespmem:s6+$0xFFFFFF00];
	v6 =	vmul.f32 v37, v23;
	[tilespmem:s6+$0xFFFFFE70] =	vst v41  }
0x250: {  	v48 =	vld [tilespmem:s6+$0xFFFFFF10];
	[tilespmem:s6+$0xFFFFFE60] =	vst v1;
	v1 =	vmul.f32 v36, v23  }
0x251: {  	v50 =	vld [tilespmem:s6+$0xFFFFFF20];
	v46 =	vmul.f32 v40, v23;
	[tilespmem:s6+$0xFFFFFE90] =	vst v6  }
0x252: {  	v51 =	vld [tilespmem:s6+$0xFFFFFF30];
	[tilespmem:s6+$0xFFFFFE80] =	vst v1;
	v1 =	vmul.f32 v39, v23  }
0x253: {  	v53 =	vld [tilespmem:s6+$0xFFFFFF40];
	v49 =	vmul.f32 v43, v23;
	[tilespmem:s6+$0xFFFFFEB0] =	vst v46  }
0x254: {  	v54 =	vld [tilespmem:s6+$0xFFFFFF50];
	[tilespmem:s6+$0xFFFFFEA0] =	vst v1;
	v1 =	vmul.f32 v42, v23  }
0x255: {  	v56 =	vld [tilespmem:s6+$0xFFFFFF60];
	v52 =	vmul.f32 v45, v23;
	[tilespmem:s6+$0xFFFFFED0] =	vst v49  }
0x256: {  	v57 =	vld [tilespmem:s6+$0xFFFFFF70];
	[tilespmem:s6+$0xFFFFFEC0] =	vst v1;
	v1 =	vmul.f32 v44, v23  }
0x257: {  	v14 =	vbroadcast v14, $0x0;
	v59 =	vld [tilespmem:s6+$0xFFFFFF80];
	v55 =	vmul.f32 v48, v10;
	[tilespmem:s6+$0xFFFFFEF0] =	vst v52  }
0x258: {  	v60 =	vld [tilespmem:s6+$0xFFFFFF90];
	[tilespmem:s6+$0xFFFFFEE0] =	vst v1;
	v1 =	vmul.f32 v47, v10  }
0x259: {  	v62 =	vld [tilespmem:s6+$0xFFFFFFA0];
	v58 =	vmul.f32 v51, v10;
	[tilespmem:s6+$0xFFFFFF10] =	vst v55  }
0x25a: {  	v63 =	vld [tilespmem:s6+$0xFFFFFFB0];
	v3 =	vbroadcast v17, $0x0;
	[tilespmem:s6+$0xFFFFFF00] =	vst v1;
	v1 =	vmul.f32 v50, v10  }
0x25b: {  	v15 =	vld [tilespmem:s6+$0xFFFFFFC0];
	v61 =	vmul.f32 v54, v10;
	[tilespmem:s6+$0xFFFFFF30] =	vst v58  }
0x25c: {  	v19 =	vld [tilespmem:s6+$0xFFFFFFF0];
	[tilespmem:s6+$0xFFFFFF20] =	vst v1;
	v1 =	vmul.f32 v53, v10  }
0x25d: {  	v4 =	vld.idx.msk [tilespmem:v14+s14+$0x0], $0xffff;
	v14 =	vmul.f32 v57, v10;
	[tilespmem:s6+$0xFFFFFF50] =	vst v61  }
0x25e: {  	v5 =	vld.idx.msk [tilespmem:v22+s14+$0x0], $0xffff;
	[tilespmem:s6+$0xFFFFFF40] =	vst v1;
	v1 =	vmul.f32 v56, v10  }
0x25f: {  	v17 =	vmul.f32 v60, v12;
	v22 =	vld [tilespmem:s6+$0x10];
	[tilespmem:s6+$0xFFFFFF70] =	vst v14  }
0x260: {  	v3 =	vld.idx.msk [tilespmem:v3+s14+$0x0], $0xffff;
	[tilespmem:s6+$0xFFFFFF60] =	vst v1;
	v1 =	vmul.f32 v59, v12  }
0x261: {  	v20 =	vmul.f32 v63, v12;
	[tilespmem:s6+$0xFFFFFF90] =	vst v17;
	v18 =	vld [tilespmem:s6+$0xFFFFFFE0]  }
0x262: {  	v25 =	vld [tilespmem:s6+$0x30];
	[tilespmem:s6+$0xFFFFFF80] =	vst v1;
	v1 =	vmul.f32 v62, v12  }
0x263: {  	v21 =	vld [tilespmem:s6+$0x0];
	v26 =	vmul.f32 v19, v12;
	[tilespmem:s6+$0xFFFFFFB0] =	vst v20  }
0x264: {  	v28 =	vld [tilespmem:s6+$0x50];
	[tilespmem:s6+$0xFFFFFFA0] =	vst v1;
	v1 =	vmul.f32 v15, v12  }
0x265: {  	[tilespmem:s6+$0xFFFFFFF0] =	vst v26;
	v29 =	vmul.f32 v22, v5;
	v13 =	vmul.f32 v24, v3;
	v24 =	vld [tilespmem:s6+$0x20]  }
0x266: {  	v37 =	vld [tilespmem:s6+$0xB0];
	[tilespmem:s6+$0xFFFFFFC0] =	vst v1;
	v1 =	vmul.f32 v18, v12  }
0x267: {  	v27 =	vld [tilespmem:s6+$0x40];
	v32 =	vmul.f32 v25, v5;
	[tilespmem:s6+$0x10] =	vst v29  }
0x268: {  	[tilespmem:s6+$0xFFFFFFE0] =	vst v1;
	v1 =	vmul.f32 v21, v5  }
0x269: {  	v30 =	vld [tilespmem:s6+$0x60];
	v35 =	vmul.f32 v28, v5;
	[tilespmem:s6+$0x30] =	vst v32  }
0x26a: {  	v45 =	vld [tilespmem:s6+$0x110];
	[tilespmem:s6+$0x0] =	vst v1;
	v1 =	vmul.f32 v24, v5  }
0x26b: {  	v33 =	vld [tilespmem:s6+$0x80];
	v43 =	vmul.f32 v37, v4;
	[tilespmem:s6+$0x50] =	vst v35  }
0x26c: {  	v48 =	vld [tilespmem:s6+$0x130];
	[tilespmem:s6+$0x20] =	vst v1;
	v1 =	vmul.f32 v27, v5  }
0x26d: {  	[tilespmem:s6+$0xB0] =	vst v43;
	v36 =	vld [tilespmem:s6+$0xA0]  }
0x26e: {  	v34 =	vld [tilespmem:s6+$0x90];
	[tilespmem:s6+$0x40] =	vst v1;
	v1 =	vmul.f32 v30, v5  }
0x26f: {  	v38 =	vld [tilespmem:s6+$0xC0];
	v51 =	vmul.f32 v45, v3;
	[tilespmem:s6+$0x170] =	vst v13  }
0x270: {  	v16 =	vld [tilespmem:s6+$0xFFFFFFD0];
	[tilespmem:s6+$0x60] =	vst v1;
	v1 =	vmul.f32 v33, v4  }
0x271: {  	v41 =	vld [tilespmem:s6+$0xE0];
	v54 =	vmul.f32 v48, v3;
	[tilespmem:s6+$0x110] =	vst v51  }
0x272: {  	v39 =	vld [tilespmem:s6+$0xD0];
	[tilespmem:s6+$0x80] =	vst v1;
	v1 =	vmul.f32 v36, v4  }
0x273: {  	[tilespmem:s6+$0x130] =	vst v54;
	v40 =	vmul.f32 v34, v4;
	v44 =	vld [tilespmem:s6+$0x100]  }
0x274: {  	v50 =	vld [tilespmem:s6+$0x150];
	[tilespmem:s6+$0xA0] =	vst v1;
	v1 =	vmul.f32 v38, v4  }
0x275: {  	[tilespmem:s6+$0x90] =	vst v40;
	v23 =	vmul.f32 v16, v12;
	v47 =	vld [tilespmem:s6+$0x120]  }
0x276: {  	v53 =	vld [tilespmem:s6+$0x180];
	[tilespmem:s6+$0xC0] =	vst v1;
	v1 =	vmul.f32 v41, v4  }
0x277: {  	v49 =	vld [tilespmem:s6+$0x140];
	v46 =	vmul.f32 v39, v4;
	[tilespmem:s6+$0xFFFFFFD0] =	vst v23  }
0x278: {  	v56 =	vld [tilespmem:s6+$0x1A0];
	[tilespmem:s6+$0xE0] =	vst v1;
	v1 =	vmul.f32 v44, v3  }
0x279: {  	v52 =	vld [tilespmem:s6+$0x160];
	[tilespmem:s6+$0xD0] =	vst v46;
	v57 =	vmul.f32 v50, v3  }
0x27a: {  	v31 =	vld [tilespmem:s6+$0x70];
	[tilespmem:s6+$0x100] =	vst v1;
	v1 =	vmul.f32 v47, v3  }
0x27b: {  	v55 =	vld [tilespmem:s6+$0x190];
	[tilespmem:s6+$0x150] =	vst v57;
	v59 =	vmul.f32 v53, v2  }
0x27c: {  	v42 =	vld [tilespmem:s6+$0xF0];
	[tilespmem:s6+$0x120] =	vst v1;
	v1 =	vmul.f32 v49, v3  }
0x27d: {  	v58 =	vld [tilespmem:s6+$0x1B0];
	[tilespmem:s6+$0x180] =	vst v59;
	v62 =	vmul.f32 v56, v2  }
0x27e: {  	[tilespmem:s6+$0x140] =	vst v1;
	v1 =	vmul.f32 v52, v3;
	v3 =	vld [tilespmem:s6+$0x1C0]  }
0x27f: {  	v60 =	vld [tilespmem:s6+$0x1D0];
	[tilespmem:s6+$0x1A0] =	vst v62;
	v5 =	vmul.f32 v31, v5  }
0x280: {  	v61 =	vld [tilespmem:s6+$0x1E0];
	[tilespmem:s6+$0x160] =	vst v1;
	v1 =	vmul.f32 v55, v2  }
0x281: {  	v63 =	vld [tilespmem:s6+$0x1F0];
	[tilespmem:s6+$0x70] =	vst v5;
	v4 =	vmul.f32 v42, v4  }
0x282: {  	[tilespmem:s6+$0x190] =	vst v1;
	v1 =	vmul.f32 v58, v2  }
0x283: {  	[tilespmem:s6+$0xF0] =	vst v4;
	v3 =	vmul.f32 v3, v2  }
0x284: {  	[tilespmem:s6+$0x1B0] =	vst v1;
	v1 =	vmul.f32 v60, v2  }
0x285: {  	[tilespmem:s6+$0x1C0] =	vst v3;
	v3 =	vmul.f32 v61, v2  }
0x286: {  	[tilespmem:s6+$0x1D0] =	vst v1;
	v1 =	vmul.f32 v63, v2  }
0x287: {  	[tilespmem:s6+$0x1E0] =	vst v3  }
0x288: {  	[tilespmem:s6+$0x1F0] =	vst v1  }
0x289: {  	v1 =	vld [tilespmem:$0x1C200];
	_ =	sdelay $0x2  }
0x28a: {  	v2 =	vld [tilespmem:$0x1C280];
	_ =	sdelay $0x4  }
0x28b: {  	[tilespmem:v1+s29+$0x0] =	vst.idx.add.f32.msk $0xffff, v2  }
0x28c: {  	v1 =	vld [tilespmem:$0x1C210];
	_ =	sdelay $0x2  }
0x28d: {  	v2 =	vld [tilespmem:$0x1C290];
	_ =	sdelay $0x4  }
0x28e: {  	[tilespmem:v1+s29+$0x0] =	vst.idx.add.f32.msk $0xffff, v2  }
0x28f: {  	v1 =	vld [tilespmem:$0x1C220];
	_ =	sdelay $0x2  }
0x290: {  	v2 =	vld [tilespmem:$0x1C2A0];
	_ =	sdelay $0x4  }
0x291: {  	[tilespmem:v1+s29+$0x0] =	vst.idx.add.f32.msk $0xffff, v2  }
0x292: {  	v1 =	vld [tilespmem:$0x1C230];
	_ =	sdelay $0x2  }
0x293: {  	v2 =	vld [tilespmem:$0x1C2B0];
	_ =	sdelay $0x4  }
0x294: {  	[tilespmem:v1+s29+$0x0] =	vst.idx.add.f32.msk $0xffff, v2  }
0x295: {  	v1 =	vld [tilespmem:$0x1C240];
	_ =	sdelay $0x2  }
0x296: {  	v2 =	vld [tilespmem:$0x1C2C0]  }
.Ltmp6:
0x297: {  	_ = 	snop;
	(pc) =	sbr.rel @p1 .LBB2_12-.Ltmp6, $2  }
0x298: {  	_ =	sdelay $0x2  }
0x299: {  	[tilespmem:v1+s29+$0x0] =	vst.idx.add.f32.msk $0xffff, v2  }
0x29a: {  	s4 =	smul.u32 $0xA0, s28;
	_ =	sdelay $0x1  }
0x29b: {  	s4 =	sadd.s32 s4, s26  }
0x29c: {  	s4 =	sshrl.u32 s4, $0x3  }
0x29d: {  	s6 =	sadd.s32 s1, s4  }
0x29e: {  	[tilespmem:s10], [sflag:$0x5] =	stream.linear.gather [hbm4b:s6+s13], $0x50, $0x38;
	[tilespmem:$0x1EB00] =	vst v63  }
.Ltmp7:
0x29f: {  	_ = 	snop;
	(pc) =	sbr.rel .LBB2_6-.Ltmp7, $4  }
0x2a0: {  	s4 =	sadd.s32 s17, s4  }
0x2a1: {  	[tilespmem:s14], [sflag:$0x5] =	stream.linear.gather [hbm4b:s4+s13], $0x50, $0x38;
	[tilespmem:$0x1EB00] =	vst v63  }
0x2a2: {  	s19 =	simm.s32 $0x1C200;
	s28 =	sadd.s32 $0x1, s28  }
0x2a3: {  	[spmem:s2] =	stream.indirect.scatter.add.f32 [tilespmem:s23], [sflag:$0x8], $0x80, s19, s20, $0xb8;
	[tilespmem:$0x1EB00] =	vst v63  }
.LBB2_12:
0x2a4: {  	s3 =	simm.s32 $0x1C200;
	s4 =	simm.s32 $0x8  }
0x2a5: {  	[spmem:s2] =	stream.indirect.scatter.add.f32 [tilespmem:s23], [sflag:$0x8], $0x80, s3, s20, $0xb8;
	[tilespmem:$0x1EB00] =	vst v63  }
0x2a6: {  	_ =	swait.ge [sflag:s4], $0x2800  }
0x2a7: {  	[sflag:s4] =	ssyncset.done $0x0  }
0x2a8: {  	s6 =	rddreg [dreg:$0x6];
	[sflag:s4] =	ssyncadd.s32 $0xFFFFD800  }
0x2a9: {  	[spmem:s6] =	stream.linear.scatter [tilespmem:s29], [sflag:$0x9], $0x2800, $0x38;
	[tilespmem:$0x1EB00] =	vst v63  }
0x2aa: {  	_ =	swait.ge [sflag:s9], $0x2800  }
0x2ab: {  	[sflag:s9] =	ssyncset.done $0x0  }
0x2ac: {  	[sflag:s9] =	ssyncadd.s32 $0xFFFFD800  }
0x2ad: {  	[bflag:$0x0] =	sbarrier.arrive $0xFFFF  }
0x2ae: {  	s4 =	simm.s32 $0x19980;
	s6 =	rddreg [dreg:$0x17]  }
0x2af: {  	[tilespmem:s4], [sflag:$0x9] =	stream.linear.gather [spmem:s6], $0x2800, $0x38;
	[tilespmem:$0x1EB00] =	vst v63  }
0x2b0: {  	_ =	swait.ge [sflag:s9], $0x2800  }
0x2b1: {  	[sflag:s9] =	ssyncset.done $0x0  }
0x2b2: {  	s7 =	rddreg [dreg:$0x7];
	[sflag:s9] =	ssyncadd.s32 $0xFFFFD800  }
0x2b3: {  	[hbm4b:s7+s13] =	stream.linear.scatter [tilespmem:s4], [sflag:$0x9], $0x2800, $0x38;
	[tilespmem:$0x1EB00] =	vst v63  }
0x2b4: {  	_ =	swait.ge [sflag:s9], $0x2800  }
0x2b5: {  	[sflag:s9] =	ssyncset.done $0x0  }
0x2b6: {  	s7 =	rddreg [dreg:$0x18];
	[sflag:s9] =	ssyncadd.s32 $0xFFFFD800  }
0x2b7: {  	[tilespmem:s4], [sflag:$0x9] =	stream.linear.gather [spmem:s7], $0x2800, $0x38;
	[tilespmem:$0x1EB00] =	vst v63  }
0x2b8: {  	_ =	swait.ge [sflag:s9], $0x2800  }
0x2b9: {  	[sflag:s9] =	ssyncset.done $0x0  }
0x2ba: {  	s8 =	rddreg [dreg:$0x8];
	[sflag:s9] =	ssyncadd.s32 $0xFFFFD800  }
0x2bb: {  	[hbm4b:s8+s13] =	stream.linear.scatter [tilespmem:s4], [sflag:$0x9], $0x2800, $0x38;
	[tilespmem:$0x1EB00] =	vst v63  }
0x2bc: {  	_ =	swait.ge [sflag:s9], $0x2800  }
0x2bd: {  	[sflag:s9] =	ssyncset.done $0x0  }
0x2be: {  	s8 =	rddreg [dreg:$0x19];
	[sflag:s9] =	ssyncadd.s32 $0xFFFFD800  }
0x2bf: {  	[tilespmem:s4], [sflag:$0x9] =	stream.linear.gather [spmem:s8], $0x2800, $0x38;
	[tilespmem:$0x1EB00] =	vst v63  }
0x2c0: {  	_ =	swait.ge [sflag:s9], $0x2800  }
0x2c1: {  	[sflag:s9] =	ssyncset.done $0x0  }
0x2c2: {  	s12 =	rddreg [dreg:$0x9];
	[sflag:s9] =	ssyncadd.s32 $0xFFFFD800  }
0x2c3: {  	[hbm4b:s12+s13] =	stream.linear.scatter [tilespmem:s4], [sflag:$0x9], $0x2800, $0x38;
	[tilespmem:$0x1EB00] =	vst v63  }
0x2c4: {  	_ =	swait.ge [sflag:s9], $0x2800  }
0x2c5: {  	[sflag:s9] =	ssyncset.done $0x0  }
0x2c6: {  	s12 =	rddreg [dreg:$0x1a];
	[sflag:s9] =	ssyncadd.s32 $0xFFFFD800  }
0x2c7: {  	[tilespmem:s4], [sflag:$0x9] =	stream.linear.gather [spmem:s12], $0x2800, $0x38;
	[tilespmem:$0x1EB00] =	vst v63  }
0x2c8: {  	_ =	swait.ge [sflag:s9], $0x2800  }
0x2c9: {  	[sflag:s9] =	ssyncset.done $0x0  }
0x2ca: {  	s15 =	rddreg [dreg:$0xa];
	[sflag:s9] =	ssyncadd.s32 $0xFFFFD800  }
0x2cb: {  	[hbm4b:s15+s13] =	stream.linear.scatter [tilespmem:s4], [sflag:$0x9], $0x2800, $0x38;
	[tilespmem:$0x1EB00] =	vst v63  }
0x2cc: {  	_ =	swait.ge [sflag:s9], $0x2800  }
0x2cd: {  	[sflag:s9] =	ssyncset.done $0x0  }
0x2ce: {  	s15 =	rddreg [dreg:$0x1b];
	[sflag:s9] =	ssyncadd.s32 $0xFFFFD800  }
0x2cf: {  	[tilespmem:s4], [sflag:$0x9] =	stream.linear.gather [spmem:s15], $0x2800, $0x38;
	[tilespmem:$0x1EB00] =	vst v63  }
0x2d0: {  	_ =	swait.ge [sflag:s9], $0x2800  }
0x2d1: {  	[sflag:s9] =	ssyncset.done $0x0  }
0x2d2: {  	s19 =	rddreg [dreg:$0xb];
	[sflag:s9] =	ssyncadd.s32 $0xFFFFD800  }
0x2d3: {  	[hbm4b:s19+s13] =	stream.linear.scatter [tilespmem:s4], [sflag:$0x9], $0x2800, $0x38;
	[tilespmem:$0x1EB00] =	vst v63  }
0x2d4: {  	_ =	swait.ge [sflag:s9], $0x2800  }
0x2d5: {  	[sflag:s9] =	ssyncset.done $0x0  }
0x2d6: {  	s19 =	rddreg [dreg:$0x1c];
	[sflag:s9] =	ssyncadd.s32 $0xFFFFD800  }
0x2d7: {  	[tilespmem:s4], [sflag:$0x9] =	stream.linear.gather [spmem:s19], $0x2800, $0x38;
	[tilespmem:$0x1EB00] =	vst v63  }
0x2d8: {  	_ =	swait.ge [sflag:s9], $0x2800  }
0x2d9: {  	[sflag:s9] =	ssyncset.done $0x0  }
0x2da: {  	s3 =	rddreg [dreg:$0xc];
	[sflag:s9] =	ssyncadd.s32 $0xFFFFD800  }
0x2db: {  	[hbm4b:s3+s13] =	stream.linear.scatter [tilespmem:s4], [sflag:$0x9], $0x2800, $0x38;
	[tilespmem:$0x1EB00] =	vst v63  }
0x2dc: {  	_ =	swait.ge [sflag:s9], $0x2800  }
0x2dd: {  	[sflag:s9] =	ssyncset.done $0x0  }
0x2de: {  	s28 =	rddreg [dreg:$0x1d];
	[sflag:s9] =	ssyncadd.s32 $0xFFFFD800  }
0x2df: {  	[tilespmem:s4], [sflag:$0x9] =	stream.linear.gather [spmem:s28], $0x2800, $0x38;
	[tilespmem:$0x1EB00] =	vst v63  }
0x2e0: {  	_ =	swait.ge [sflag:s9], $0x2800  }
0x2e1: {  	[sflag:s9] =	ssyncset.done $0x0  }
0x2e2: {  	s3 =	rddreg [dreg:$0xd];
	[sflag:s9] =	ssyncadd.s32 $0xFFFFD800  }
0x2e3: {  	[hbm4b:s3+s13] =	stream.linear.scatter [tilespmem:s4], [sflag:$0x9], $0x2800, $0x38;
	[tilespmem:$0x1EB00] =	vst v63  }
0x2e4: {  	_ =	swait.ge [sflag:s9], $0x2800  }
0x2e5: {  	[sflag:s9] =	ssyncset.done $0x0  }
0x2e6: {  	s3 =	rddreg [dreg:$0x1e];
	[sflag:s9] =	ssyncadd.s32 $0xFFFFD800  }
0x2e7: {  	[tilespmem:s4], [sflag:$0x9] =	stream.linear.gather [spmem:s3], $0x2800, $0x38;
	[tilespmem:$0x1EB00] =	vst v63  }
0x2e8: {  	_ =	swait.ge [sflag:s9], $0x2800  }
0x2e9: {  	[sflag:s9] =	ssyncset.done $0x0  }
.Ltmp8:
0x2ea: {  	s3 =	rddreg [dreg:$0xe];
	[sflag:s9] =	ssyncadd.s32 $0xFFFFD800;
	(pc) =	sbr.rel @p0 .LBB2_16-.Ltmp8, $4  }
0x2eb: {  	[hbm4b:s3+s13] =	stream.linear.scatter [tilespmem:s4], [sflag:$0x9], $0x2800, $0x38;
	[tilespmem:$0x1EB00] =	vst v63  }
0x2ec: {  	_ =	swait.ge [sflag:s9], $0x2800  }
0x2ed: {  	[sflag:s9] =	ssyncset.done $0x0  }
0x2ee: {  	s4 =	rddreg [dreg:$0x1f];
	[sflag:s9] =	ssyncadd.s32 $0xFFFFD800  }
0x2ef: {  	[tilespmem:$0x19400] =	vst v0  }
0x2f0: {  	[tilespmem:$0x19410] =	vst v0  }
0x2f1: {  	[tilespmem:$0x19420] =	vst v0  }
0x2f2: {  	[tilespmem:$0x19430] =	vst v0  }
0x2f3: {  	[tilespmem:$0x19440] =	vst v0  }
0x2f4: {  	[tilespmem:$0x19450] =	vst v0  }
0x2f5: {  	[tilespmem:$0x19460] =	vst v0  }
0x2f6: {  	[tilespmem:$0x19470] =	vst v0  }
0x2f7: {  	[tilespmem:$0x19480] =	vst v0  }
0x2f8: {  	[tilespmem:$0x19490] =	vst v0  }
0x2f9: {  	[tilespmem:$0x194A0] =	vst v0  }
0x2fa: {  	[tilespmem:$0x194B0] =	vst v0  }
0x2fb: {  	[tilespmem:$0x194C0] =	vst v0  }
0x2fc: {  	[tilespmem:$0x194D0] =	vst v0  }
0x2fd: {  	[tilespmem:$0x194E0] =	vst v0  }
0x2fe: {  	[tilespmem:$0x194F0] =	vst v0  }
0x2ff: {  	[tilespmem:$0x19500] =	vst v0  }
0x300: {  	[tilespmem:$0x19510] =	vst v0  }
0x301: {  	[tilespmem:$0x19520] =	vst v0  }
0x302: {  	[tilespmem:$0x19530] =	vst v0  }
0x303: {  	[tilespmem:$0x19540] =	vst v0  }
0x304: {  	[tilespmem:$0x19550] =	vst v0  }
0x305: {  	[tilespmem:$0x19560] =	vst v0  }
0x306: {  	[tilespmem:$0x19570] =	vst v0  }
0x307: {  	[tilespmem:$0x19580] =	vst v0  }
0x308: {  	[tilespmem:$0x19590] =	vst v0  }
0x309: {  	[tilespmem:$0x195A0] =	vst v0  }
0x30a: {  	[tilespmem:$0x195B0] =	vst v0  }
0x30b: {  	[tilespmem:$0x195C0] =	vst v0  }
0x30c: {  	[tilespmem:$0x195D0] =	vst v0  }
0x30d: {  	[tilespmem:$0x195E0] =	vst v0  }
0x30e: {  	[tilespmem:$0x195F0] =	vst v0  }
0x30f: {  	[tilespmem:$0x19600] =	vst v0  }
0x310: {  	[tilespmem:$0x19610] =	vst v0  }
0x311: {  	[tilespmem:$0x19620] =	vst v0  }
0x312: {  	[tilespmem:$0x19630] =	vst v0  }
0x313: {  	[tilespmem:$0x19640] =	vst v0  }
0x314: {  	[tilespmem:$0x19650] =	vst v0  }
0x315: {  	[tilespmem:$0x19660] =	vst v0  }
0x316: {  	[tilespmem:$0x19670] =	vst v0  }
0x317: {  	[tilespmem:$0x19680] =	vst v0  }
0x318: {  	[tilespmem:$0x19690] =	vst v0  }
0x319: {  	[tilespmem:$0x196A0] =	vst v0  }
0x31a: {  	[tilespmem:$0x196B0] =	vst v0  }
0x31b: {  	[tilespmem:$0x196C0] =	vst v0  }
0x31c: {  	[tilespmem:$0x196D0] =	vst v0  }
0x31d: {  	[tilespmem:$0x196E0] =	vst v0  }
0x31e: {  	[tilespmem:$0x196F0] =	vst v0  }
0x31f: {  	[tilespmem:$0x19700] =	vst v0  }
0x320: {  	[tilespmem:$0x19710] =	vst v0  }
0x321: {  	[tilespmem:$0x19720] =	vst v0  }
0x322: {  	[tilespmem:$0x19730] =	vst v0  }
0x323: {  	[tilespmem:$0x19740] =	vst v0  }
0x324: {  	[tilespmem:$0x19750] =	vst v0  }
0x325: {  	[tilespmem:$0x19760] =	vst v0  }
0x326: {  	[tilespmem:$0x19770] =	vst v0  }
0x327: {  	[tilespmem:$0x19780] =	vst v0  }
0x328: {  	[tilespmem:$0x19790] =	vst v0  }
0x329: {  	[tilespmem:$0x197A0] =	vst v0  }
0x32a: {  	[tilespmem:$0x197B0] =	vst v0  }
0x32b: {  	[tilespmem:$0x197C0] =	vst v0  }
0x32c: {  	[tilespmem:$0x197D0] =	vst v0  }
0x32d: {  	[tilespmem:$0x197E0] =	vst v0  }
0x32e: {  	[tilespmem:$0x197F0] =	vst v0;
	s3 =	sadd.s32 $0x0, s5  }
0x32f: {  	[tilespmem:s31], [sflag:$0x9] =	stream.linear.gather [spmem:s3], $0x400, $0x38;
	[tilespmem:$0x1EB00] =	vst v63  }
0x330: {  	_ =	swait.ge [sflag:s9], $0x400  }
0x331: {  	[sflag:s9] =	ssyncset.done $0x0  }
0x332: {  	[sflag:s9] =	ssyncadd.s32 $0xFFFFFC00  }
0x333: {  	v1 =	vld [tilespmem:$0x192B0]  }
0x334: {  	v3 =	vld [tilespmem:$0x19410]  }
0x335: {  	v4 =	vld [tilespmem:$0x19010]  }
0x336: {  	v5 =	vld [tilespmem:$0x19420]  }
0x337: {  	v6 =	vld [tilespmem:$0x19020]  }
0x338: {  	v7 =	vld [tilespmem:$0x19430]  }
0x339: {  	v8 =	vld [tilespmem:$0x19030]  }
0x33a: {  	v9 =	vld [tilespmem:$0x19440]  }
0x33b: {  	v10 =	vld [tilespmem:$0x19040]  }
0x33c: {  	v11 =	vld [tilespmem:$0x19450]  }
0x33d: {  	v12 =	vld [tilespmem:$0x19050]  }
0x33e: {  	v13 =	vld [tilespmem:$0x19460]  }
0x33f: {  	v14 =	vld [tilespmem:$0x19060]  }
0x340: {  	v15 =	vld [tilespmem:$0x19470]  }
0x341: {  	v16 =	vld [tilespmem:$0x19070]  }
0x342: {  	v17 =	vld [tilespmem:$0x19480]  }
0x343: {  	v18 =	vld [tilespmem:$0x19080]  }
0x344: {  	v19 =	vld [tilespmem:$0x19490]  }
0x345: {  	v20 =	vld [tilespmem:$0x19090]  }
0x346: {  	v21 =	vld [tilespmem:$0x194A0]  }
0x347: {  	v22 =	vld [tilespmem:$0x190A0]  }
0x348: {  	v23 =	vld [tilespmem:$0x194B0]  }
0x349: {  	v24 =	vld [tilespmem:$0x190B0]  }
0x34a: {  	v25 =	vld [tilespmem:$0x194C0]  }
0x34b: {  	v26 =	vld [tilespmem:$0x190C0]  }
0x34c: {  	v27 =	vld [tilespmem:$0x194D0]  }
0x34d: {  	v28 =	vld [tilespmem:$0x190D0]  }
0x34e: {  	v29 =	vld [tilespmem:$0x194E0]  }
0x34f: {  	v30 =	vld [tilespmem:$0x190E0]  }
0x350: {  	v31 =	vld [tilespmem:$0x194F0]  }
0x351: {  	v32 =	vld [tilespmem:$0x190F0]  }
0x352: {  	v33 =	vld [tilespmem:$0x19500]  }
0x353: {  	v34 =	vld [tilespmem:$0x19100]  }
0x354: {  	v35 =	vld [tilespmem:$0x19510]  }
0x355: {  	v36 =	vld [tilespmem:$0x19110]  }
0x356: {  	v37 =	vld [tilespmem:$0x19520]  }
0x357: {  	v38 =	vld [tilespmem:$0x19120]  }
0x358: {  	v39 =	vld [tilespmem:$0x19530]  }
0x359: {  	v40 =	vld [tilespmem:$0x19130]  }
0x35a: {  	v41 =	vld [tilespmem:$0x19540]  }
0x35b: {  	v42 =	vld [tilespmem:$0x19140]  }
0x35c: {  	v43 =	vld [tilespmem:$0x19550]  }
0x35d: {  	v44 =	vld [tilespmem:$0x19150]  }
0x35e: {  	v45 =	vld [tilespmem:$0x19560]  }
0x35f: {  	v46 =	vld [tilespmem:$0x19160]  }
0x360: {  	v47 =	vld [tilespmem:$0x19570]  }
0x361: {  	v48 =	vld [tilespmem:$0x19170]  }
0x362: {  	v49 =	vld [tilespmem:$0x19580]  }
0x363: {  	v50 =	vld [tilespmem:$0x19180]  }
0x364: {  	v51 =	vld [tilespmem:$0x19590]  }
0x365: {  	v52 =	vld [tilespmem:$0x19190]  }
0x366: {  	v53 =	vld [tilespmem:$0x195A0]  }
0x367: {  	v54 =	vld [tilespmem:$0x191A0]  }
0x368: {  	v55 =	vld [tilespmem:$0x195B0]  }
0x369: {  	v56 =	vld [tilespmem:$0x191B0]  }
0x36a: {  	v57 =	vld [tilespmem:$0x195C0]  }
0x36b: {  	v58 =	vld [tilespmem:$0x191C0]  }
0x36c: {  	v59 =	vld [tilespmem:$0x195D0]  }
0x36d: {  	v60 =	vld [tilespmem:$0x191D0]  }
0x36e: {  	v2 =	vld [tilespmem:$0x19600]  }
0x36f: {  	v61 =	vld [tilespmem:$0x195E0]  }
0x370: {  	v62 =	vld [tilespmem:$0x191E0]  }
0x371: {  	v63 =	vld [tilespmem:$0x195F0]  }
0x372: {  	[tilespmem:$0x1FFE0] =	vst v1;
	v1 =	vld [tilespmem:$0x19000]  }
0x373: {  	[tilespmem:$0x1FFA0] =	vst v2;
	v2 =	vld [tilespmem:$0x19200]  }
0x374: {  	v3 =	vadd.f32 v4, v3;
	v4 =	vld [tilespmem:$0x19620]  }
0x375: {  	v5 =	vadd.f32 v6, v5;
	v6 =	vld [tilespmem:$0x19220]  }
0x376: {  	v14 =	vadd.f32 v14, v13;
	v13 =	vld [tilespmem:$0x19660]  }
0x377: {  	v18 =	vadd.f32 v18, v17;
	v17 =	vld [tilespmem:$0x19680]  }
0x378: {  	v22 =	vadd.f32 v22, v21;
	v21 =	vld [tilespmem:$0x196A0];
	[tilespmem:$0x19410] =	vst v3  }
0x379: {  	v26 =	vadd.f32 v26, v25;
	v25 =	vld [tilespmem:$0x196C0];
	[tilespmem:$0x19420] =	vst v5  }
0x37a: {  	v49 =	vadd.f32 v50, v49;
	v50 =	vld [tilespmem:$0x192D0];
	v3 =	vadd.f32 v8, v7;
	[tilespmem:$0x19460] =	vst v14  }
0x37b: {  	v38 =	vadd.f32 v38, v37;
	v37 =	vld [tilespmem:$0x19730];
	[tilespmem:$0x19480] =	vst v18  }
0x37c: {  	v42 =	vadd.f32 v42, v41;
	v41 =	vld [tilespmem:$0x19750];
	[tilespmem:$0x19430] =	vst v3;
	v3 =	vadd.f32 v12, v11  }
0x37d: {  	v46 =	vadd.f32 v46, v45;
	v45 =	vld [tilespmem:$0x19770];
	[tilespmem:$0x194A0] =	vst v22  }
0x37e: {  	v7 =	vld [tilespmem:$0x19630];
	[tilespmem:$0x19450] =	vst v3;
	v3 =	vadd.f32 v16, v15  }
0x37f: {  	v8 =	vld [tilespmem:$0x19230];
	[tilespmem:$0x194C0] =	vst v26  }
0x380: {  	v5 =	vadd.f32 v10, v9;
	v9 =	vld [tilespmem:$0x19640];
	[tilespmem:$0x19470] =	vst v3;
	v3 =	vadd.f32 v20, v19  }
0x381: {  	v10 =	vld [tilespmem:$0x19240];
	[tilespmem:$0x19520] =	vst v38  }
0x382: {  	v14 =	vld [tilespmem:$0x19260];
	[tilespmem:$0x19490] =	vst v3;
	v3 =	vadd.f32 v24, v23  }
0x383: {  	v18 =	vld [tilespmem:$0x19280];
	[tilespmem:$0x19540] =	vst v42  }
0x384: {  	v22 =	vld [tilespmem:$0x192A0];
	[tilespmem:$0x194B0] =	vst v3;
	v3 =	vadd.f32 v28, v27  }
0x385: {  	v26 =	vld [tilespmem:$0x192C0];
	[tilespmem:$0x1FFB0] =	vst v2  }
0x386: {  	v2 =	vld [tilespmem:$0x19610];
	[tilespmem:$0x194D0] =	vst v3;
	v3 =	vadd.f32 v32, v31  }
0x387: {  	v38 =	vld [tilespmem:$0x19330];
	[tilespmem:$0x1FFF0] =	vst v1  }
0x388: {  	v1 =	vld [tilespmem:$0x191F0];
	[tilespmem:$0x194F0] =	vst v3;
	v3 =	vadd.f32 v36, v35  }
0x389: {  	[tilespmem:$0x19580] =	vst v49;
	v42 =	vld [tilespmem:$0x19350]  }
0x38a: {  	v49 =	vld [tilespmem:$0x19380];
	[tilespmem:$0x19510] =	vst v3;
	v3 =	vadd.f32 v40, v39  }
0x38b: {  	v11 =	vld [tilespmem:$0x19650];
	[tilespmem:$0x1FFC0] =	vst v2  }
0x38c: {  	v2 =	vld [tilespmem:$0x19210];
	[tilespmem:$0x19530] =	vst v3;
	v3 =	vadd.f32 v44, v43  }
0x38d: {  	[tilespmem:$0x19560] =	vst v46;
	v12 =	vld [tilespmem:$0x19250];
	v1 =	vadd.f32 v1, v63  }
0x38e: {  	v15 =	vld [tilespmem:$0x19670];
	[tilespmem:$0x19550] =	vst v3;
	v3 =	vadd.f32 v48, v47  }
0x38f: {  	v16 =	vld [tilespmem:$0x19270];
	[tilespmem:$0x195F0] =	vst v1  }
0x390: {  	v46 =	vld [tilespmem:$0x1FFF0];
	[tilespmem:$0x19570] =	vst v3;
	v3 =	vadd.f32 v52, v51  }
0x391: {  	v19 =	vld [tilespmem:$0x19690];
	[tilespmem:$0x1FFD0] =	vst v2  }
0x392: {  	v1 =	vld [tilespmem:$0x1FFC0];
	[tilespmem:$0x19590] =	vst v3;
	v3 =	vadd.f32 v56, v55  }
0x393: {  	v55 =	vadd.f32 v58, v57;
	v58 =	vadd.f32 v62, v61;
	v62 =	vld [tilespmem:$0x1FFD0]  }
0x394: {  	v30 =	vadd.f32 v30, v29;
	v20 =	vld [tilespmem:$0x19290]  }
0x395: {  	v34 =	vadd.f32 v34, v33;
	v23 =	vld [tilespmem:$0x196B0]  }
0x396: {  	[tilespmem:$0x194E0] =	vst v30;
	v24 =	vld [tilespmem:$0x19400]  }
0x397: {  	[tilespmem:$0x19500] =	vst v34;
	v63 =	vld [tilespmem:$0x19720];
	v52 =	vadd.f32 v54, v53  }
0x398: {  	[tilespmem:$0x19440] =	vst v5;
	v2 =	vld [tilespmem:$0x1FFA0];
	v1 =	vadd.f32 v62, v1  }
0x399: {  	v36 =	vld [tilespmem:$0x19320];
	[tilespmem:$0x195A0] =	vst v52  }
0x39a: {  	v39 =	vld [tilespmem:$0x19740];
	[tilespmem:$0x19610] =	vst v1;
	v1 =	vadd.f32 v8, v7  }
0x39b: {  	v40 =	vld [tilespmem:$0x19340];
	[tilespmem:$0x195B0] =	vst v3  }
0x39c: {  	v3 =	vadd.f32 v60, v59;
	v60 =	vld [tilespmem:$0x1FFB0];
	[tilespmem:$0x19630] =	vst v1;
	v1 =	vadd.f32 v12, v11  }
0x39d: {  	v48 =	vld [tilespmem:$0x196D0];
	[tilespmem:$0x195C0] =	vst v55  }
0x39e: {  	v61 =	vld [tilespmem:$0x19310];
	[tilespmem:$0x19650] =	vst v1;
	v1 =	vadd.f32 v16, v15  }
0x39f: {  	[tilespmem:$0x195D0] =	vst v3;
	v3 =	vld [tilespmem:$0x19710]  }
0x3a0: {  	v43 =	vld [tilespmem:$0x19760];
	[tilespmem:$0x19670] =	vst v1;
	v1 =	vadd.f32 v20, v19  }
0x3a1: {  	v44 =	vld [tilespmem:$0x19360];
	[tilespmem:$0x195E0] =	vst v58;
	v2 =	vadd.f32 v60, v2  }
0x3a2: {  	v48 =	vadd.f32 v50, v48;
	[tilespmem:$0x19690] =	vst v1;
	v1 =	vld [tilespmem:$0x1FFE0]  }
0x3a3: {  	v47 =	vld [tilespmem:$0x19780];
	[tilespmem:$0x19600] =	vst v2;
	v2 =	vadd.f32 v6, v4  }
0x3a4: {  	v51 =	vld [tilespmem:$0x196E0];
	[tilespmem:$0x196D0] =	vst v48;
	v3 =	vadd.f32 v61, v3  }
0x3a5: {  	v53 =	vld [tilespmem:$0x192E0];
	[tilespmem:$0x19620] =	vst v2;
	v2 =	vadd.f32 v10, v9  }
0x3a6: {  	v54 =	vld [tilespmem:$0x196F0];
	[tilespmem:$0x19710] =	vst v3;
	v3 =	vadd.f32 v38, v37  }
0x3a7: {  	v57 =	vld [tilespmem:$0x19700];
	[tilespmem:$0x19640] =	vst v2;
	v1 =	vadd.f32 v1, v23  }
0x3a8: {  	v59 =	vld [tilespmem:$0x19300];
	v2 =	vadd.f32 v14, v13;
	[tilespmem:$0x19730] =	vst v3  }
0x3a9: {  	v56 =	vld [tilespmem:$0x192F0];
	[tilespmem:$0x196B0] =	vst v1;
	v1 =	vadd.f32 v26, v25  }
0x3aa: {  	v52 =	vld [tilespmem:$0x19390];
	[tilespmem:$0x19660] =	vst v2;
	v2 =	vadd.f32 v18, v17  }
0x3ab: {  	v50 =	vld [tilespmem:$0x19790];
	[tilespmem:$0x196C0] =	vst v1;
	v1 =	vadd.f32 v53, v51  }
0x3ac: {  	v55 =	vld [tilespmem:$0x197B0];
	[tilespmem:$0x19680] =	vst v2;
	v2 =	vadd.f32 v22, v21  }
0x3ad: {  	v58 =	vld [tilespmem:$0x193C0];
	[tilespmem:$0x196E0] =	vst v1;
	v1 =	vadd.f32 v59, v57  }
0x3ae: {  	v60 =	vld [tilespmem:$0x197E0];
	v3 =	vadd.f32 v42, v41;
	[tilespmem:$0x196A0] =	vst v2  }
0x3af: {  	v2 =	vld [tilespmem:$0x19370];
	[tilespmem:$0x19700] =	vst v1;
	v1 =	vadd.f32 v36, v63  }
0x3b0: {  	v15 =	vadd.f32 v46, v24;
	[tilespmem:$0x19750] =	vst v3;
	v3 =	vld [tilespmem:$0x193D0]  }
0x3b1: {  	v53 =	vld [tilespmem:$0x197A0];
	[tilespmem:$0x19720] =	vst v1;
	v1 =	vadd.f32 v40, v39  }
0x3b2: {  	[tilespmem:$0x19400] =	vst v15;
	v51 =	vadd.f32 v56, v54;
	v54 =	vld [tilespmem:$0x193A0]  }
0x3b3: {  	v56 =	vld [tilespmem:$0x193B0];
	[tilespmem:$0x19740] =	vst v1;
	v1 =	vadd.f32 v44, v43  }
0x3b4: {  	v2 =	vadd.f32 v2, v45;
	[tilespmem:$0x196F0] =	vst v51;
	v57 =	vld [tilespmem:$0x197C0]  }
0x3b5: {  	v59 =	vld [tilespmem:$0x197D0];
	[tilespmem:$0x19760] =	vst v1;
	v1 =	vadd.f32 v49, v47  }
0x3b6: {  	v61 =	vld [tilespmem:$0x193E0];
	[tilespmem:$0x19770] =	vst v2;
	v2 =	vadd.f32 v52, v50  }
0x3b7: {  	v62 =	vld [tilespmem:$0x197F0];
	[tilespmem:$0x19780] =	vst v1;
	v1 =	vadd.f32 v54, v53  }
0x3b8: {  	[tilespmem:$0x19790] =	vst v2;
	v63 =	vld [tilespmem:$0x193F0];
	v2 =	vadd.f32 v56, v55  }
0x3b9: {  	[tilespmem:$0x197A0] =	vst v1;
	v1 =	vadd.f32 v58, v57  }
0x3ba: {  	[tilespmem:$0x197B0] =	vst v2;
	v2 =	vadd.f32 v3, v59  }
0x3bb: {  	[tilespmem:$0x197C0] =	vst v1;
	v1 =	vadd.f32 v61, v60  }
0x3bc: {  	[tilespmem:$0x197D0] =	vst v2  }
0x3bd: {  	s3 =	simm.s32 $0xA000;
	[tilespmem:$0x197E0] =	vst v1;
	v1 =	vadd.f32 v63, v62  }
.LBB2_14:
0x3be: {  	_ = 	snop  }
0x3bf: {  	s4 =	sshra.s32 s3, $0x2;
	p1 =	sne.s32 s3, $0x96000;
	s3 =	sadd.s32 $0xA000, s3;
	[tilespmem:$0x197F0] =	vst v1  }
0x3c0: {  	s4 =	sadd.s32 s4, s5  }
0x3c1: {  	[tilespmem:s31], [sflag:$0x9] =	stream.linear.gather [spmem:s4], $0x400, $0x38;
	[tilespmem:$0x1EB00] =	vst v63  }
0x3c2: {  	_ =	swait.ge [sflag:s9], $0x400  }
0x3c3: {  	[sflag:s9] =	ssyncset.done $0x0  }
0x3c4: {  	[sflag:s9] =	ssyncadd.s32 $0xFFFFFC00  }
0x3c5: {  	v2 =	vld [tilespmem:$0x192B0]  }
0x3c6: {  	v1 =	vld [tilespmem:$0x19000]  }
0x3c7: {  	v3 =	vld [tilespmem:$0x19410]  }
0x3c8: {  	v4 =	vld [tilespmem:$0x19010]  }
0x3c9: {  	v5 =	vld [tilespmem:$0x19420]  }
0x3ca: {  	v6 =	vld [tilespmem:$0x19020]  }
0x3cb: {  	v7 =	vld [tilespmem:$0x19430]  }
0x3cc: {  	v8 =	vld [tilespmem:$0x19030]  }
0x3cd: {  	v3 =	vadd.f32 v4, v3;
	v4 =	vld [tilespmem:$0x19440]  }
0x3ce: {  	v9 =	vld [tilespmem:$0x19040]  }
0x3cf: {  	[tilespmem:$0x19410] =	vst v3;
	v3 =	vadd.f32 v6, v5;
	v5 =	vld [tilespmem:$0x19450]  }
0x3d0: {  	v6 =	vld [tilespmem:$0x19050]  }
0x3d1: {  	[tilespmem:$0x19420] =	vst v3;
	v3 =	vadd.f32 v8, v7;
	v7 =	vld [tilespmem:$0x19460]  }
0x3d2: {  	v8 =	vld [tilespmem:$0x19060]  }
0x3d3: {  	[tilespmem:$0x19430] =	vst v3;
	v3 =	vadd.f32 v9, v4;
	v4 =	vld [tilespmem:$0x19470]  }
0x3d4: {  	v9 =	vld [tilespmem:$0x19070]  }
0x3d5: {  	[tilespmem:$0x19440] =	vst v3;
	v3 =	vadd.f32 v6, v5;
	v5 =	vld [tilespmem:$0x19480]  }
0x3d6: {  	v6 =	vld [tilespmem:$0x19080]  }
0x3d7: {  	[tilespmem:$0x19450] =	vst v3;
	v3 =	vadd.f32 v8, v7;
	v7 =	vld [tilespmem:$0x19490]  }
0x3d8: {  	v8 =	vld [tilespmem:$0x19090]  }
0x3d9: {  	[tilespmem:$0x19460] =	vst v3;
	v3 =	vadd.f32 v9, v4;
	v4 =	vld [tilespmem:$0x194A0]  }
0x3da: {  	v9 =	vld [tilespmem:$0x190A0]  }
0x3db: {  	[tilespmem:$0x19470] =	vst v3;
	v3 =	vadd.f32 v6, v5;
	v5 =	vld [tilespmem:$0x194B0]  }
0x3dc: {  	v6 =	vld [tilespmem:$0x190B0]  }
0x3dd: {  	[tilespmem:$0x19480] =	vst v3;
	v3 =	vadd.f32 v8, v7;
	v7 =	vld [tilespmem:$0x194C0]  }
0x3de: {  	v8 =	vld [tilespmem:$0x190C0]  }
0x3df: {  	[tilespmem:$0x19490] =	vst v3;
	v3 =	vadd.f32 v9, v4;
	v4 =	vld [tilespmem:$0x194D0]  }
0x3e0: {  	v9 =	vld [tilespmem:$0x190D0]  }
0x3e1: {  	[tilespmem:$0x194A0] =	vst v3;
	v3 =	vadd.f32 v6, v5;
	v5 =	vld [tilespmem:$0x194E0]  }
0x3e2: {  	v6 =	vld [tilespmem:$0x190E0]  }
0x3e3: {  	[tilespmem:$0x194B0] =	vst v3;
	v3 =	vadd.f32 v8, v7;
	v7 =	vld [tilespmem:$0x194F0]  }
0x3e4: {  	v8 =	vld [tilespmem:$0x190F0]  }
0x3e5: {  	[tilespmem:$0x194C0] =	vst v3;
	v3 =	vadd.f32 v9, v4;
	v4 =	vld [tilespmem:$0x19500]  }
0x3e6: {  	v9 =	vld [tilespmem:$0x19100]  }
0x3e7: {  	[tilespmem:$0x194D0] =	vst v3;
	v3 =	vadd.f32 v6, v5;
	v5 =	vld [tilespmem:$0x19510]  }
0x3e8: {  	v6 =	vld [tilespmem:$0x19110]  }
0x3e9: {  	[tilespmem:$0x194E0] =	vst v3;
	v3 =	vadd.f32 v8, v7;
	v7 =	vld [tilespmem:$0x19520]  }
0x3ea: {  	v8 =	vld [tilespmem:$0x19120]  }
0x3eb: {  	[tilespmem:$0x194F0] =	vst v3;
	v3 =	vadd.f32 v9, v4;
	v4 =	vld [tilespmem:$0x19530]  }
0x3ec: {  	v9 =	vld [tilespmem:$0x19130]  }
0x3ed: {  	[tilespmem:$0x19500] =	vst v3;
	v3 =	vadd.f32 v6, v5;
	v5 =	vld [tilespmem:$0x19540]  }
0x3ee: {  	v6 =	vld [tilespmem:$0x19140]  }
0x3ef: {  	[tilespmem:$0x19510] =	vst v3;
	v3 =	vadd.f32 v8, v7;
	v7 =	vld [tilespmem:$0x19550]  }
0x3f0: {  	v8 =	vld [tilespmem:$0x19150]  }
0x3f1: {  	[tilespmem:$0x19520] =	vst v3;
	v3 =	vadd.f32 v9, v4;
	v4 =	vld [tilespmem:$0x19560]  }
0x3f2: {  	v9 =	vld [tilespmem:$0x19160]  }
0x3f3: {  	[tilespmem:$0x19530] =	vst v3;
	v3 =	vadd.f32 v6, v5;
	v5 =	vld [tilespmem:$0x19570]  }
0x3f4: {  	v6 =	vld [tilespmem:$0x19170]  }
0x3f5: {  	[tilespmem:$0x19540] =	vst v3;
	v3 =	vadd.f32 v8, v7;
	v7 =	vld [tilespmem:$0x19580]  }
0x3f6: {  	v8 =	vld [tilespmem:$0x19180]  }
0x3f7: {  	[tilespmem:$0x19550] =	vst v3;
	v3 =	vadd.f32 v9, v4;
	v4 =	vld [tilespmem:$0x19590]  }
0x3f8: {  	v9 =	vld [tilespmem:$0x19190]  }
0x3f9: {  	[tilespmem:$0x19560] =	vst v3;
	v3 =	vadd.f32 v6, v5;
	v5 =	vld [tilespmem:$0x195A0]  }
0x3fa: {  	v6 =	vld [tilespmem:$0x191A0]  }
0x3fb: {  	[tilespmem:$0x19570] =	vst v3;
	v3 =	vadd.f32 v8, v7;
	v7 =	vld [tilespmem:$0x195B0]  }
0x3fc: {  	v8 =	vld [tilespmem:$0x191B0]  }
0x3fd: {  	[tilespmem:$0x19580] =	vst v3;
	v3 =	vadd.f32 v9, v4;
	v4 =	vld [tilespmem:$0x195C0]  }
0x3fe: {  	v9 =	vld [tilespmem:$0x191C0]  }
0x3ff: {  	[tilespmem:$0x19590] =	vst v3;
	v3 =	vadd.f32 v6, v5;
	v5 =	vld [tilespmem:$0x195D0]  }
0x400: {  	v6 =	vld [tilespmem:$0x191D0]  }
0x401: {  	[tilespmem:$0x195A0] =	vst v3;
	v3 =	vadd.f32 v8, v7;
	v7 =	vld [tilespmem:$0x195E0]  }
0x402: {  	v8 =	vld [tilespmem:$0x191E0]  }
0x403: {  	[tilespmem:$0x195B0] =	vst v3;
	v3 =	vadd.f32 v9, v4;
	v4 =	vld [tilespmem:$0x195F0]  }
0x404: {  	v9 =	vld [tilespmem:$0x191F0]  }
0x405: {  	[tilespmem:$0x195C0] =	vst v3;
	v3 =	vadd.f32 v6, v5;
	v5 =	vld [tilespmem:$0x19600]  }
0x406: {  	v6 =	vld [tilespmem:$0x19200]  }
0x407: {  	[tilespmem:$0x195D0] =	vst v3;
	v3 =	vadd.f32 v8, v7;
	v7 =	vld [tilespmem:$0x19610]  }
0x408: {  	v8 =	vld [tilespmem:$0x19210]  }
0x409: {  	[tilespmem:$0x195E0] =	vst v3;
	v3 =	vadd.f32 v9, v4;
	v4 =	vld [tilespmem:$0x19620]  }
0x40a: {  	v9 =	vld [tilespmem:$0x19220]  }
0x40b: {  	[tilespmem:$0x195F0] =	vst v3;
	v3 =	vadd.f32 v6, v5;
	v5 =	vld [tilespmem:$0x19630]  }
0x40c: {  	v6 =	vld [tilespmem:$0x19230]  }
0x40d: {  	[tilespmem:$0x19600] =	vst v3;
	v3 =	vadd.f32 v8, v7;
	v7 =	vld [tilespmem:$0x19640]  }
0x40e: {  	v8 =	vld [tilespmem:$0x19240]  }
0x40f: {  	[tilespmem:$0x19610] =	vst v3;
	v3 =	vadd.f32 v9, v4;
	v4 =	vld [tilespmem:$0x19650]  }
0x410: {  	v9 =	vld [tilespmem:$0x19250]  }
0x411: {  	[tilespmem:$0x19620] =	vst v3;
	v3 =	vadd.f32 v6, v5;
	v5 =	vld [tilespmem:$0x19660]  }
0x412: {  	v6 =	vld [tilespmem:$0x19260]  }
0x413: {  	[tilespmem:$0x19630] =	vst v3;
	v3 =	vadd.f32 v8, v7;
	v7 =	vld [tilespmem:$0x19670]  }
0x414: {  	v8 =	vld [tilespmem:$0x19270]  }
0x415: {  	[tilespmem:$0x19640] =	vst v3;
	v3 =	vadd.f32 v9, v4;
	v4 =	vld [tilespmem:$0x19680]  }
0x416: {  	v9 =	vld [tilespmem:$0x19280]  }
0x417: {  	[tilespmem:$0x19650] =	vst v3;
	v3 =	vadd.f32 v6, v5;
	v5 =	vld [tilespmem:$0x19690]  }
0x418: {  	v6 =	vld [tilespmem:$0x19290]  }
0x419: {  	[tilespmem:$0x19660] =	vst v3;
	v3 =	vadd.f32 v8, v7;
	v7 =	vld [tilespmem:$0x196A0]  }
0x41a: {  	v8 =	vld [tilespmem:$0x192A0]  }
0x41b: {  	[tilespmem:$0x19670] =	vst v3;
	v3 =	vadd.f32 v9, v4;
	v4 =	vld [tilespmem:$0x196B0]  }
0x41c: {  	v9 =	vld [tilespmem:$0x19400]  }
0x41d: {  	[tilespmem:$0x19680] =	vst v3;
	v3 =	vadd.f32 v6, v5;
	v5 =	vld [tilespmem:$0x196C0]  }
0x41e: {  	v6 =	vld [tilespmem:$0x192C0]  }
0x41f: {  	[tilespmem:$0x19690] =	vst v3;
	v3 =	vadd.f32 v8, v7;
	v7 =	vld [tilespmem:$0x196D0]  }
0x420: {  	v2 =	vadd.f32 v2, v4;
	v4 =	vld [tilespmem:$0x192D0]  }
0x421: {  	v1 =	vadd.f32 v1, v9;
	[tilespmem:$0x196A0] =	vst v3;
	v3 =	vld [tilespmem:$0x196E0]  }
0x422: {  	[tilespmem:$0x196B0] =	vst v2;
	v2 =	vld [tilespmem:$0x192E0]  }
0x423: {  	[tilespmem:$0x19400] =	vst v1;
	v1 =	vadd.f32 v6, v5;
	v5 =	vld [tilespmem:$0x196F0]  }
0x424: {  	v6 =	vld [tilespmem:$0x192F0]  }
0x425: {  	[tilespmem:$0x196C0] =	vst v1;
	v1 =	vadd.f32 v4, v7;
	v4 =	vld [tilespmem:$0x19700]  }
0x426: {  	v7 =	vld [tilespmem:$0x19300]  }
0x427: {  	[tilespmem:$0x196D0] =	vst v1;
	v1 =	vadd.f32 v2, v3;
	v2 =	vld [tilespmem:$0x19710]  }
0x428: {  	v3 =	vld [tilespmem:$0x19310]  }
0x429: {  	[tilespmem:$0x196E0] =	vst v1;
	v1 =	vadd.f32 v6, v5;
	v5 =	vld [tilespmem:$0x19720]  }
0x42a: {  	v6 =	vld [tilespmem:$0x19320]  }
0x42b: {  	[tilespmem:$0x196F0] =	vst v1;
	v1 =	vadd.f32 v7, v4;
	v4 =	vld [tilespmem:$0x19730]  }
0x42c: {  	v7 =	vld [tilespmem:$0x19330]  }
0x42d: {  	[tilespmem:$0x19700] =	vst v1;
	v1 =	vadd.f32 v3, v2;
	v2 =	vld [tilespmem:$0x19740]  }
0x42e: {  	v3 =	vld [tilespmem:$0x19340]  }
0x42f: {  	[tilespmem:$0x19710] =	vst v1;
	v1 =	vadd.f32 v6, v5;
	v5 =	vld [tilespmem:$0x19750]  }
0x430: {  	v6 =	vld [tilespmem:$0x19350]  }
0x431: {  	[tilespmem:$0x19720] =	vst v1;
	v1 =	vadd.f32 v7, v4;
	v4 =	vld [tilespmem:$0x19760]  }
0x432: {  	v7 =	vld [tilespmem:$0x19360]  }
0x433: {  	[tilespmem:$0x19730] =	vst v1;
	v1 =	vadd.f32 v3, v2;
	v2 =	vld [tilespmem:$0x19770]  }
0x434: {  	v3 =	vld [tilespmem:$0x19370]  }
0x435: {  	[tilespmem:$0x19740] =	vst v1;
	v1 =	vadd.f32 v6, v5;
	v5 =	vld [tilespmem:$0x19780]  }
0x436: {  	v6 =	vld [tilespmem:$0x19380]  }
0x437: {  	[tilespmem:$0x19750] =	vst v1;
	v1 =	vadd.f32 v7, v4;
	v4 =	vld [tilespmem:$0x19790]  }
0x438: {  	v7 =	vld [tilespmem:$0x19390]  }
0x439: {  	[tilespmem:$0x19760] =	vst v1;
	v1 =	vadd.f32 v3, v2;
	v2 =	vld [tilespmem:$0x197A0]  }
0x43a: {  	v3 =	vld [tilespmem:$0x193A0]  }
0x43b: {  	[tilespmem:$0x19770] =	vst v1;
	v1 =	vadd.f32 v6, v5;
	v5 =	vld [tilespmem:$0x197B0]  }
0x43c: {  	v6 =	vld [tilespmem:$0x193B0]  }
0x43d: {  	[tilespmem:$0x19780] =	vst v1;
	v1 =	vadd.f32 v7, v4;
	v4 =	vld [tilespmem:$0x197C0]  }
0x43e: {  	v7 =	vld [tilespmem:$0x193C0]  }
0x43f: {  	[tilespmem:$0x19790] =	vst v1;
	v1 =	vadd.f32 v3, v2;
	v2 =	vld [tilespmem:$0x197D0]  }
0x440: {  	v3 =	vld [tilespmem:$0x193D0]  }
0x441: {  	[tilespmem:$0x197A0] =	vst v1;
	v1 =	vadd.f32 v6, v5;
	v5 =	vld [tilespmem:$0x197E0]  }
0x442: {  	v6 =	vld [tilespmem:$0x193E0]  }
0x443: {  	[tilespmem:$0x197B0] =	vst v1;
	v1 =	vadd.f32 v7, v4;
	v4 =	vld [tilespmem:$0x197F0]  }
0x444: {  	v7 =	vld [tilespmem:$0x193F0]  }
.Ltmp9:
0x445: {  	[tilespmem:$0x197C0] =	vst v1;
	v1 =	vadd.f32 v3, v2;
	(pc) =	sbr.rel @p1 .LBB2_14-.Ltmp9, $3  }
0x446: {  	_ = 	snop  }
0x447: {  	[tilespmem:$0x197D0] =	vst v1;
	v1 =	vadd.f32 v6, v5;
	_ =	sdelay $0x1  }
0x448: {  	[tilespmem:$0x197E0] =	vst v1;
	v1 =	vadd.f32 v7, v4  }
0x449: {  	_ = 	snop  }
.Ltmp10:
0x44a: {  	s3 =	rddreg [dreg:$0x15];
	s4 =	simm.s32 $0x19400;
	[tilespmem:$0x197F0] =	vst v1;
	(pc) =	sbr.rel .LBB2_16-.Ltmp10, $4  }
0x44b: {  	[hbm4b:s3+s13] =	stream.linear.scatter [tilespmem:s4], [sflag:$0x9], $0x400, $0x38;
	[tilespmem:$0x1EB00] =	vst v63  }
0x44c: {  	_ =	swait.ge [sflag:s9], $0x400  }
0x44d: {  	[sflag:s9] =	ssyncset.done $0x0  }
0x44e: {  	s4 =	rddreg [dreg:$0x1f];
	[sflag:s9] =	ssyncadd.s32 $0xFFFFFC00  }
.LBB2_17:
0x44f: {  	_ =	sfence.sel $0x180000  }
0x450: {  	[bflag:$0x0] =	sbarrier.arrive $0xFFFF  }
0x451: {  	_ =	strace $0x90000047  }
0x452: {  	s0 =	stileid.u32;
	[bflag:$0x2] =	sbarrier.arrive $0xFFFF  }
0x453: {  	p0 =	sne.s32 s0, $0x0;
	s0 =	rddreg [dreg:$0x5]  }
0x454: {  	s0 =	sadd.s32 @!p0 $0x100000, s0  }
0x455: {  	[sflag:s0] =	ssyncadd.tile.s32 @!p0 $0x1;
	_ =	shalt  }
.Lfunc_end2:
_tile_overlayer_lowered:
.L_overlay_start_2:
0x456: {  	(tag) =	ssettag $0x2  }
0x457: {  	s0 =	rddreg [dreg:$0x0];
	s2 =	stileid.u32  }
0x458: {  	s1 =	rddreg [dreg:$0x1];
	p0 =	sne.s32 s2, $0x0  }
0x459: {  	s3 =	rddreg [dreg:$0x2];
	[bflag:$0x3] =	sbarrier.arrive $0xFFFF;
	s2 =	simm.s32 @!p0 $0x1C09  }
0x45a: {  	[timem:s3], [sflag:s2] =	dma.local @!p0 [hbm:s0], s1  }
0x45b: {  	s0 =	simm.s32 @!p0 $0x9  }
0x45c: {  	_ =	swait.ge @!p0 [sflag:s0], s1  }
0x45d: {  	s1 =	ssub.s32 @!p0 $0x0, s1;
	[sflag:s0] =	ssyncset.done @!p0 $0x0  }
0x45e: {  	[sflag:s0] =	ssyncadd.s32 @!p0 s1  }
0x45f: {  	[bflag:$0x3] =	sbarrier.arrive $0xFFFF  }
0x460: {  	_ =	shalt  }

</sc_bundles>
